<compile_context>
chip_gen: v7x
topology: tpu7x:2x2x1
jax: 0.10.2.dev20260603
libtpu: 0.0.44.dev20260713+nightly
codegen_flags: <defaults>
</compile_context>

<pallas_src>
import functools

import numpy as np
import jax
import jax.numpy as jnp
from jax import lax
from jax.experimental import pallas as pl
from jax.experimental.pallas import tpu as pltpu
from jax.experimental.pallas import tpu_sc as plsc

H = 16
DH = 64
CAP = 1024

_FR = np.exp(np.linspace(0.0, -1.0, DH // 2) * np.log(10000.0)).astype(np.float32)
_FREQ_ROW = np.tile(np.concatenate([_FR, _FR]), H)[None, :]
_SIN_SEL = np.tile(
    np.concatenate([np.ones(DH // 2, np.float32), np.zeros(DH // 2, np.float32)]), H
)[None, :]


def _router_body(q_ref, w_ref, o_ref):
    o_ref[...] = jnp.dot(q_ref[...], w_ref[...], preferred_element_type=jnp.float32)


def _router(q2, w_router_t):
    R, D = q2.shape
    blk = 1024
    return pl.pallas_call(
        _router_body,
        grid=(R // blk,),
        in_specs=[
            pl.BlockSpec((blk, D), lambda i: (i, 0)),
            pl.BlockSpec((D, 1), lambda i: (0, 0)),
        ],
        out_specs=pl.BlockSpec((blk, 1), lambda i: (i, 0)),
        out_shape=jax.ShapeDtypeStruct((R, 1), jnp.float32),
    )(q2, w_router_t)


def _proj_body(x_ref, wt_ref, o_ref):
    o_ref[...] = jnp.dot(x_ref[...], wt_ref[...], preferred_element_type=jnp.float32)


def _proj(x, wt):
    R, D = x.shape
    N = wt.shape[1]
    blk = 512
    return pl.pallas_call(
        _proj_body,
        grid=(R // blk,),
        in_specs=[
            pl.BlockSpec((blk, D), lambda i: (i, 0)),
            pl.BlockSpec((D, N), lambda i: (0, 0)),
        ],
        out_specs=pl.BlockSpec((blk, N), lambda i: (i, 0)),
        out_shape=jax.ShapeDtypeStruct((R, N), jnp.float32),
    )(x, wt)


def _proj_rope_body(x_ref, wt_ref, pos_ref, freq_ref, sel_ref, o_ref):
    y = jnp.dot(x_ref[...], wt_ref[...], preferred_element_type=jnp.float32)
    ang = pos_ref[...] * freq_ref[...]
    rot = jnp.where(sel_ref[...] != 0.0, jnp.sin(ang), jnp.cos(ang))
    o_ref[...] = y * rot


def _proj_rope(x, wt, posf):
    R, D = x.shape
    N = wt.shape[1]
    blk = 512
    return pl.pallas_call(
        _proj_rope_body,
        grid=(R // blk,),
        in_specs=[
            pl.BlockSpec((blk, D), lambda i: (i, 0)),
            pl.BlockSpec((D, N), lambda i: (0, 0)),
            pl.BlockSpec((blk, 1), lambda i: (i, 0)),
            pl.BlockSpec((1, N), lambda i: (0, 0)),
            pl.BlockSpec((1, N), lambda i: (0, 0)),
        ],
        out_specs=pl.BlockSpec((blk, N), lambda i: (i, 0)),
        out_shape=jax.ShapeDtypeStruct((R, N), jnp.float32),
    )(x, wt, posf, jnp.asarray(_FREQ_ROW), jnp.asarray(_SIN_SEL))


def _rottab_body(freq_ref, sel_ref, o_ref, *, V):
    pos = lax.broadcasted_iota(jnp.int32, (V, DH), 0).astype(jnp.float32)
    ang = pos * freq_ref[...]
    o_ref[...] = jnp.where(sel_ref[...] != 0.0, jnp.sin(ang), jnp.cos(ang))


def _rottab(V):
    freq = jnp.asarray(_FREQ_ROW[:, :DH])
    sel = jnp.asarray(_SIN_SEL[:, :DH])
    body = functools.partial(_rottab_body, V=V)
    return pl.pallas_call(
        body,
        grid=(1,),
        in_specs=[
            pl.BlockSpec((1, DH), lambda i: (0, 0)),
            pl.BlockSpec((1, DH), lambda i: (0, 0)),
        ],
        out_specs=pl.BlockSpec((V, DH), lambda i: (0, 0)),
        out_shape=jax.ShapeDtypeStruct((V, DH), jnp.float32),
    )(freq, sel)


def _proj_rot_body(x_ref, wt_ref, rot_ref, o_ref):
    y = jnp.dot(x_ref[...], wt_ref[...], preferred_element_type=jnp.float32)
    rot = jnp.concatenate([rot_ref[...]] * H, axis=1)
    o_ref[...] = y * rot


def _proj_rot(x, wt, rot):
    R, D = x.shape
    N = wt.shape[1]
    blk = 512
    return pl.pallas_call(
        _proj_rot_body,
        grid=(R // blk,),
        in_specs=[
            pl.BlockSpec((blk, D), lambda i: (i, 0)),
            pl.BlockSpec((D, N), lambda i: (0, 0)),
            pl.BlockSpec((blk, DH), lambda i: (i, 0)),
        ],
        out_specs=pl.BlockSpec((blk, N), lambda i: (i, 0)),
        out_shape=jax.ShapeDtypeStruct((R, N), jnp.float32),
    )(x, wt, rot)


_QB = 512
_KC = 1024


def _attn_body(q_ref, k_ref, v_ref, o_ref, l_ref, acc_ref, *, nv):
    j = pl.program_id(2)

    @pl.when(j == 0)
    def _init():
        l_ref[...] = jnp.zeros((_QB, H), dtype=jnp.float32)
        acc_ref[...] = jnp.zeros((_QB, H * DH), dtype=jnp.float32)

    scale = np.float32(1.0 / np.sqrt(DH))
    for h in range(H):
        sl = pl.ds(h * DH, DH)
        qh = q_ref[:, sl] * scale
        kh = k_ref[:, sl]
        s = lax.dot_general(
            qh, kh, (((1,), (1,)), ((), ())), preferred_element_type=jnp.float32
        )
        p = jnp.exp(s)
        l_ref[:, pl.ds(h, 1)] = l_ref[:, pl.ds(h, 1)] + jnp.sum(
            p, axis=1, keepdims=True
        )
        acc_ref[:, sl] = acc_ref[:, sl] + jnp.dot(
            p, v_ref[:, sl], preferred_element_type=jnp.float32
        )

    @pl.when(j == nv - 1)
    def _fin():
        for h in range(H):
            sl = pl.ds(h * DH, DH)
            o_ref[:, sl] = acc_ref[:, sl] * (1.0 / l_ref[:, pl.ds(h, 1)])


def _attn(q2, k2, v2, B, V):
    nq = CAP // _QB
    nv = V // _KC
    body = functools.partial(_attn_body, nv=nv)
    return pl.pallas_call(
        body,
        grid=(B, nq, nv),
        in_specs=[
            pl.BlockSpec((_QB, H * DH), lambda b, i, j: (b * nq + i, 0)),
            pl.BlockSpec((_KC, H * DH), lambda b, i, j: (b * nv + j, 0)),
            pl.BlockSpec((_KC, H * DH), lambda b, i, j: (b * nv + j, 0)),
        ],
        out_specs=pl.BlockSpec((_QB, H * DH), lambda b, i, j: (b * nq + i, 0)),
        out_shape=jax.ShapeDtypeStruct((B * CAP, H * DH), jnp.float32),
        scratch_shapes=[
            pltpu.VMEM((_QB, H), jnp.float32),
            pltpu.VMEM((_QB, H * DH), jnp.float32),
        ],
    )(q2, k2, v2)


def _outproj_body(x_ref, wt_ref, tv_ref, o_ref):
    y = jnp.dot(x_ref[...], wt_ref[...], preferred_element_type=jnp.float32)
    o_ref[...] = y * tv_ref[...]


def _outproj(x, wt, tv):
    R, N = x.shape
    D = wt.shape[1]
    blk = 512
    return pl.pallas_call(
        _outproj_body,
        grid=(R // blk,),
        in_specs=[
            pl.BlockSpec((blk, N), lambda i: (i, 0)),
            pl.BlockSpec((N, D), lambda i: (0, 0)),
            pl.BlockSpec((blk, 1), lambda i: (i, 0)),
        ],
        out_specs=pl.BlockSpec((blk, D), lambda i: (i, 0)),
        out_shape=jax.ShapeDtypeStruct((R, D), jnp.float32),
    )(x, wt, tv)


_NC, _NS = 2, 16
_NW = _NC * _NS


_CH = 512


def _topk_body(rw_ref, rwt_ref, triu_ref, ihi_ref, ilo_ref, gi_ref, tv_ref, *, Q):
    x = rw_ref[...].reshape(1, Q)
    bint = lax.bitcast_convert_type(x, jnp.int32)
    keys = jnp.where(bint < 0, bint ^ jnp.int32(0x7FFFFFFF), bint)
    cnt0 = jnp.sum((keys >= 0).astype(jnp.float32))
    t = jnp.where(
        cnt0 >= CAP,
        jnp.zeros((1, 1), jnp.int32),
        jnp.full((1, 1), -2147483648, jnp.int32),
    )
    step = 1 << 30
    for _ in range(31):
        cand = t + step
        cnt = jnp.sum((keys >= cand).astype(jnp.float32))
        t = jnp.where(cnt >= CAP, cand, t)
        step //= 2
    gtf = (keys > t).astype(jnp.float32)
    eqf = (keys == t).astype(jnp.float32)
    nk = Q // _CH
    triu = triu_ref[...]

    def prefix(f):
        chunks, carry = [], jnp.zeros((1, 1), jnp.float32)
        for k in range(nk):
            pk = (
                jnp.dot(
                    f[:, k * _CH : (k + 1) * _CH],
                    triu,
                    preferred_element_type=jnp.float32,
                )
                + carry
            )
            chunks.append(pk)
            carry = pk[:, _CH - 1 : _CH]
        return chunks, carry

    _, ngt = prefix(gtf)
    eqp, _ = prefix(eqf)
    r_need = CAP - ngt
    self_chunks = []
    for k in range(nk):
        ek = eqf[:, k * _CH : (k + 1) * _CH]
        self_chunks.append(
            gtf[:, k * _CH : (k + 1) * _CH]
            + ek * (eqp[k] <= r_need).astype(jnp.float32)
        )
    selp, carry = prefix(jnp.concatenate(self_chunks, axis=1))
    riota = (
        lax.broadcasted_iota(jnp.int32, (CAP, _CH), 0).astype(jnp.float32) + 1.0
    )
    rwt = rwt_ref[...].reshape(Q, 1)
    s1 = rwt.astype(jnp.bfloat16).astype(jnp.float32)
    s2 = (rwt - s1).astype(jnp.bfloat16).astype(jnp.float32)
    s3 = rwt - s1 - s2
    gacc = jnp.zeros((CAP, 1), jnp.float32)
    tacc = jnp.zeros((CAP, 1), jnp.float32)
    for k in range(nk):
        oh = (selp[k] == riota).astype(jnp.float32) * self_chunks[k]
        lo, hi = k * _CH, (k + 1) * _CH
        gacc = gacc + 64.0 * jnp.dot(
            oh, ihi_ref[lo:hi, :], preferred_element_type=jnp.float32
        )
        gacc = gacc + jnp.dot(
            oh, ilo_ref[lo:hi, :], preferred_element_type=jnp.float32
        )
        for spart in (s1, s2, s3):
            tacc = tacc + jnp.dot(
                oh, spart[lo:hi, :], preferred_element_type=jnp.float32
            )
    gi_ref[...] = gacc.astype(jnp.int32)
    tv_ref[...] = tacc


def _tc_topk(rw1, B, Q):
    rw3 = rw1.reshape(B, 1, Q)
    rwt3 = rw1.reshape(B, Q, 1)
    triu = jnp.asarray(np.triu(np.ones((_CH, _CH), np.float32)))
    ii = np.arange(Q)
    ihi = jnp.asarray((ii // 64).astype(np.float32).reshape(Q, 1))
    ilo = jnp.asarray((ii % 64).astype(np.float32).reshape(Q, 1))
    body = functools.partial(_topk_body, Q=Q)
    return pl.pallas_call(
        body,
        grid=(B,),
        in_specs=[
            pl.BlockSpec((1, 1, Q), lambda b: (b, 0, 0)),
            pl.BlockSpec((1, Q, 1), lambda b: (b, 0, 0)),
            pl.BlockSpec((_CH, _CH), lambda b: (0, 0)),
            pl.BlockSpec((Q, 1), lambda b: (0, 0)),
            pl.BlockSpec((Q, 1), lambda b: (0, 0)),
        ],
        out_specs=[
            pl.BlockSpec((CAP, 1), lambda b: (b, 0)),
            pl.BlockSpec((CAP, 1), lambda b: (b, 0)),
        ],
        out_shape=[
            jax.ShapeDtypeStruct((B * CAP, 1), jnp.int32),
            jax.ShapeDtypeStruct((B * CAP, 1), jnp.float32),
        ],
    )(rw3, rwt3, triu, ihi, ilo)


def _sc_gather(table, gidx):
    Rt, D = table.shape
    N = gidx.shape[0]
    per = N // _NW
    mesh = plsc.VectorSubcoreMesh(core_axis_name="c", subcore_axis_name="s")

    @functools.partial(
        pl.kernel,
        mesh=mesh,
        out_type=jax.ShapeDtypeStruct((N, D), jnp.float32),
        scratch_types=[
            pltpu.VMEM((per,), jnp.int32),
            pltpu.VMEM((per, D), jnp.float32),
            pltpu.SemaphoreType.DMA,
        ],
    )
    def k(table_hbm, idx_hbm, out_hbm, idx_v, rows_v, sem):
        wid = lax.axis_index("s") * _NC + lax.axis_index("c")
        base = wid * per
        pltpu.sync_copy(idx_hbm.at[pl.ds(base, per)], idx_v)
        pltpu.async_copy(table_hbm.at[idx_v], rows_v, sem).wait()
        pltpu.sync_copy(rows_v, out_hbm.at[pl.ds(base, per)])

    return k(table, gidx)


def _sc_scatter(src, gidx, R, D):
    N = gidx.shape[0]
    zper = (R // _NC) // _NS
    per = N // _NW
    zrows = jnp.zeros((per, D), jnp.float32)
    mesh = plsc.VectorSubcoreMesh(core_axis_name="c", subcore_axis_name="s")

    @functools.partial(
        pl.kernel,
        mesh=mesh,
        out_type=jax.ShapeDtypeStruct((R, D), jnp.float32),
        scratch_types=[
            pltpu.VMEM((per,), jnp.int32),
            pltpu.VMEM((per, D), jnp.float32),
            pltpu.SemaphoreType.DMA,
        ],
    )
    def k(src_hbm, idx_hbm, zeros_hbm, out_hbm, idx_v, rows_v, sem):
        c = lax.axis_index("c")
        s = lax.axis_index("s")
        zbase = c * (R // _NC) + s * zper
        pltpu.sync_copy(zeros_hbm, rows_v)
        for j in range(zper // per):
            pltpu.sync_copy(rows_v, out_hbm.at[pl.ds(zbase + j * per, per)])
        plsc.subcore_barrier()
        gbase = c * (N // _NC) + s * per
        pltpu.sync_copy(idx_hbm.at[pl.ds(gbase, per)], idx_v)
        pltpu.sync_copy(src_hbm.at[pl.ds(gbase, per)], rows_v)
        pltpu.async_copy(rows_v, out_hbm.at[idx_v], sem).wait()

    return k(src, gidx, zrows)


def kernel(query_seq, value_seq, W_router, W_q, W_kv, W_out):
    B, Q, D = query_seq.shape
    V = value_seq.shape[1]
    q2 = query_seq.reshape(B * Q, D)
    v2 = value_seq.reshape(B * V, D)

    rw = _router(q2, W_router.T)
    lidx, tvals = _tc_topk(rw.reshape(-1), B, Q)
    gidx = (
        lidx.reshape(-1) + jnp.repeat(jnp.arange(B, dtype=jnp.int32), CAP) * Q
    )
    resampled = _sc_gather(q2, gidx)

    qposf = lidx.astype(jnp.float32)

    rtab = _rottab(V)
    kp = _proj_rot(v2, W_kv[: H * DH].T, jnp.tile(rtab, (B, 1)))
    vp = _proj(v2, W_kv[H * DH :].T)
    qp = _proj_rope(resampled, W_q.T, qposf)

    att = _attn(qp, kp, vp, B, V)
    src = _outproj(att, W_out.T, tvals.reshape(-1, 1))

    out2 = _sc_scatter(src, gidx, B * Q, D)
    return out2.reshape(B, Q, D)

# --- scband reference (transcript-rebuilt; emitter-appended) ---
"""Pipeline reference for scband-capacitive-mha-2181843387016 (READ-ONLY COPY).

The authoritative reference and input builder live on the scoring server;
editing this copy changes nothing except your own understanding.
"""

import jax, jax.numpy as jnp
import numpy as np

NUM_HEADS = 16
EMB_DIM = 64  # 1024 // 16
CAPACITY = 1024


def _rope_mult(x, positions, dim):
    # freqs: exp(linspace(0,-1,dim/2)*log(10000)) -> shape [1, dim/2]
    freqs = jnp.exp(jnp.linspace(0.0, -1.0, dim // 2) * jnp.log(jnp.asarray(10000.0)))[None, :]
    pos = positions.astype(freqs.dtype)[..., None]  # (..., seq, 1)
    angles = pos @ freqs  # (..., seq, dim/2)
    rot = jnp.concatenate([jnp.sin(angles), jnp.cos(angles)], axis=-1)  # (..., seq, dim)
    return x * rot


def setup_inputs(seed: int = 0) -> dict:
    key = jax.random.key(seed)
    k1, k2, k3, k4, k5, k6 = jax.random.split(key, 6)
    B, Q, V, D = 2, 4096, 4096, 1024
    query_seq = jax.random.normal(k1, (B, Q, D), dtype=jnp.float32)
    value_seq = jax.random.normal(k2, (B, V, D), dtype=jnp.float32)
    W_router = jax.random.normal(k3, (1, D), dtype=jnp.float32) * 0.02
    W_q = jax.random.normal(k4, (NUM_HEADS * EMB_DIM, D), dtype=jnp.float32) * 0.02
    W_kv = jax.random.normal(k5, (NUM_HEADS * EMB_DIM * 2, D), dtype=jnp.float32) * 0.02
    W_out = jax.random.normal(k6, (D, NUM_HEADS * EMB_DIM), dtype=jnp.float32) * 0.02
    return {"query_seq": query_seq, "value_seq": value_seq, "W_router": W_router,
            "W_q": W_q, "W_kv": W_kv, "W_out": W_out}


def reference(query_seq, value_seq, W_router, W_q, W_kv, W_out):
    B, Q, D = query_seq.shape
    H, Dh, C = NUM_HEADS, EMB_DIM, CAPACITY
    # router + top-k token selection
    router_weights = (query_seq @ W_router.T).astype(jnp.float32)  # [B, Q, 1]
    top_vals, top_idx = jax.lax.top_k(router_weights[..., 0], C)  # [B, C]
    resampled = jnp.take_along_axis(query_seq, top_idx[..., None], axis=1)  # [B, C, D]
    q = resampled @ W_q.T  # [B, C, H*Dh]
    kv = value_seq @ W_kv.T  # [B, V, 2*H*Dh]
    k, v = jnp.split(kv, 2, axis=-1)

    def split_heads(t):
        b, s, _ = t.shape
        return t.reshape(b, s, H, Dh).transpose(0, 2, 1, 3)

    q = split_heads(q)  # [B, H, C, Dh]
    k = split_heads(k)  # [B, H, V, Dh]
    v = split_heads(v)
    # rotary (multiplicative, as in the torch module)
    q_pos = top_idx[:, None, :]  # [B, 1, C]
    q = _rope_mult(q, q_pos, Dh)
    k_pos = jnp.arange(k.shape[2])[None, :]  # [1, V]
    k = _rope_mult(k, k_pos, Dh)
    # scaled dot product attention (no mask)
    scale = 1.0 / jnp.sqrt(jnp.asarray(Dh, dtype=q.dtype))
    logits = jnp.einsum('bhqd,bhkd->bhqk', q, k) * scale
    probs = jax.nn.softmax(logits, axis=-1)
    att = jnp.einsum('bhqk,bhkd->bhqd', probs, v)  # [B, H, C, Dh]
    att = att.transpose(0, 2, 1, 3).reshape(B, C, H * Dh)
    att = att @ W_out.T  # [B, C, D]
    src = att * top_vals[..., None]
    b_idx = jnp.arange(B)[:, None]
    output = jnp.zeros_like(query_seq).at[b_idx, top_idx].set(src)
    return output

if __name__ == "__main__":
    import jax
    _d = setup_inputs()
    print(jax.jit(kernel)(*tuple(_d.values())))

</pallas_src>

<mosaic_0001>
#map = affine_map<(d0, d1) -> (0, 0)>
#map1 = affine_map<(d0, d1) -> (0)>
module attributes {stable_mosaic.version = 14 : i64} {
  func.func @k(%arg0: i32, %arg1: i32, %arg2: memref<2048x1024xf32, #tpu.memory_space<hbm>>, %arg3: memref<2048xi32, #tpu.memory_space<hbm>>, %arg4: memref<64x1024xf32, #tpu.memory_space<hbm>>, %arg5: memref<8192x1024xf32, #tpu.memory_space<hbm>>, %arg6: memref<64xi32, #tpu.memory_space<vmem>>, %arg7: memref<64x1024xf32, #tpu.memory_space<vmem>>, %arg8: memref<!tpu.dma_semaphore, #tpu.memory_space<semaphore_mem>>) attributes {dimension_semantics = [#tpu.dimension_semantics<core_parallel>, #tpu.dimension_semantics<subcore_parallel>], iteration_bounds = array<i64: 2, 16>, scalar_prefetch = 0 : i64, scratch_operands = 3 : i64, tpu.core_type = #tpu.core_type<sc_vector_subcore>, window_params = [{transform_indices = #map}, {transform_indices = #map1}, {transform_indices = #map}, {transform_indices = #map}]} {
    %mul3A = arith.constant 4096 : i32
    %mul3A_0 = arith.muli %arg0, %mul3A : i32
    %mul3A_1 = arith.constant 256 : i32
    %mul3A_2 = arith.muli %arg1, %mul3A_1 : i32
    %add3A = arith.addi %mul3A_0, %mul3A_2 : i32
    "tpu.region"() ({
      %run_scoped3A = tpu.sem_alloc : memref<!tpu.dma_semaphore, #tpu.memory_space<semaphore_mem>>
      tpu.enqueue_dma source(%arg4 : memref<64x1024xf32, #tpu.memory_space<hbm>>) target(%arg7 : memref<64x1024xf32, #tpu.memory_space<vmem>>) target_semaphore(%run_scoped3A : memref<!tpu.dma_semaphore, #tpu.memory_space<semaphore_mem>>)
      tpu.wait_dma2 semaphore(%run_scoped3A : memref<!tpu.dma_semaphore, #tpu.memory_space<semaphore_mem>>) src(%arg4 : memref<64x1024xf32, #tpu.memory_space<hbm>>) dst(%arg7 : memref<64x1024xf32, #tpu.memory_space<vmem>>)
      tpu.yield
    }) : () -> ()
    %add3A_3 = arith.constant 0 : i32
    %add3A_4 = arith.addi %add3A, %add3A_3 : i32
    "tpu.region"() ({
      %run_scoped3A = tpu.sem_alloc : memref<!tpu.dma_semaphore, #tpu.memory_space<semaphore_mem>>
      %dma_start3A_20 = arith.constant 0 : i32
      %dma_start3A_21 = tpu.memref_slice %arg5[%add3A_4, %dma_start3A_20] : memref<8192x1024xf32, #tpu.memory_space<hbm>> -> memref<64x1024xf32, #tpu.memory_space<hbm>>
      %dma_start3A_22 = arith.constant 0 : i32
      %dma_start3A_23 = tpu.memref_slice %arg5[%add3A_4, %dma_start3A_22] : memref<8192x1024xf32, #tpu.memory_space<hbm>> -> memref<64x1024xf32, #tpu.memory_space<hbm>>
      tpu.enqueue_dma source(%arg7 : memref<64x1024xf32, #tpu.memory_space<vmem>>) target(%dma_start3A_23 : memref<64x1024xf32, #tpu.memory_space<hbm>>) target_semaphore(%run_scoped3A : memref<!tpu.dma_semaphore, #tpu.memory_space<semaphore_mem>>)
      %dma_wait3A_24 = arith.constant 0 : i32
      %dma_wait3A_25 = tpu.memref_slice %arg5[%add3A_4, %dma_wait3A_24] : memref<8192x1024xf32, #tpu.memory_space<hbm>> -> memref<64x1024xf32, #tpu.memory_space<hbm>>
      %dma_wait3A_26 = arith.constant 0 : i32
      %dma_wait3A_27 = tpu.memref_slice %arg5[%add3A_4, %dma_wait3A_26] : memref<8192x1024xf32, #tpu.memory_space<hbm>> -> memref<64x1024xf32, #tpu.memory_space<hbm>>
      tpu.wait_dma2 semaphore(%run_scoped3A : memref<!tpu.dma_semaphore, #tpu.memory_space<semaphore_mem>>) src(%arg7 : memref<64x1024xf32, #tpu.memory_space<vmem>>) dst(%dma_wait3A_27 : memref<64x1024xf32, #tpu.memory_space<hbm>>)
      tpu.yield
    }) : () -> ()
    %add3A_5 = arith.constant 64 : i32
    %add3A_6 = arith.addi %add3A, %add3A_5 : i32
    "tpu.region"() ({
      %run_scoped3A = tpu.sem_alloc : memref<!tpu.dma_semaphore, #tpu.memory_space<semaphore_mem>>
      %dma_start3A_20 = arith.constant 0 : i32
      %dma_start3A_21 = tpu.memref_slice %arg5[%add3A_6, %dma_start3A_20] : memref<8192x1024xf32, #tpu.memory_space<hbm>> -> memref<64x1024xf32, #tpu.memory_space<hbm>>
      %dma_start3A_22 = arith.constant 0 : i32
      %dma_start3A_23 = tpu.memref_slice %arg5[%add3A_6, %dma_start3A_22] : memref<8192x1024xf32, #tpu.memory_space<hbm>> -> memref<64x1024xf32, #tpu.memory_space<hbm>>
      tpu.enqueue_dma source(%arg7 : memref<64x1024xf32, #tpu.memory_space<vmem>>) target(%dma_start3A_23 : memref<64x1024xf32, #tpu.memory_space<hbm>>) target_semaphore(%run_scoped3A : memref<!tpu.dma_semaphore, #tpu.memory_space<semaphore_mem>>)
      %dma_wait3A_24 = arith.constant 0 : i32
      %dma_wait3A_25 = tpu.memref_slice %arg5[%add3A_6, %dma_wait3A_24] : memref<8192x1024xf32, #tpu.memory_space<hbm>> -> memref<64x1024xf32, #tpu.memory_space<hbm>>
      %dma_wait3A_26 = arith.constant 0 : i32
      %dma_wait3A_27 = tpu.memref_slice %arg5[%add3A_6, %dma_wait3A_26] : memref<8192x1024xf32, #tpu.memory_space<hbm>> -> memref<64x1024xf32, #tpu.memory_space<hbm>>
      tpu.wait_dma2 semaphore(%run_scoped3A : memref<!tpu.dma_semaphore, #tpu.memory_space<semaphore_mem>>) src(%arg7 : memref<64x1024xf32, #tpu.memory_space<vmem>>) dst(%dma_wait3A_27 : memref<64x1024xf32, #tpu.memory_space<hbm>>)
      tpu.yield
    }) : () -> ()
    %add3A_7 = arith.constant 128 : i32
    %add3A_8 = arith.addi %add3A, %add3A_7 : i32
    "tpu.region"() ({
      %run_scoped3A = tpu.sem_alloc : memref<!tpu.dma_semaphore, #tpu.memory_space<semaphore_mem>>
      %dma_start3A_20 = arith.constant 0 : i32
      %dma_start3A_21 = tpu.memref_slice %arg5[%add3A_8, %dma_start3A_20] : memref<8192x1024xf32, #tpu.memory_space<hbm>> -> memref<64x1024xf32, #tpu.memory_space<hbm>>
      %dma_start3A_22 = arith.constant 0 : i32
      %dma_start3A_23 = tpu.memref_slice %arg5[%add3A_8, %dma_start3A_22] : memref<8192x1024xf32, #tpu.memory_space<hbm>> -> memref<64x1024xf32, #tpu.memory_space<hbm>>
      tpu.enqueue_dma source(%arg7 : memref<64x1024xf32, #tpu.memory_space<vmem>>) target(%dma_start3A_23 : memref<64x1024xf32, #tpu.memory_space<hbm>>) target_semaphore(%run_scoped3A : memref<!tpu.dma_semaphore, #tpu.memory_space<semaphore_mem>>)
      %dma_wait3A_24 = arith.constant 0 : i32
      %dma_wait3A_25 = tpu.memref_slice %arg5[%add3A_8, %dma_wait3A_24] : memref<8192x1024xf32, #tpu.memory_space<hbm>> -> memref<64x1024xf32, #tpu.memory_space<hbm>>
      %dma_wait3A_26 = arith.constant 0 : i32
      %dma_wait3A_27 = tpu.memref_slice %arg5[%add3A_8, %dma_wait3A_26] : memref<8192x1024xf32, #tpu.memory_space<hbm>> -> memref<64x1024xf32, #tpu.memory_space<hbm>>
      tpu.wait_dma2 semaphore(%run_scoped3A : memref<!tpu.dma_semaphore, #tpu.memory_space<semaphore_mem>>) src(%arg7 : memref<64x1024xf32, #tpu.memory_space<vmem>>) dst(%dma_wait3A_27 : memref<64x1024xf32, #tpu.memory_space<hbm>>)
      tpu.yield
    }) : () -> ()
    %add3A_9 = arith.constant 192 : i32
    %add3A_10 = arith.addi %add3A, %add3A_9 : i32
    "tpu.region"() ({
      %run_scoped3A = tpu.sem_alloc : memref<!tpu.dma_semaphore, #tpu.memory_space<semaphore_mem>>
      %dma_start3A_20 = arith.constant 0 : i32
      %dma_start3A_21 = tpu.memref_slice %arg5[%add3A_10, %dma_start3A_20] : memref<8192x1024xf32, #tpu.memory_space<hbm>> -> memref<64x1024xf32, #tpu.memory_space<hbm>>
      %dma_start3A_22 = arith.constant 0 : i32
      %dma_start3A_23 = tpu.memref_slice %arg5[%add3A_10, %dma_start3A_22] : memref<8192x1024xf32, #tpu.memory_space<hbm>> -> memref<64x1024xf32, #tpu.memory_space<hbm>>
      tpu.enqueue_dma source(%arg7 : memref<64x1024xf32, #tpu.memory_space<vmem>>) target(%dma_start3A_23 : memref<64x1024xf32, #tpu.memory_space<hbm>>) target_semaphore(%run_scoped3A : memref<!tpu.dma_semaphore, #tpu.memory_space<semaphore_mem>>)
      %dma_wait3A_24 = arith.constant 0 : i32
      %dma_wait3A_25 = tpu.memref_slice %arg5[%add3A_10, %dma_wait3A_24] : memref<8192x1024xf32, #tpu.memory_space<hbm>> -> memref<64x1024xf32, #tpu.memory_space<hbm>>
      %dma_wait3A_26 = arith.constant 0 : i32
      %dma_wait3A_27 = tpu.memref_slice %arg5[%add3A_10, %dma_wait3A_26] : memref<8192x1024xf32, #tpu.memory_space<hbm>> -> memref<64x1024xf32, #tpu.memory_space<hbm>>
      tpu.wait_dma2 semaphore(%run_scoped3A : memref<!tpu.dma_semaphore, #tpu.memory_space<semaphore_mem>>) src(%arg7 : memref<64x1024xf32, #tpu.memory_space<vmem>>) dst(%dma_wait3A_27 : memref<64x1024xf32, #tpu.memory_space<hbm>>)
      tpu.yield
    }) : () -> ()
    %barrier3A = arith.constant 0 : index
    tpu.barrier barrier_id(%barrier3A)
    %mul3A_11 = arith.constant 1024 : i32
    %mul3A_12 = arith.muli %arg0, %mul3A_11 : i32
    %mul3A_13 = arith.constant 64 : i32
    %mul3A_14 = arith.muli %arg1, %mul3A_13 : i32
    %add3A_15 = arith.addi %mul3A_12, %mul3A_14 : i32
    "tpu.region"() ({
      %run_scoped3A = tpu.sem_alloc : memref<!tpu.dma_semaphore, #tpu.memory_space<semaphore_mem>>
      %dma_start3A_20 = tpu.memref_slice %arg3[%add3A_15] : memref<2048xi32, #tpu.memory_space<hbm>> -> memref<64xi32, #tpu.memory_space<hbm>>
      %dma_start3A_21 = tpu.memref_slice %arg3[%add3A_15] : memref<2048xi32, #tpu.memory_space<hbm>> -> memref<64xi32, #tpu.memory_space<hbm>>
      tpu.enqueue_dma source(%dma_start3A_21 : memref<64xi32, #tpu.memory_space<hbm>>) target(%arg6 : memref<64xi32, #tpu.memory_space<vmem>>) target_semaphore(%run_scoped3A : memref<!tpu.dma_semaphore, #tpu.memory_space<semaphore_mem>>)
      %dma_wait3A_22 = tpu.memref_slice %arg3[%add3A_15] : memref<2048xi32, #tpu.memory_space<hbm>> -> memref<64xi32, #tpu.memory_space<hbm>>
      %dma_wait3A_23 = tpu.memref_slice %arg3[%add3A_15] : memref<2048xi32, #tpu.memory_space<hbm>> -> memref<64xi32, #tpu.memory_space<hbm>>
      tpu.wait_dma2 semaphore(%run_scoped3A : memref<!tpu.dma_semaphore, #tpu.memory_space<semaphore_mem>>) src(%dma_wait3A_23 : memref<64xi32, #tpu.memory_space<hbm>>) dst(%arg6 : memref<64xi32, #tpu.memory_space<vmem>>)
      tpu.yield
    }) : () -> ()
    "tpu.region"() ({
      %run_scoped3A = tpu.sem_alloc : memref<!tpu.dma_semaphore, #tpu.memory_space<semaphore_mem>>
      %dma_start3A_20 = arith.constant 0 : i32
      %dma_start3A_21 = tpu.memref_slice %arg2[%add3A_15, %dma_start3A_20] : memref<2048x1024xf32, #tpu.memory_space<hbm>> -> memref<64x1024xf32, #tpu.memory_space<hbm>>
      %dma_start3A_22 = arith.constant 0 : i32
      %dma_start3A_23 = tpu.memref_slice %arg2[%add3A_15, %dma_start3A_22] : memref<2048x1024xf32, #tpu.memory_space<hbm>> -> memref<64x1024xf32, #tpu.memory_space<hbm>>
      tpu.enqueue_dma source(%dma_start3A_23 : memref<64x1024xf32, #tpu.memory_space<hbm>>) target(%arg7 : memref<64x1024xf32, #tpu.memory_space<vmem>>) target_semaphore(%run_scoped3A : memref<!tpu.dma_semaphore, #tpu.memory_space<semaphore_mem>>)
      %dma_wait3A_24 = arith.constant 0 : i32
      %dma_wait3A_25 = tpu.memref_slice %arg2[%add3A_15, %dma_wait3A_24] : memref<2048x1024xf32, #tpu.memory_space<hbm>> -> memref<64x1024xf32, #tpu.memory_space<hbm>>
      %dma_wait3A_26 = arith.constant 0 : i32
      %dma_wait3A_27 = tpu.memref_slice %arg2[%add3A_15, %dma_wait3A_26] : memref<2048x1024xf32, #tpu.memory_space<hbm>> -> memref<64x1024xf32, #tpu.memory_space<hbm>>
      tpu.wait_dma2 semaphore(%run_scoped3A : memref<!tpu.dma_semaphore, #tpu.memory_space<semaphore_mem>>) src(%dma_wait3A_27 : memref<64x1024xf32, #tpu.memory_space<hbm>>) dst(%arg7 : memref<64x1024xf32, #tpu.memory_space<vmem>>)
      tpu.yield
    }) : () -> ()
    %dma_start3A = arith.constant 0 : i32
    %dma_start3A_16 = arith.constant 0 : i32
    %dma_start3A_17 = tpu.memref_slice %arg5[%dma_start3A, %dma_start3A_16] : memref<8192x1024xf32, #tpu.memory_space<hbm>> -> memref<8192x1024xf32, #tpu.memory_space<hbm>>
    tpu.enqueue_indirect_dma source(%arg7 : memref<64x1024xf32, #tpu.memory_space<vmem>>) target(%dma_start3A_17 : memref<8192x1024xf32, #tpu.memory_space<hbm>>) offsets(%arg6 : memref<64xi32, #tpu.memory_space<vmem>>) semaphore(%arg8 : memref<!tpu.dma_semaphore, #tpu.memory_space<semaphore_mem>>)
    %dma_wait3A = arith.constant 0 : i32
    %dma_wait3A_18 = arith.constant 0 : i32
    %dma_wait3A_19 = tpu.memref_slice %arg5[%dma_wait3A, %dma_wait3A_18] : memref<8192x1024xf32, #tpu.memory_space<hbm>> -> memref<8192x1024xf32, #tpu.memory_space<hbm>>
    tpu.wait_indirect_dma semaphore(%arg8 : memref<!tpu.dma_semaphore, #tpu.memory_space<semaphore_mem>>) src(%arg7 : memref<64x1024xf32, #tpu.memory_space<vmem>>) dst(%dma_wait3A_19 : memref<8192x1024xf32, #tpu.memory_space<hbm>>)
    return
  }
}

#map = affine_map<(d0, d1) -> (0, 0)>
#map1 = affine_map<(d0, d1) -> (0)>
module attributes {stable_mosaic.version = 14 : i64} {
  func.func @k(%arg0: i32, %arg1: i32, %arg2: memref<8192x1024xf32, #tpu.memory_space<hbm>>, %arg3: memref<2048xi32, #tpu.memory_space<hbm>>, %arg4: memref<2048x1024xf32, #tpu.memory_space<hbm>>, %arg5: memref<64xi32, #tpu.memory_space<vmem>>, %arg6: memref<64x1024xf32, #tpu.memory_space<vmem>>, %arg7: memref<!tpu.dma_semaphore, #tpu.memory_space<semaphore_mem>>) attributes {dimension_semantics = [#tpu.dimension_semantics<core_parallel>, #tpu.dimension_semantics<subcore_parallel>], iteration_bounds = array<i64: 2, 16>, scalar_prefetch = 0 : i64, scratch_operands = 3 : i64, tpu.core_type = #tpu.core_type<sc_vector_subcore>, window_params = [{transform_indices = #map}, {transform_indices = #map1}, {transform_indices = #map}]} {
    %mul3A = arith.constant 2 : i32
    %mul3A_0 = arith.muli %arg1, %mul3A : i32
    %add3A = arith.addi %mul3A_0, %arg0 : i32
    %mul3A_1 = arith.constant 64 : i32
    %mul3A_2 = arith.muli %add3A, %mul3A_1 : i32
    "tpu.region"() ({
      %run_scoped3A = tpu.sem_alloc : memref<!tpu.dma_semaphore, #tpu.memory_space<semaphore_mem>>
      %dma_start3A_7 = tpu.memref_slice %arg3[%mul3A_2] : memref<2048xi32, #tpu.memory_space<hbm>> -> memref<64xi32, #tpu.memory_space<hbm>>
      %dma_start3A_8 = tpu.memref_slice %arg3[%mul3A_2] : memref<2048xi32, #tpu.memory_space<hbm>> -> memref<64xi32, #tpu.memory_space<hbm>>
      tpu.enqueue_dma source(%dma_start3A_8 : memref<64xi32, #tpu.memory_space<hbm>>) target(%arg5 : memref<64xi32, #tpu.memory_space<vmem>>) target_semaphore(%run_scoped3A : memref<!tpu.dma_semaphore, #tpu.memory_space<semaphore_mem>>)
      %dma_wait3A_9 = tpu.memref_slice %arg3[%mul3A_2] : memref<2048xi32, #tpu.memory_space<hbm>> -> memref<64xi32, #tpu.memory_space<hbm>>
      %dma_wait3A_10 = tpu.memref_slice %arg3[%mul3A_2] : memref<2048xi32, #tpu.memory_space<hbm>> -> memref<64xi32, #tpu.memory_space<hbm>>
      tpu.wait_dma2 semaphore(%run_scoped3A : memref<!tpu.dma_semaphore, #tpu.memory_space<semaphore_mem>>) src(%dma_wait3A_10 : memref<64xi32, #tpu.memory_space<hbm>>) dst(%arg5 : memref<64xi32, #tpu.memory_space<vmem>>)
      tpu.yield
    }) : () -> ()
    %dma_start3A = arith.constant 0 : i32
    %dma_start3A_3 = arith.constant 0 : i32
    %dma_start3A_4 = tpu.memref_slice %arg2[%dma_start3A, %dma_start3A_3] : memref<8192x1024xf32, #tpu.memory_space<hbm>> -> memref<8192x1024xf32, #tpu.memory_space<hbm>>
    tpu.enqueue_indirect_dma source(%dma_start3A_4 : memref<8192x1024xf32, #tpu.memory_space<hbm>>) target(%arg6 : memref<64x1024xf32, #tpu.memory_space<vmem>>) offsets(%arg5 : memref<64xi32, #tpu.memory_space<vmem>>) semaphore(%arg7 : memref<!tpu.dma_semaphore, #tpu.memory_space<semaphore_mem>>)
    %dma_wait3A = arith.constant 0 : i32
    %dma_wait3A_5 = arith.constant 0 : i32
    %dma_wait3A_6 = tpu.memref_slice %arg2[%dma_wait3A, %dma_wait3A_5] : memref<8192x1024xf32, #tpu.memory_space<hbm>> -> memref<8192x1024xf32, #tpu.memory_space<hbm>>
    tpu.wait_indirect_dma semaphore(%arg7 : memref<!tpu.dma_semaphore, #tpu.memory_space<semaphore_mem>>) src(%dma_wait3A_6 : memref<8192x1024xf32, #tpu.memory_space<hbm>>) dst(%arg6 : memref<64x1024xf32, #tpu.memory_space<vmem>>)
    "tpu.region"() ({
      %run_scoped3A = tpu.sem_alloc : memref<!tpu.dma_semaphore, #tpu.memory_space<semaphore_mem>>
      %dma_start3A_7 = arith.constant 0 : i32
      %dma_start3A_8 = tpu.memref_slice %arg4[%mul3A_2, %dma_start3A_7] : memref<2048x1024xf32, #tpu.memory_space<hbm>> -> memref<64x1024xf32, #tpu.memory_space<hbm>>
      %dma_start3A_9 = arith.constant 0 : i32
      %dma_start3A_10 = tpu.memref_slice %arg4[%mul3A_2, %dma_start3A_9] : memref<2048x1024xf32, #tpu.memory_space<hbm>> -> memref<64x1024xf32, #tpu.memory_space<hbm>>
      tpu.enqueue_dma source(%arg6 : memref<64x1024xf32, #tpu.memory_space<vmem>>) target(%dma_start3A_10 : memref<64x1024xf32, #tpu.memory_space<hbm>>) target_semaphore(%run_scoped3A : memref<!tpu.dma_semaphore, #tpu.memory_space<semaphore_mem>>)
      %dma_wait3A_11 = arith.constant 0 : i32
      %dma_wait3A_12 = tpu.memref_slice %arg4[%mul3A_2, %dma_wait3A_11] : memref<2048x1024xf32, #tpu.memory_space<hbm>> -> memref<64x1024xf32, #tpu.memory_space<hbm>>
      %dma_wait3A_13 = arith.constant 0 : i32
      %dma_wait3A_14 = tpu.memref_slice %arg4[%mul3A_2, %dma_wait3A_13] : memref<2048x1024xf32, #tpu.memory_space<hbm>> -> memref<64x1024xf32, #tpu.memory_space<hbm>>
      tpu.wait_dma2 semaphore(%run_scoped3A : memref<!tpu.dma_semaphore, #tpu.memory_space<semaphore_mem>>) src(%arg6 : memref<64x1024xf32, #tpu.memory_space<vmem>>) dst(%dma_wait3A_14 : memref<64x1024xf32, #tpu.memory_space<hbm>>)
      tpu.yield
    }) : () -> ()
    return
  }
}

module attributes {stable_mosaic.version = 14 : i64} {
  func.func @_router_body(%arg0: i32, %arg1: memref<1024x1024xf32, #tpu.memory_space<vmem>>, %arg2: memref<1024x1xf32, #tpu.memory_space<vmem>>, %arg3: memref<1024x1xf32, #tpu.memory_space<vmem>>) attributes {dimension_semantics = [#tpu.dimension_semantics<arbitrary>], iteration_bounds = array<i64: 8>, scalar_prefetch = 0 : i64, scratch_operands = 0 : i64, tpu.core_type = #tpu.core_type<tc>, window_params = [{transform_indices = @transform_0, window_bounds = array<i64: 1024, 1024>}, {pipeline_mode = #tpu.pipeline_mode<synchronous>, transform_indices = @transform_1, window_bounds = array<i64: 1024, 1>}, {transform_indices = @transform_2, window_bounds = array<i64: 1024, 1>}]} {
    %get3A = arith.constant 0 : index
    %get3A_0 = arith.constant 0 : index
    %get3A_1 = vector.load %arg1[%get3A, %get3A_0] : memref<1024x1024xf32, #tpu.memory_space<vmem>>, vector<1024x1024xf32>
    %get3A_2 = arith.constant 0 : index
    %get3A_3 = arith.constant 0 : index
    %get3A_4 = vector.load %arg2[%get3A_2, %get3A_3] : memref<1024x1xf32, #tpu.memory_space<vmem>>, vector<1024x1xf32>
    %dot_general3A = arith.constant dense<0.000000e+00> : vector<1024x1xf32>
    %dot_general3A_5 = tpu.matmul %get3A_1, %get3A_4, %dot_general3A {dimension_numbers = #tpu.dot_dimension_numbers<[1], [0], [0], [1], [0, 0, 1, 1], [], []>, transpose_lhs_hint = false} : vector<1024x1024xf32>, vector<1024x1xf32>, vector<1024x1xf32> -> vector<1024x1xf32>
    %swap3A = arith.constant 0 : index
    %swap3A_6 = arith.constant 0 : index
    %swap3A_7 = vector.load %arg3[%swap3A, %swap3A_6] : memref<1024x1xf32, #tpu.memory_space<vmem>>, vector<1024x1xf32>
    tpu.vector_store %arg3[%swap3A, %swap3A_6], %dot_general3A_5 {strides = array<i32>} : memref<1024x1xf32, #tpu.memory_space<vmem>>, vector<1024x1xf32>,
    return
  }
  func.func @transform_0(%arg0: i32) -> (i32, i32) {
    %c0_i32 = arith.constant 0 : i32
    %c0_i32_0 = arith.constant 0 : i32
    return %arg0, %c0_i32 : i32, i32
  }
  func.func @transform_1(%arg0: i32) -> (i32, i32) {
    %c0_i32 = arith.constant 0 : i32
    %c0_i32_0 = arith.constant 0 : i32
    %c0_i32_1 = arith.constant 0 : i32
    return %c0_i32, %c0_i32_0 : i32, i32
  }
  func.func @transform_2(%arg0: i32) -> (i32, i32) {
    %c0_i32 = arith.constant 0 : i32
    %c0_i32_0 = arith.constant 0 : i32
    return %arg0, %c0_i32 : i32, i32
  }
}

module attributes {stable_mosaic.version = 14 : i64} {
  func.func @_topk_body(%arg0: i32, %arg1: memref<1x1x4096xf32, #tpu.memory_space<vmem>>, %arg2: memref<1x4096x1xf32, #tpu.memory_space<vmem>>, %arg3: memref<512x512xf32, #tpu.memory_space<vmem>>, %arg4: memref<4096x1xf32, #tpu.memory_space<vmem>>, %arg5: memref<4096x1xf32, #tpu.memory_space<vmem>>, %arg6: memref<1024x1xi32, #tpu.memory_space<vmem>>, %arg7: memref<1024x1xf32, #tpu.memory_space<vmem>>) attributes {dimension_semantics = [#tpu.dimension_semantics<arbitrary>], iteration_bounds = array<i64: 2>, scalar_prefetch = 0 : i64, scratch_operands = 0 : i64, tpu.core_type = #tpu.core_type<tc>, window_params = [{transform_indices = @transform_0, window_bounds = array<i64: 1, 1, 4096>}, {transform_indices = @transform_1, window_bounds = array<i64: 1, 4096, 1>}, {pipeline_mode = #tpu.pipeline_mode<synchronous>, transform_indices = @transform_2, window_bounds = array<i64: 512, 512>}, {pipeline_mode = #tpu.pipeline_mode<synchronous>, transform_indices = @transform_3, window_bounds = array<i64: 4096, 1>}, {pipeline_mode = #tpu.pipeline_mode<synchronous>, transform_indices = @transform_4, window_bounds = array<i64: 4096, 1>}, {transform_indices = @transform_5, window_bounds = array<i64: 1024, 1>}, {transform_indices = @transform_6, window_bounds = array<i64: 1024, 1>}]} {
    %get3A = arith.constant 0 : index
    %get3A_0 = arith.constant 0 : index
    %get3A_1 = arith.constant 0 : index
    %get3A_2 = vector.load %arg1[%get3A, %get3A_0, %get3A_1] : memref<1x1x4096xf32, #tpu.memory_space<vmem>>, vector<1x1x4096xf32>
    %reshape3A = vector.shape_cast %get3A_2 : vector<1x1x4096xf32> to vector<1x4096xf32>
    %bitcast_convert_type3A = tpu.bitcast %reshape3A : vector<1x4096xf32> -> vector<1x4096xi32>
    %lt3A = arith.constant 0 : i32
    %lt3A_3 = vector.broadcast %lt3A : i32 to vector<1x4096xi32>
    %lt3A_4 = arith.cmpi slt, %bitcast_convert_type3A, %lt3A_3 : vector<1x4096xi32>
    %xor3A = arith.constant 2147483647 : i32
    %xor3A_5 = vector.broadcast %xor3A : i32 to vector<1x4096xi32>
    %xor3A_6 = arith.xori %bitcast_convert_type3A, %xor3A_5 : vector<1x4096xi32>
    %select_n3A = arith.select %lt3A_4, %xor3A_6, %bitcast_convert_type3A : vector<1x4096xi1>, vector<1x4096xi32>
    %ge3A = arith.constant 0 : i32
    %ge3A_7 = vector.broadcast %ge3A : i32 to vector<1x4096xi32>
    %ge3A_8 = arith.cmpi sge, %select_n3A, %ge3A_7 : vector<1x4096xi32>
    %convert_element_type3A = arith.extui %ge3A_8 : vector<1x4096xi1> to vector<1x4096xi32>
    %convert_element_type3A_9 = arith.sitofp %convert_element_type3A : vector<1x4096xi32> to vector<1x4096xf32>
    %reduce_sum3A = vector.shape_cast %convert_element_type3A_9 : vector<1x4096xf32> to vector<1x1x4096xf32>
    %reduce_sum3A_10 = arith.constant dense<0.000000e+00> : vector<1xf32>
    %reduce_sum3A_11 = vector.multi_reduction <add>, %reduce_sum3A, %reduce_sum3A_10 [1, 2] : vector<1x1x4096xf32> to vector<1xf32>
    %reduce_sum3A_12 = vector.shape_cast %reduce_sum3A_11 : vector<1xf32> to vector<1x1x1xf32>
    %reduce_sum3A_13 = vector.extract %reduce_sum3A_12[0, 0, 0] : f32 from vector<1x1x1xf32>
    %ge3A_14 = arith.constant 1.024000e+03 : f32
    %ge3A_15 = arith.cmpf oge, %reduce_sum3A_13, %ge3A_14 : f32
    %broadcast_in_dim3A = arith.constant 0 : i32
    %broadcast_in_dim3A_16 = vector.broadcast %broadcast_in_dim3A : i32 to vector<1x1xi32>
    %broadcast_in_dim3A_17 = arith.constant -2147483648 : i32
    %broadcast_in_dim3A_18 = vector.broadcast %broadcast_in_dim3A_17 : i32 to vector<1x1xi32>
    %select_n3A_19 = arith.select %ge3A_15, %broadcast_in_dim3A_16, %broadcast_in_dim3A_18 : vector<1x1xi32>
    %add3A = arith.constant 1073741824 : i32
    %add3A_20 = vector.broadcast %add3A : i32 to vector<1x1xi32>
    %add3A_21 = arith.addi %select_n3A_19, %add3A_20 : vector<1x1xi32>
    %ge3A_22 = vector.broadcast %add3A_21 : vector<1x1xi32> to vector<1x4096xi32>
    %ge3A_23 = arith.cmpi sge, %select_n3A, %ge3A_22 : vector<1x4096xi32>
    %convert_element_type3A_24 = arith.extui %ge3A_23 : vector<1x4096xi1> to vector<1x4096xi32>
    %convert_element_type3A_25 = arith.sitofp %convert_element_type3A_24 : vector<1x4096xi32> to vector<1x4096xf32>
    %reduce_sum3A_26 = vector.shape_cast %convert_element_type3A_25 : vector<1x4096xf32> to vector<1x1x4096xf32>
    %reduce_sum3A_27 = arith.constant dense<0.000000e+00> : vector<1xf32>
    %reduce_sum3A_28 = vector.multi_reduction <add>, %reduce_sum3A_26, %reduce_sum3A_27 [1, 2] : vector<1x1x4096xf32> to vector<1xf32>
    %reduce_sum3A_29 = vector.shape_cast %reduce_sum3A_28 : vector<1xf32> to vector<1x1x1xf32>
    %reduce_sum3A_30 = vector.extract %reduce_sum3A_29[0, 0, 0] : f32 from vector<1x1x1xf32>
    %ge3A_31 = arith.constant 1.024000e+03 : f32
    %ge3A_32 = arith.cmpf oge, %reduce_sum3A_30, %ge3A_31 : f32
    %select_n3A_33 = arith.select %ge3A_32, %add3A_21, %select_n3A_19 : vector<1x1xi32>
    %add3A_34 = arith.constant 536870912 : i32
    %add3A_35 = vector.broadcast %add3A_34 : i32 to vector<1x1xi32>
    %add3A_36 = arith.addi %select_n3A_33, %add3A_35 : vector<1x1xi32>
    %ge3A_37 = vector.broadcast %add3A_36 : vector<1x1xi32> to vector<1x4096xi32>
    %ge3A_38 = arith.cmpi sge, %select_n3A, %ge3A_37 : vector<1x4096xi32>
    %convert_element_type3A_39 = arith.extui %ge3A_38 : vector<1x4096xi1> to vector<1x4096xi32>
    %convert_element_type3A_40 = arith.sitofp %convert_element_type3A_39 : vector<1x4096xi32> to vector<1x4096xf32>
    %reduce_sum3A_41 = vector.shape_cast %convert_element_type3A_40 : vector<1x4096xf32> to vector<1x1x4096xf32>
    %reduce_sum3A_42 = arith.constant dense<0.000000e+00> : vector<1xf32>
    %reduce_sum3A_43 = vector.multi_reduction <add>, %reduce_sum3A_41, %reduce_sum3A_42 [1, 2] : vector<1x1x4096xf32> to vector<1xf32>
    %reduce_sum3A_44 = vector.shape_cast %reduce_sum3A_43 : vector<1xf32> to vector<1x1x1xf32>
    %reduce_sum3A_45 = vector.extract %reduce_sum3A_44[0, 0, 0] : f32 from vector<1x1x1xf32>
    %ge3A_46 = arith.constant 1.024000e+03 : f32
    %ge3A_47 = arith.cmpf oge, %reduce_sum3A_45, %ge3A_46 : f32
    %select_n3A_48 = arith.select %ge3A_47, %add3A_36, %select_n3A_33 : vector<1x1xi32>
    %add3A_49 = arith.constant 268435456 : i32
    %add3A_50 = vector.broadcast %add3A_49 : i32 to vector<1x1xi32>
    %add3A_51 = arith.addi %select_n3A_48, %add3A_50 : vector<1x1xi32>
    %ge3A_52 = vector.broadcast %add3A_51 : vector<1x1xi32> to vector<1x4096xi32>
    %ge3A_53 = arith.cmpi sge, %select_n3A, %ge3A_52 : vector<1x4096xi32>
    %convert_element_type3A_54 = arith.extui %ge3A_53 : vector<1x4096xi1> to vector<1x4096xi32>
    %convert_element_type3A_55 = arith.sitofp %convert_element_type3A_54 : vector<1x4096xi32> to vector<1x4096xf32>
    %reduce_sum3A_56 = vector.shape_cast %convert_element_type3A_55 : vector<1x4096xf32> to vector<1x1x4096xf32>
    %reduce_sum3A_57 = arith.constant dense<0.000000e+00> : vector<1xf32>
    %reduce_sum3A_58 = vector.multi_reduction <add>, %reduce_sum3A_56, %reduce_sum3A_57 [1, 2] : vector<1x1x4096xf32> to vector<1xf32>
    %reduce_sum3A_59 = vector.shape_cast %reduce_sum3A_58 : vector<1xf32> to vector<1x1x1xf32>
    %reduce_sum3A_60 = vector.extract %reduce_sum3A_59[0, 0, 0] : f32 from vector<1x1x1xf32>
    %ge3A_61 = arith.constant 1.024000e+03 : f32
    %ge3A_62 = arith.cmpf oge, %reduce_sum3A_60, %ge3A_61 : f32
    %select_n3A_63 = arith.select %ge3A_62, %add3A_51, %select_n3A_48 : vector<1x1xi32>
    %add3A_64 = arith.constant 134217728 : i32
    %add3A_65 = vector.broadcast %add3A_64 : i32 to vector<1x1xi32>
    %add3A_66 = arith.addi %select_n3A_63, %add3A_65 : vector<1x1xi32>
    %ge3A_67 = vector.broadcast %add3A_66 : vector<1x1xi32> to vector<1x4096xi32>
    %ge3A_68 = arith.cmpi sge, %select_n3A, %ge3A_67 : vector<1x4096xi32>
    %convert_element_type3A_69 = arith.extui %ge3A_68 : vector<1x4096xi1> to vector<1x4096xi32>
    %convert_element_type3A_70 = arith.sitofp %convert_element_type3A_69 : vector<1x4096xi32> to vector<1x4096xf32>
    %reduce_sum3A_71 = vector.shape_cast %convert_element_type3A_70 : vector<1x4096xf32> to vector<1x1x4096xf32>
    %reduce_sum3A_72 = arith.constant dense<0.000000e+00> : vector<1xf32>
    %reduce_sum3A_73 = vector.multi_reduction <add>, %reduce_sum3A_71, %reduce_sum3A_72 [1, 2] : vector<1x1x4096xf32> to vector<1xf32>
    %reduce_sum3A_74 = vector.shape_cast %reduce_sum3A_73 : vector<1xf32> to vector<1x1x1xf32>
    %reduce_sum3A_75 = vector.extract %reduce_sum3A_74[0, 0, 0] : f32 from vector<1x1x1xf32>
    %ge3A_76 = arith.constant 1.024000e+03 : f32
    %ge3A_77 = arith.cmpf oge, %reduce_sum3A_75, %ge3A_76 : f32
    %select_n3A_78 = arith.select %ge3A_77, %add3A_66, %select_n3A_63 : vector<1x1xi32>
    %add3A_79 = arith.constant 67108864 : i32
    %add3A_80 = vector.broadcast %add3A_79 : i32 to vector<1x1xi32>
    %add3A_81 = arith.addi %select_n3A_78, %add3A_80 : vector<1x1xi32>
    %ge3A_82 = vector.broadcast %add3A_81 : vector<1x1xi32> to vector<1x4096xi32>
    %ge3A_83 = arith.cmpi sge, %select_n3A, %ge3A_82 : vector<1x4096xi32>
    %convert_element_type3A_84 = arith.extui %ge3A_83 : vector<1x4096xi1> to vector<1x4096xi32>
    %convert_element_type3A_85 = arith.sitofp %convert_element_type3A_84 : vector<1x4096xi32> to vector<1x4096xf32>
    %reduce_sum3A_86 = vector.shape_cast %convert_element_type3A_85 : vector<1x4096xf32> to vector<1x1x4096xf32>
    %reduce_sum3A_87 = arith.constant dense<0.000000e+00> : vector<1xf32>
    %reduce_sum3A_88 = vector.multi_reduction <add>, %reduce_sum3A_86, %reduce_sum3A_87 [1, 2] : vector<1x1x4096xf32> to vector<1xf32>
    %reduce_sum3A_89 = vector.shape_cast %reduce_sum3A_88 : vector<1xf32> to vector<1x1x1xf32>
    %reduce_sum3A_90 = vector.extract %reduce_sum3A_89[0, 0, 0] : f32 from vector<1x1x1xf32>
    %ge3A_91 = arith.constant 1.024000e+03 : f32
    %ge3A_92 = arith.cmpf oge, %reduce_sum3A_90, %ge3A_91 : f32
    %select_n3A_93 = arith.select %ge3A_92, %add3A_81, %select_n3A_78 : vector<1x1xi32>
    %add3A_94 = arith.constant 33554432 : i32
    %add3A_95 = vector.broadcast %add3A_94 : i32 to vector<1x1xi32>
    %add3A_96 = arith.addi %select_n3A_93, %add3A_95 : vector<1x1xi32>
    %ge3A_97 = vector.broadcast %add3A_96 : vector<1x1xi32> to vector<1x4096xi32>
    %ge3A_98 = arith.cmpi sge, %select_n3A, %ge3A_97 : vector<1x4096xi32>
    %convert_element_type3A_99 = arith.extui %ge3A_98 : vector<1x4096xi1> to vector<1x4096xi32>
    %convert_element_type3A_100 = arith.sitofp %convert_element_type3A_99 : vector<1x4096xi32> to vector<1x4096xf32>
    %reduce_sum3A_101 = vector.shape_cast %convert_element_type3A_100 : vector<1x4096xf32> to vector<1x1x4096xf32>
    %reduce_sum3A_102 = arith.constant dense<0.000000e+00> : vector<1xf32>
    %reduce_sum3A_103 = vector.multi_reduction <add>, %reduce_sum3A_101, %reduce_sum3A_102 [1, 2] : vector<1x1x4096xf32> to vector<1xf32>
    %reduce_sum3A_104 = vector.shape_cast %reduce_sum3A_103 : vector<1xf32> to vector<1x1x1xf32>
    %reduce_sum3A_105 = vector.extract %reduce_sum3A_104[0, 0, 0] : f32 from vector<1x1x1xf32>
    %ge3A_106 = arith.constant 1.024000e+03 : f32
    %ge3A_107 = arith.cmpf oge, %reduce_sum3A_105, %ge3A_106 : f32
    %select_n3A_108 = arith.select %ge3A_107, %add3A_96, %select_n3A_93 : vector<1x1xi32>
    %add3A_109 = arith.constant 16777216 : i32
    %add3A_110 = vector.broadcast %add3A_109 : i32 to vector<1x1xi32>
    %add3A_111 = arith.addi %select_n3A_108, %add3A_110 : vector<1x1xi32>
    %ge3A_112 = vector.broadcast %add3A_111 : vector<1x1xi32> to vector<1x4096xi32>
    %ge3A_113 = arith.cmpi sge, %select_n3A, %ge3A_112 : vector<1x4096xi32>
    %convert_element_type3A_114 = arith.extui %ge3A_113 : vector<1x4096xi1> to vector<1x4096xi32>
    %convert_element_type3A_115 = arith.sitofp %convert_element_type3A_114 : vector<1x4096xi32> to vector<1x4096xf32>
    %reduce_sum3A_116 = vector.shape_cast %convert_element_type3A_115 : vector<1x4096xf32> to vector<1x1x4096xf32>
    %reduce_sum3A_117 = arith.constant dense<0.000000e+00> : vector<1xf32>
    %reduce_sum3A_118 = vector.multi_reduction <add>, %reduce_sum3A_116, %reduce_sum3A_117 [1, 2] : vector<1x1x4096xf32> to vector<1xf32>
    %reduce_sum3A_119 = vector.shape_cast %reduce_sum3A_118 : vector<1xf32> to vector<1x1x1xf32>
    %reduce_sum3A_120 = vector.extract %reduce_sum3A_119[0, 0, 0] : f32 from vector<1x1x1xf32>
    %ge3A_121 = arith.constant 1.024000e+03 : f32
    %ge3A_122 = arith.cmpf oge, %reduce_sum3A_120, %ge3A_121 : f32
    %select_n3A_123 = arith.select %ge3A_122, %add3A_111, %select_n3A_108 : vector<1x1xi32>
    %add3A_124 = arith.constant 8388608 : i32
    %add3A_125 = vector.broadcast %add3A_124 : i32 to vector<1x1xi32>
    %add3A_126 = arith.addi %select_n3A_123, %add3A_125 : vector<1x1xi32>
    %ge3A_127 = vector.broadcast %add3A_126 : vector<1x1xi32> to vector<1x4096xi32>
    %ge3A_128 = arith.cmpi sge, %select_n3A, %ge3A_127 : vector<1x4096xi32>
    %convert_element_type3A_129 = arith.extui %ge3A_128 : vector<1x4096xi1> to vector<1x4096xi32>
    %convert_element_type3A_130 = arith.sitofp %convert_element_type3A_129 : vector<1x4096xi32> to vector<1x4096xf32>
    %reduce_sum3A_131 = vector.shape_cast %convert_element_type3A_130 : vector<1x4096xf32> to vector<1x1x4096xf32>
    %reduce_sum3A_132 = arith.constant dense<0.000000e+00> : vector<1xf32>
    %reduce_sum3A_133 = vector.multi_reduction <add>, %reduce_sum3A_131, %reduce_sum3A_132 [1, 2] : vector<1x1x4096xf32> to vector<1xf32>
    %reduce_sum3A_134 = vector.shape_cast %reduce_sum3A_133 : vector<1xf32> to vector<1x1x1xf32>
    %reduce_sum3A_135 = vector.extract %reduce_sum3A_134[0, 0, 0] : f32 from vector<1x1x1xf32>
    %ge3A_136 = arith.constant 1.024000e+03 : f32
    %ge3A_137 = arith.cmpf oge, %reduce_sum3A_135, %ge3A_136 : f32
    %select_n3A_138 = arith.select %ge3A_137, %add3A_126, %select_n3A_123 : vector<1x1xi32>
    %add3A_139 = arith.constant 4194304 : i32
    %add3A_140 = vector.broadcast %add3A_139 : i32 to vector<1x1xi32>
    %add3A_141 = arith.addi %select_n3A_138, %add3A_140 : vector<1x1xi32>
    %ge3A_142 = vector.broadcast %add3A_141 : vector<1x1xi32> to vector<1x4096xi32>
    %ge3A_143 = arith.cmpi sge, %select_n3A, %ge3A_142 : vector<1x4096xi32>
    %convert_element_type3A_144 = arith.extui %ge3A_143 : vector<1x4096xi1> to vector<1x4096xi32>
    %convert_element_type3A_145 = arith.sitofp %convert_element_type3A_144 : vector<1x4096xi32> to vector<1x4096xf32>
    %reduce_sum3A_146 = vector.shape_cast %convert_element_type3A_145 : vector<1x4096xf32> to vector<1x1x4096xf32>
    %reduce_sum3A_147 = arith.constant dense<0.000000e+00> : vector<1xf32>
    %reduce_sum3A_148 = vector.multi_reduction <add>, %reduce_sum3A_146, %reduce_sum3A_147 [1, 2] : vector<1x1x4096xf32> to vector<1xf32>
    %reduce_sum3A_149 = vector.shape_cast %reduce_sum3A_148 : vector<1xf32> to vector<1x1x1xf32>
    %reduce_sum3A_150 = vector.extract %reduce_sum3A_149[0, 0, 0] : f32 from vector<1x1x1xf32>
    %ge3A_151 = arith.constant 1.024000e+03 : f32
    %ge3A_152 = arith.cmpf oge, %reduce_sum3A_150, %ge3A_151 : f32
    %select_n3A_153 = arith.select %ge3A_152, %add3A_141, %select_n3A_138 : vector<1x1xi32>
    %add3A_154 = arith.constant 2097152 : i32
    %add3A_155 = vector.broadcast %add3A_154 : i32 to vector<1x1xi32>
    %add3A_156 = arith.addi %select_n3A_153, %add3A_155 : vector<1x1xi32>
    %ge3A_157 = vector.broadcast %add3A_156 : vector<1x1xi32> to vector<1x4096xi32>
    %ge3A_158 = arith.cmpi sge, %select_n3A, %ge3A_157 : vector<1x4096xi32>
    %convert_element_type3A_159 = arith.extui %ge3A_158 : vector<1x4096xi1> to vector<1x4096xi32>
    %convert_element_type3A_160 = arith.sitofp %convert_element_type3A_159 : vector<1x4096xi32> to vector<1x4096xf32>
    %reduce_sum3A_161 = vector.shape_cast %convert_element_type3A_160 : vector<1x4096xf32> to vector<1x1x4096xf32>
    %reduce_sum3A_162 = arith.constant dense<0.000000e+00> : vector<1xf32>
    %reduce_sum3A_163 = vector.multi_reduction <add>, %reduce_sum3A_161, %reduce_sum3A_162 [1, 2] : vector<1x1x4096xf32> to vector<1xf32>
    %reduce_sum3A_164 = vector.shape_cast %reduce_sum3A_163 : vector<1xf32> to vector<1x1x1xf32>
    %reduce_sum3A_165 = vector.extract %reduce_sum3A_164[0, 0, 0] : f32 from vector<1x1x1xf32>
    %ge3A_166 = arith.constant 1.024000e+03 : f32
    %ge3A_167 = arith.cmpf oge, %reduce_sum3A_165, %ge3A_166 : f32
    %select_n3A_168 = arith.select %ge3A_167, %add3A_156, %select_n3A_153 : vector<1x1xi32>
    %add3A_169 = arith.constant 1048576 : i32
    %add3A_170 = vector.broadcast %add3A_169 : i32 to vector<1x1xi32>
    %add3A_171 = arith.addi %select_n3A_168, %add3A_170 : vector<1x1xi32>
    %ge3A_172 = vector.broadcast %add3A_171 : vector<1x1xi32> to vector<1x4096xi32>
    %ge3A_173 = arith.cmpi sge, %select_n3A, %ge3A_172 : vector<1x4096xi32>
    %convert_element_type3A_174 = arith.extui %ge3A_173 : vector<1x4096xi1> to vector<1x4096xi32>
    %convert_element_type3A_175 = arith.sitofp %convert_element_type3A_174 : vector<1x4096xi32> to vector<1x4096xf32>
    %reduce_sum3A_176 = vector.shape_cast %convert_element_type3A_175 : vector<1x4096xf32> to vector<1x1x4096xf32>
    %reduce_sum3A_177 = arith.constant dense<0.000000e+00> : vector<1xf32>
    %reduce_sum3A_178 = vector.multi_reduction <add>, %reduce_sum3A_176, %reduce_sum3A_177 [1, 2] : vector<1x1x4096xf32> to vector<1xf32>
    %reduce_sum3A_179 = vector.shape_cast %reduce_sum3A_178 : vector<1xf32> to vector<1x1x1xf32>
    %reduce_sum3A_180 = vector.extract %reduce_sum3A_179[0, 0, 0] : f32 from vector<1x1x1xf32>
    %ge3A_181 = arith.constant 1.024000e+03 : f32
    %ge3A_182 = arith.cmpf oge, %reduce_sum3A_180, %ge3A_181 : f32
    %select_n3A_183 = arith.select %ge3A_182, %add3A_171, %select_n3A_168 : vector<1x1xi32>
    %add3A_184 = arith.constant 524288 : i32
    %add3A_185 = vector.broadcast %add3A_184 : i32 to vector<1x1xi32>
    %add3A_186 = arith.addi %select_n3A_183, %add3A_185 : vector<1x1xi32>
    %ge3A_187 = vector.broadcast %add3A_186 : vector<1x1xi32> to vector<1x4096xi32>
    %ge3A_188 = arith.cmpi sge, %select_n3A, %ge3A_187 : vector<1x4096xi32>
    %convert_element_type3A_189 = arith.extui %ge3A_188 : vector<1x4096xi1> to vector<1x4096xi32>
    %convert_element_type3A_190 = arith.sitofp %convert_element_type3A_189 : vector<1x4096xi32> to vector<1x4096xf32>
    %reduce_sum3A_191 = vector.shape_cast %convert_element_type3A_190 : vector<1x4096xf32> to vector<1x1x4096xf32>
    %reduce_sum3A_192 = arith.constant dense<0.000000e+00> : vector<1xf32>
    %reduce_sum3A_193 = vector.multi_reduction <add>, %reduce_sum3A_191, %reduce_sum3A_192 [1, 2] : vector<1x1x4096xf32> to vector<1xf32>
    %reduce_sum3A_194 = vector.shape_cast %reduce_sum3A_193 : vector<1xf32> to vector<1x1x1xf32>
    %reduce_sum3A_195 = vector.extract %reduce_sum3A_194[0, 0, 0] : f32 from vector<1x1x1xf32>
    %ge3A_196 = arith.constant 1.024000e+03 : f32
    %ge3A_197 = arith.cmpf oge, %reduce_sum3A_195, %ge3A_196 : f32
    %select_n3A_198 = arith.select %ge3A_197, %add3A_186, %select_n3A_183 : vector<1x1xi32>
    %add3A_199 = arith.constant 262144 : i32
    %add3A_200 = vector.broadcast %add3A_199 : i32 to vector<1x1xi32>
    %add3A_201 = arith.addi %select_n3A_198, %add3A_200 : vector<1x1xi32>
    %ge3A_202 = vector.broadcast %add3A_201 : vector<1x1xi32> to vector<1x4096xi32>
    %ge3A_203 = arith.cmpi sge, %select_n3A, %ge3A_202 : vector<1x4096xi32>
    %convert_element_type3A_204 = arith.extui %ge3A_203 : vector<1x4096xi1> to vector<1x4096xi32>
    %convert_element_type3A_205 = arith.sitofp %convert_element_type3A_204 : vector<1x4096xi32> to vector<1x4096xf32>
    %reduce_sum3A_206 = vector.shape_cast %convert_element_type3A_205 : vector<1x4096xf32> to vector<1x1x4096xf32>
    %reduce_sum3A_207 = arith.constant dense<0.000000e+00> : vector<1xf32>
    %reduce_sum3A_208 = vector.multi_reduction <add>, %reduce_sum3A_206, %reduce_sum3A_207 [1, 2] : vector<1x1x4096xf32> to vector<1xf32>
    %reduce_sum3A_209 = vector.shape_cast %reduce_sum3A_208 : vector<1xf32> to vector<1x1x1xf32>
    %reduce_sum3A_210 = vector.extract %reduce_sum3A_209[0, 0, 0] : f32 from vector<1x1x1xf32>
    %ge3A_211 = arith.constant 1.024000e+03 : f32
    %ge3A_212 = arith.cmpf oge, %reduce_sum3A_210, %ge3A_211 : f32
    %select_n3A_213 = arith.select %ge3A_212, %add3A_201, %select_n3A_198 : vector<1x1xi32>
    %add3A_214 = arith.constant 131072 : i32
    %add3A_215 = vector.broadcast %add3A_214 : i32 to vector<1x1xi32>
    %add3A_216 = arith.addi %select_n3A_213, %add3A_215 : vector<1x1xi32>
    %ge3A_217 = vector.broadcast %add3A_216 : vector<1x1xi32> to vector<1x4096xi32>
    %ge3A_218 = arith.cmpi sge, %select_n3A, %ge3A_217 : vector<1x4096xi32>
    %convert_element_type3A_219 = arith.extui %ge3A_218 : vector<1x4096xi1> to vector<1x4096xi32>
    %convert_element_type3A_220 = arith.sitofp %convert_element_type3A_219 : vector<1x4096xi32> to vector<1x4096xf32>
    %reduce_sum3A_221 = vector.shape_cast %convert_element_type3A_220 : vector<1x4096xf32> to vector<1x1x4096xf32>
    %reduce_sum3A_222 = arith.constant dense<0.000000e+00> : vector<1xf32>
    %reduce_sum3A_223 = vector.multi_reduction <add>, %reduce_sum3A_221, %reduce_sum3A_222 [1, 2] : vector<1x1x4096xf32> to vector<1xf32>
    %reduce_sum3A_224 = vector.shape_cast %reduce_sum3A_223 : vector<1xf32> to vector<1x1x1xf32>
    %reduce_sum3A_225 = vector.extract %reduce_sum3A_224[0, 0, 0] : f32 from vector<1x1x1xf32>
    %ge3A_226 = arith.constant 1.024000e+03 : f32
    %ge3A_227 = arith.cmpf oge, %reduce_sum3A_225, %ge3A_226 : f32
    %select_n3A_228 = arith.select %ge3A_227, %add3A_216, %select_n3A_213 : vector<1x1xi32>
    %add3A_229 = arith.constant 65536 : i32
    %add3A_230 = vector.broadcast %add3A_229 : i32 to vector<1x1xi32>
    %add3A_231 = arith.addi %select_n3A_228, %add3A_230 : vector<1x1xi32>
    %ge3A_232 = vector.broadcast %add3A_231 : vector<1x1xi32> to vector<1x4096xi32>
    %ge3A_233 = arith.cmpi sge, %select_n3A, %ge3A_232 : vector<1x4096xi32>
    %convert_element_type3A_234 = arith.extui %ge3A_233 : vector<1x4096xi1> to vector<1x4096xi32>
    %convert_element_type3A_235 = arith.sitofp %convert_element_type3A_234 : vector<1x4096xi32> to vector<1x4096xf32>
    %reduce_sum3A_236 = vector.shape_cast %convert_element_type3A_235 : vector<1x4096xf32> to vector<1x1x4096xf32>
    %reduce_sum3A_237 = arith.constant dense<0.000000e+00> : vector<1xf32>
    %reduce_sum3A_238 = vector.multi_reduction <add>, %reduce_sum3A_236, %reduce_sum3A_237 [1, 2] : vector<1x1x4096xf32> to vector<1xf32>
    %reduce_sum3A_239 = vector.shape_cast %reduce_sum3A_238 : vector<1xf32> to vector<1x1x1xf32>
    %reduce_sum3A_240 = vector.extract %reduce_sum3A_239[0, 0, 0] : f32 from vector<1x1x1xf32>
    %ge3A_241 = arith.constant 1.024000e+03 : f32
    %ge3A_242 = arith.cmpf oge, %reduce_sum3A_240, %ge3A_241 : f32
    %select_n3A_243 = arith.select %ge3A_242, %add3A_231, %select_n3A_228 : vector<1x1xi32>
    %add3A_244 = arith.constant 32768 : i32
    %add3A_245 = vector.broadcast %add3A_244 : i32 to vector<1x1xi32>
    %add3A_246 = arith.addi %select_n3A_243, %add3A_245 : vector<1x1xi32>
    %ge3A_247 = vector.broadcast %add3A_246 : vector<1x1xi32> to vector<1x4096xi32>
    %ge3A_248 = arith.cmpi sge, %select_n3A, %ge3A_247 : vector<1x4096xi32>
    %convert_element_type3A_249 = arith.extui %ge3A_248 : vector<1x4096xi1> to vector<1x4096xi32>
    %convert_element_type3A_250 = arith.sitofp %convert_element_type3A_249 : vector<1x4096xi32> to vector<1x4096xf32>
    %reduce_sum3A_251 = vector.shape_cast %convert_element_type3A_250 : vector<1x4096xf32> to vector<1x1x4096xf32>
    %reduce_sum3A_252 = arith.constant dense<0.000000e+00> : vector<1xf32>
    %reduce_sum3A_253 = vector.multi_reduction <add>, %reduce_sum3A_251, %reduce_sum3A_252 [1, 2] : vector<1x1x4096xf32> to vector<1xf32>
    %reduce_sum3A_254 = vector.shape_cast %reduce_sum3A_253 : vector<1xf32> to vector<1x1x1xf32>
    %reduce_sum3A_255 = vector.extract %reduce_sum3A_254[0, 0, 0] : f32 from vector<1x1x1xf32>
    %ge3A_256 = arith.constant 1.024000e+03 : f32
    %ge3A_257 = arith.cmpf oge, %reduce_sum3A_255, %ge3A_256 : f32
    %select_n3A_258 = arith.select %ge3A_257, %add3A_246, %select_n3A_243 : vector<1x1xi32>
    %add3A_259 = arith.constant 16384 : i32
    %add3A_260 = vector.broadcast %add3A_259 : i32 to vector<1x1xi32>
    %add3A_261 = arith.addi %select_n3A_258, %add3A_260 : vector<1x1xi32>
    %ge3A_262 = vector.broadcast %add3A_261 : vector<1x1xi32> to vector<1x4096xi32>
    %ge3A_263 = arith.cmpi sge, %select_n3A, %ge3A_262 : vector<1x4096xi32>
    %convert_element_type3A_264 = arith.extui %ge3A_263 : vector<1x4096xi1> to vector<1x4096xi32>
    %convert_element_type3A_265 = arith.sitofp %convert_element_type3A_264 : vector<1x4096xi32> to vector<1x4096xf32>
    %reduce_sum3A_266 = vector.shape_cast %convert_element_type3A_265 : vector<1x4096xf32> to vector<1x1x4096xf32>
    %reduce_sum3A_267 = arith.constant dense<0.000000e+00> : vector<1xf32>
    %reduce_sum3A_268 = vector.multi_reduction <add>, %reduce_sum3A_266, %reduce_sum3A_267 [1, 2] : vector<1x1x4096xf32> to vector<1xf32>
    %reduce_sum3A_269 = vector.shape_cast %reduce_sum3A_268 : vector<1xf32> to vector<1x1x1xf32>
    %reduce_sum3A_270 = vector.extract %reduce_sum3A_269[0, 0, 0] : f32 from vector<1x1x1xf32>
    %ge3A_271 = arith.constant 1.024000e+03 : f32
    %ge3A_272 = arith.cmpf oge, %reduce_sum3A_270, %ge3A_271 : f32
    %select_n3A_273 = arith.select %ge3A_272, %add3A_261, %select_n3A_258 : vector<1x1xi32>
    %add3A_274 = arith.constant 8192 : i32
    %add3A_275 = vector.broadcast %add3A_274 : i32 to vector<1x1xi32>
    %add3A_276 = arith.addi %select_n3A_273, %add3A_275 : vector<1x1xi32>
    %ge3A_277 = vector.broadcast %add3A_276 : vector<1x1xi32> to vector<1x4096xi32>
    %ge3A_278 = arith.cmpi sge, %select_n3A, %ge3A_277 : vector<1x4096xi32>
    %convert_element_type3A_279 = arith.extui %ge3A_278 : vector<1x4096xi1> to vector<1x4096xi32>
    %convert_element_type3A_280 = arith.sitofp %convert_element_type3A_279 : vector<1x4096xi32> to vector<1x4096xf32>
    %reduce_sum3A_281 = vector.shape_cast %convert_element_type3A_280 : vector<1x4096xf32> to vector<1x1x4096xf32>
    %reduce_sum3A_282 = arith.constant dense<0.000000e+00> : vector<1xf32>
    %reduce_sum3A_283 = vector.multi_reduction <add>, %reduce_sum3A_281, %reduce_sum3A_282 [1, 2] : vector<1x1x4096xf32> to vector<1xf32>
    %reduce_sum3A_284 = vector.shape_cast %reduce_sum3A_283 : vector<1xf32> to vector<1x1x1xf32>
    %reduce_sum3A_285 = vector.extract %reduce_sum3A_284[0, 0, 0] : f32 from vector<1x1x1xf32>
    %ge3A_286 = arith.constant 1.024000e+03 : f32
    %ge3A_287 = arith.cmpf oge, %reduce_sum3A_285, %ge3A_286 : f32
    %select_n3A_288 = arith.select %ge3A_287, %add3A_276, %select_n3A_273 : vector<1x1xi32>
    %add3A_289 = arith.constant 4096 : i32
    %add3A_290 = vector.broadcast %add3A_289 : i32 to vector<1x1xi32>
    %add3A_291 = arith.addi %select_n3A_288, %add3A_290 : vector<1x1xi32>
    %ge3A_292 = vector.broadcast %add3A_291 : vector<1x1xi32> to vector<1x4096xi32>
    %ge3A_293 = arith.cmpi sge, %select_n3A, %ge3A_292 : vector<1x4096xi32>
    %convert_element_type3A_294 = arith.extui %ge3A_293 : vector<1x4096xi1> to vector<1x4096xi32>
    %convert_element_type3A_295 = arith.sitofp %convert_element_type3A_294 : vector<1x4096xi32> to vector<1x4096xf32>
    %reduce_sum3A_296 = vector.shape_cast %convert_element_type3A_295 : vector<1x4096xf32> to vector<1x1x4096xf32>
    %reduce_sum3A_297 = arith.constant dense<0.000000e+00> : vector<1xf32>
    %reduce_sum3A_298 = vector.multi_reduction <add>, %reduce_sum3A_296, %reduce_sum3A_297 [1, 2] : vector<1x1x4096xf32> to vector<1xf32>
    %reduce_sum3A_299 = vector.shape_cast %reduce_sum3A_298 : vector<1xf32> to vector<1x1x1xf32>
    %reduce_sum3A_300 = vector.extract %reduce_sum3A_299[0, 0, 0] : f32 from vector<1x1x1xf32>
    %ge3A_301 = arith.constant 1.024000e+03 : f32
    %ge3A_302 = arith.cmpf oge, %reduce_sum3A_300, %ge3A_301 : f32
    %select_n3A_303 = arith.select %ge3A_302, %add3A_291, %select_n3A_288 : vector<1x1xi32>
    %add3A_304 = arith.constant 2048 : i32
    %add3A_305 = vector.broadcast %add3A_304 : i32 to vector<1x1xi32>
    %add3A_306 = arith.addi %select_n3A_303, %add3A_305 : vector<1x1xi32>
    %ge3A_307 = vector.broadcast %add3A_306 : vector<1x1xi32> to vector<1x4096xi32>
    %ge3A_308 = arith.cmpi sge, %select_n3A, %ge3A_307 : vector<1x4096xi32>
    %convert_element_type3A_309 = arith.extui %ge3A_308 : vector<1x4096xi1> to vector<1x4096xi32>
    %convert_element_type3A_310 = arith.sitofp %convert_element_type3A_309 : vector<1x4096xi32> to vector<1x4096xf32>
    %reduce_sum3A_311 = vector.shape_cast %convert_element_type3A_310 : vector<1x4096xf32> to vector<1x1x4096xf32>
    %reduce_sum3A_312 = arith.constant dense<0.000000e+00> : vector<1xf32>
    %reduce_sum3A_313 = vector.multi_reduction <add>, %reduce_sum3A_311, %reduce_sum3A_312 [1, 2] : vector<1x1x4096xf32> to vector<1xf32>
    %reduce_sum3A_314 = vector.shape_cast %reduce_sum3A_313 : vector<1xf32> to vector<1x1x1xf32>
    %reduce_sum3A_315 = vector.extract %reduce_sum3A_314[0, 0, 0] : f32 from vector<1x1x1xf32>
    %ge3A_316 = arith.constant 1.024000e+03 : f32
    %ge3A_317 = arith.cmpf oge, %reduce_sum3A_315, %ge3A_316 : f32
    %select_n3A_318 = arith.select %ge3A_317, %add3A_306, %select_n3A_303 : vector<1x1xi32>
    %add3A_319 = arith.constant 1024 : i32
    %add3A_320 = vector.broadcast %add3A_319 : i32 to vector<1x1xi32>
    %add3A_321 = arith.addi %select_n3A_318, %add3A_320 : vector<1x1xi32>
    %ge3A_322 = vector.broadcast %add3A_321 : vector<1x1xi32> to vector<1x4096xi32>
    %ge3A_323 = arith.cmpi sge, %select_n3A, %ge3A_322 : vector<1x4096xi32>
    %convert_element_type3A_324 = arith.extui %ge3A_323 : vector<1x4096xi1> to vector<1x4096xi32>
    %convert_element_type3A_325 = arith.sitofp %convert_element_type3A_324 : vector<1x4096xi32> to vector<1x4096xf32>
    %reduce_sum3A_326 = vector.shape_cast %convert_element_type3A_325 : vector<1x4096xf32> to vector<1x1x4096xf32>
    %reduce_sum3A_327 = arith.constant dense<0.000000e+00> : vector<1xf32>
    %reduce_sum3A_328 = vector.multi_reduction <add>, %reduce_sum3A_326, %reduce_sum3A_327 [1, 2] : vector<1x1x4096xf32> to vector<1xf32>
    %reduce_sum3A_329 = vector.shape_cast %reduce_sum3A_328 : vector<1xf32> to vector<1x1x1xf32>
    %reduce_sum3A_330 = vector.extract %reduce_sum3A_329[0, 0, 0] : f32 from vector<1x1x1xf32>
    %ge3A_331 = arith.constant 1.024000e+03 : f32
    %ge3A_332 = arith.cmpf oge, %reduce_sum3A_330, %ge3A_331 : f32
    %select_n3A_333 = arith.select %ge3A_332, %add3A_321, %select_n3A_318 : vector<1x1xi32>
    %add3A_334 = arith.constant 512 : i32
    %add3A_335 = vector.broadcast %add3A_334 : i32 to vector<1x1xi32>
    %add3A_336 = arith.addi %select_n3A_333, %add3A_335 : vector<1x1xi32>
    %ge3A_337 = vector.broadcast %add3A_336 : vector<1x1xi32> to vector<1x4096xi32>
    %ge3A_338 = arith.cmpi sge, %select_n3A, %ge3A_337 : vector<1x4096xi32>
    %convert_element_type3A_339 = arith.extui %ge3A_338 : vector<1x4096xi1> to vector<1x4096xi32>
    %convert_element_type3A_340 = arith.sitofp %convert_element_type3A_339 : vector<1x4096xi32> to vector<1x4096xf32>
    %reduce_sum3A_341 = vector.shape_cast %convert_element_type3A_340 : vector<1x4096xf32> to vector<1x1x4096xf32>
    %reduce_sum3A_342 = arith.constant dense<0.000000e+00> : vector<1xf32>
    %reduce_sum3A_343 = vector.multi_reduction <add>, %reduce_sum3A_341, %reduce_sum3A_342 [1, 2] : vector<1x1x4096xf32> to vector<1xf32>
    %reduce_sum3A_344 = vector.shape_cast %reduce_sum3A_343 : vector<1xf32> to vector<1x1x1xf32>
    %reduce_sum3A_345 = vector.extract %reduce_sum3A_344[0, 0, 0] : f32 from vector<1x1x1xf32>
    %ge3A_346 = arith.constant 1.024000e+03 : f32
    %ge3A_347 = arith.cmpf oge, %reduce_sum3A_345, %ge3A_346 : f32
    %select_n3A_348 = arith.select %ge3A_347, %add3A_336, %select_n3A_333 : vector<1x1xi32>
    %add3A_349 = arith.constant 256 : i32
    %add3A_350 = vector.broadcast %add3A_349 : i32 to vector<1x1xi32>
    %add3A_351 = arith.addi %select_n3A_348, %add3A_350 : vector<1x1xi32>
    %ge3A_352 = vector.broadcast %add3A_351 : vector<1x1xi32> to vector<1x4096xi32>
    %ge3A_353 = arith.cmpi sge, %select_n3A, %ge3A_352 : vector<1x4096xi32>
    %convert_element_type3A_354 = arith.extui %ge3A_353 : vector<1x4096xi1> to vector<1x4096xi32>
    %convert_element_type3A_355 = arith.sitofp %convert_element_type3A_354 : vector<1x4096xi32> to vector<1x4096xf32>
    %reduce_sum3A_356 = vector.shape_cast %convert_element_type3A_355 : vector<1x4096xf32> to vector<1x1x4096xf32>
    %reduce_sum3A_357 = arith.constant dense<0.000000e+00> : vector<1xf32>
    %reduce_sum3A_358 = vector.multi_reduction <add>, %reduce_sum3A_356, %reduce_sum3A_357 [1, 2] : vector<1x1x4096xf32> to vector<1xf32>
    %reduce_sum3A_359 = vector.shape_cast %reduce_sum3A_358 : vector<1xf32> to vector<1x1x1xf32>
    %reduce_sum3A_360 = vector.extract %reduce_sum3A_359[0, 0, 0] : f32 from vector<1x1x1xf32>
    %ge3A_361 = arith.constant 1.024000e+03 : f32
    %ge3A_362 = arith.cmpf oge, %reduce_sum3A_360, %ge3A_361 : f32
    %select_n3A_363 = arith.select %ge3A_362, %add3A_351, %select_n3A_348 : vector<1x1xi32>
    %add3A_364 = arith.constant 128 : i32
    %add3A_365 = vector.broadcast %add3A_364 : i32 to vector<1x1xi32>
    %add3A_366 = arith.addi %select_n3A_363, %add3A_365 : vector<1x1xi32>
    %ge3A_367 = vector.broadcast %add3A_366 : vector<1x1xi32> to vector<1x4096xi32>
    %ge3A_368 = arith.cmpi sge, %select_n3A, %ge3A_367 : vector<1x4096xi32>
    %convert_element_type3A_369 = arith.extui %ge3A_368 : vector<1x4096xi1> to vector<1x4096xi32>
    %convert_element_type3A_370 = arith.sitofp %convert_element_type3A_369 : vector<1x4096xi32> to vector<1x4096xf32>
    %reduce_sum3A_371 = vector.shape_cast %convert_element_type3A_370 : vector<1x4096xf32> to vector<1x1x4096xf32>
    %reduce_sum3A_372 = arith.constant dense<0.000000e+00> : vector<1xf32>
    %reduce_sum3A_373 = vector.multi_reduction <add>, %reduce_sum3A_371, %reduce_sum3A_372 [1, 2] : vector<1x1x4096xf32> to vector<1xf32>
    %reduce_sum3A_374 = vector.shape_cast %reduce_sum3A_373 : vector<1xf32> to vector<1x1x1xf32>
    %reduce_sum3A_375 = vector.extract %reduce_sum3A_374[0, 0, 0] : f32 from vector<1x1x1xf32>
    %ge3A_376 = arith.constant 1.024000e+03 : f32
    %ge3A_377 = arith.cmpf oge, %reduce_sum3A_375, %ge3A_376 : f32
    %select_n3A_378 = arith.select %ge3A_377, %add3A_366, %select_n3A_363 : vector<1x1xi32>
    %add3A_379 = arith.constant 64 : i32
    %add3A_380 = vector.broadcast %add3A_379 : i32 to vector<1x1xi32>
    %add3A_381 = arith.addi %select_n3A_378, %add3A_380 : vector<1x1xi32>
    %ge3A_382 = vector.broadcast %add3A_381 : vector<1x1xi32> to vector<1x4096xi32>
    %ge3A_383 = arith.cmpi sge, %select_n3A, %ge3A_382 : vector<1x4096xi32>
    %convert_element_type3A_384 = arith.extui %ge3A_383 : vector<1x4096xi1> to vector<1x4096xi32>
    %convert_element_type3A_385 = arith.sitofp %convert_element_type3A_384 : vector<1x4096xi32> to vector<1x4096xf32>
    %reduce_sum3A_386 = vector.shape_cast %convert_element_type3A_385 : vector<1x4096xf32> to vector<1x1x4096xf32>
    %reduce_sum3A_387 = arith.constant dense<0.000000e+00> : vector<1xf32>
    %reduce_sum3A_388 = vector.multi_reduction <add>, %reduce_sum3A_386, %reduce_sum3A_387 [1, 2] : vector<1x1x4096xf32> to vector<1xf32>
    %reduce_sum3A_389 = vector.shape_cast %reduce_sum3A_388 : vector<1xf32> to vector<1x1x1xf32>
    %reduce_sum3A_390 = vector.extract %reduce_sum3A_389[0, 0, 0] : f32 from vector<1x1x1xf32>
    %ge3A_391 = arith.constant 1.024000e+03 : f32
    %ge3A_392 = arith.cmpf oge, %reduce_sum3A_390, %ge3A_391 : f32
    %select_n3A_393 = arith.select %ge3A_392, %add3A_381, %select_n3A_378 : vector<1x1xi32>
    %add3A_394 = arith.constant 32 : i32
    %add3A_395 = vector.broadcast %add3A_394 : i32 to vector<1x1xi32>
    %add3A_396 = arith.addi %select_n3A_393, %add3A_395 : vector<1x1xi32>
    %ge3A_397 = vector.broadcast %add3A_396 : vector<1x1xi32> to vector<1x4096xi32>
    %ge3A_398 = arith.cmpi sge, %select_n3A, %ge3A_397 : vector<1x4096xi32>
    %convert_element_type3A_399 = arith.extui %ge3A_398 : vector<1x4096xi1> to vector<1x4096xi32>
    %convert_element_type3A_400 = arith.sitofp %convert_element_type3A_399 : vector<1x4096xi32> to vector<1x4096xf32>
    %reduce_sum3A_401 = vector.shape_cast %convert_element_type3A_400 : vector<1x4096xf32> to vector<1x1x4096xf32>
    %reduce_sum3A_402 = arith.constant dense<0.000000e+00> : vector<1xf32>
    %reduce_sum3A_403 = vector.multi_reduction <add>, %reduce_sum3A_401, %reduce_sum3A_402 [1, 2] : vector<1x1x4096xf32> to vector<1xf32>
    %reduce_sum3A_404 = vector.shape_cast %reduce_sum3A_403 : vector<1xf32> to vector<1x1x1xf32>
    %reduce_sum3A_405 = vector.extract %reduce_sum3A_404[0, 0, 0] : f32 from vector<1x1x1xf32>
    %ge3A_406 = arith.constant 1.024000e+03 : f32
    %ge3A_407 = arith.cmpf oge, %reduce_sum3A_405, %ge3A_406 : f32
    %select_n3A_408 = arith.select %ge3A_407, %add3A_396, %select_n3A_393 : vector<1x1xi32>
    %add3A_409 = arith.constant 16 : i32
    %add3A_410 = vector.broadcast %add3A_409 : i32 to vector<1x1xi32>
    %add3A_411 = arith.addi %select_n3A_408, %add3A_410 : vector<1x1xi32>
    %ge3A_412 = vector.broadcast %add3A_411 : vector<1x1xi32> to vector<1x4096xi32>
    %ge3A_413 = arith.cmpi sge, %select_n3A, %ge3A_412 : vector<1x4096xi32>
    %convert_element_type3A_414 = arith.extui %ge3A_413 : vector<1x4096xi1> to vector<1x4096xi32>
    %convert_element_type3A_415 = arith.sitofp %convert_element_type3A_414 : vector<1x4096xi32> to vector<1x4096xf32>
    %reduce_sum3A_416 = vector.shape_cast %convert_element_type3A_415 : vector<1x4096xf32> to vector<1x1x4096xf32>
    %reduce_sum3A_417 = arith.constant dense<0.000000e+00> : vector<1xf32>
    %reduce_sum3A_418 = vector.multi_reduction <add>, %reduce_sum3A_416, %reduce_sum3A_417 [1, 2] : vector<1x1x4096xf32> to vector<1xf32>
    %reduce_sum3A_419 = vector.shape_cast %reduce_sum3A_418 : vector<1xf32> to vector<1x1x1xf32>
    %reduce_sum3A_420 = vector.extract %reduce_sum3A_419[0, 0, 0] : f32 from vector<1x1x1xf32>
    %ge3A_421 = arith.constant 1.024000e+03 : f32
    %ge3A_422 = arith.cmpf oge, %reduce_sum3A_420, %ge3A_421 : f32
    %select_n3A_423 = arith.select %ge3A_422, %add3A_411, %select_n3A_408 : vector<1x1xi32>
    %add3A_424 = arith.constant 8 : i32
    %add3A_425 = vector.broadcast %add3A_424 : i32 to vector<1x1xi32>
    %add3A_426 = arith.addi %select_n3A_423, %add3A_425 : vector<1x1xi32>
    %ge3A_427 = vector.broadcast %add3A_426 : vector<1x1xi32> to vector<1x4096xi32>
    %ge3A_428 = arith.cmpi sge, %select_n3A, %ge3A_427 : vector<1x4096xi32>
    %convert_element_type3A_429 = arith.extui %ge3A_428 : vector<1x4096xi1> to vector<1x4096xi32>
    %convert_element_type3A_430 = arith.sitofp %convert_element_type3A_429 : vector<1x4096xi32> to vector<1x4096xf32>
    %reduce_sum3A_431 = vector.shape_cast %convert_element_type3A_430 : vector<1x4096xf32> to vector<1x1x4096xf32>
    %reduce_sum3A_432 = arith.constant dense<0.000000e+00> : vector<1xf32>
    %reduce_sum3A_433 = vector.multi_reduction <add>, %reduce_sum3A_431, %reduce_sum3A_432 [1, 2] : vector<1x1x4096xf32> to vector<1xf32>
    %reduce_sum3A_434 = vector.shape_cast %reduce_sum3A_433 : vector<1xf32> to vector<1x1x1xf32>
    %reduce_sum3A_435 = vector.extract %reduce_sum3A_434[0, 0, 0] : f32 from vector<1x1x1xf32>
    %ge3A_436 = arith.constant 1.024000e+03 : f32
    %ge3A_437 = arith.cmpf oge, %reduce_sum3A_435, %ge3A_436 : f32
    %select_n3A_438 = arith.select %ge3A_437, %add3A_426, %select_n3A_423 : vector<1x1xi32>
    %add3A_439 = arith.constant 4 : i32
    %add3A_440 = vector.broadcast %add3A_439 : i32 to vector<1x1xi32>
    %add3A_441 = arith.addi %select_n3A_438, %add3A_440 : vector<1x1xi32>
    %ge3A_442 = vector.broadcast %add3A_441 : vector<1x1xi32> to vector<1x4096xi32>
    %ge3A_443 = arith.cmpi sge, %select_n3A, %ge3A_442 : vector<1x4096xi32>
    %convert_element_type3A_444 = arith.extui %ge3A_443 : vector<1x4096xi1> to vector<1x4096xi32>
    %convert_element_type3A_445 = arith.sitofp %convert_element_type3A_444 : vector<1x4096xi32> to vector<1x4096xf32>
    %reduce_sum3A_446 = vector.shape_cast %convert_element_type3A_445 : vector<1x4096xf32> to vector<1x1x4096xf32>
    %reduce_sum3A_447 = arith.constant dense<0.000000e+00> : vector<1xf32>
    %reduce_sum3A_448 = vector.multi_reduction <add>, %reduce_sum3A_446, %reduce_sum3A_447 [1, 2] : vector<1x1x4096xf32> to vector<1xf32>
    %reduce_sum3A_449 = vector.shape_cast %reduce_sum3A_448 : vector<1xf32> to vector<1x1x1xf32>
    %reduce_sum3A_450 = vector.extract %reduce_sum3A_449[0, 0, 0] : f32 from vector<1x1x1xf32>
    %ge3A_451 = arith.constant 1.024000e+03 : f32
    %ge3A_452 = arith.cmpf oge, %reduce_sum3A_450, %ge3A_451 : f32
    %select_n3A_453 = arith.select %ge3A_452, %add3A_441, %select_n3A_438 : vector<1x1xi32>
    %add3A_454 = arith.constant 2 : i32
    %add3A_455 = vector.broadcast %add3A_454 : i32 to vector<1x1xi32>
    %add3A_456 = arith.addi %select_n3A_453, %add3A_455 : vector<1x1xi32>
    %ge3A_457 = vector.broadcast %add3A_456 : vector<1x1xi32> to vector<1x4096xi32>
    %ge3A_458 = arith.cmpi sge, %select_n3A, %ge3A_457 : vector<1x4096xi32>
    %convert_element_type3A_459 = arith.extui %ge3A_458 : vector<1x4096xi1> to vector<1x4096xi32>
    %convert_element_type3A_460 = arith.sitofp %convert_element_type3A_459 : vector<1x4096xi32> to vector<1x4096xf32>
    %reduce_sum3A_461 = vector.shape_cast %convert_element_type3A_460 : vector<1x4096xf32> to vector<1x1x4096xf32>
    %reduce_sum3A_462 = arith.constant dense<0.000000e+00> : vector<1xf32>
    %reduce_sum3A_463 = vector.multi_reduction <add>, %reduce_sum3A_461, %reduce_sum3A_462 [1, 2] : vector<1x1x4096xf32> to vector<1xf32>
    %reduce_sum3A_464 = vector.shape_cast %reduce_sum3A_463 : vector<1xf32> to vector<1x1x1xf32>
    %reduce_sum3A_465 = vector.extract %reduce_sum3A_464[0, 0, 0] : f32 from vector<1x1x1xf32>
    %ge3A_466 = arith.constant 1.024000e+03 : f32
    %ge3A_467 = arith.cmpf oge, %reduce_sum3A_465, %ge3A_466 : f32
    %select_n3A_468 = arith.select %ge3A_467, %add3A_456, %select_n3A_453 : vector<1x1xi32>
    %add3A_469 = arith.constant 1 : i32
    %add3A_470 = vector.broadcast %add3A_469 : i32 to vector<1x1xi32>
    %add3A_471 = arith.addi %select_n3A_468, %add3A_470 : vector<1x1xi32>
    %ge3A_472 = vector.broadcast %add3A_471 : vector<1x1xi32> to vector<1x4096xi32>
    %ge3A_473 = arith.cmpi sge, %select_n3A, %ge3A_472 : vector<1x4096xi32>
    %convert_element_type3A_474 = arith.extui %ge3A_473 : vector<1x4096xi1> to vector<1x4096xi32>
    %convert_element_type3A_475 = arith.sitofp %convert_element_type3A_474 : vector<1x4096xi32> to vector<1x4096xf32>
    %reduce_sum3A_476 = vector.shape_cast %convert_element_type3A_475 : vector<1x4096xf32> to vector<1x1x4096xf32>
    %reduce_sum3A_477 = arith.constant dense<0.000000e+00> : vector<1xf32>
    %reduce_sum3A_478 = vector.multi_reduction <add>, %reduce_sum3A_476, %reduce_sum3A_477 [1, 2] : vector<1x1x4096xf32> to vector<1xf32>
    %reduce_sum3A_479 = vector.shape_cast %reduce_sum3A_478 : vector<1xf32> to vector<1x1x1xf32>
    %reduce_sum3A_480 = vector.extract %reduce_sum3A_479[0, 0, 0] : f32 from vector<1x1x1xf32>
    %ge3A_481 = arith.constant 1.024000e+03 : f32
    %ge3A_482 = arith.cmpf oge, %reduce_sum3A_480, %ge3A_481 : f32
    %select_n3A_483 = arith.select %ge3A_482, %add3A_471, %select_n3A_468 : vector<1x1xi32>
    %gt3A = vector.broadcast %select_n3A_483 : vector<1x1xi32> to vector<1x4096xi32>
    %gt3A_484 = arith.cmpi sgt, %select_n3A, %gt3A : vector<1x4096xi32>
    %convert_element_type3A_485 = arith.extui %gt3A_484 : vector<1x4096xi1> to vector<1x4096xi32>
    %convert_element_type3A_486 = arith.sitofp %convert_element_type3A_485 : vector<1x4096xi32> to vector<1x4096xf32>
    %eq3A = vector.broadcast %select_n3A_483 : vector<1x1xi32> to vector<1x4096xi32>
    %eq3A_487 = arith.cmpi eq, %select_n3A, %eq3A : vector<1x4096xi32>
    %convert_element_type3A_488 = arith.extui %eq3A_487 : vector<1x4096xi1> to vector<1x4096xi32>
    %convert_element_type3A_489 = arith.sitofp %convert_element_type3A_488 : vector<1x4096xi32> to vector<1x4096xf32>
    %get3A_490 = arith.constant 0 : index
    %get3A_491 = arith.constant 0 : index
    %get3A_492 = vector.load %arg3[%get3A_490, %get3A_491] : memref<512x512xf32, #tpu.memory_space<vmem>>, vector<512x512xf32>
    %broadcast_in_dim3A_493 = arith.constant 0.000000e+00 : f32
    %broadcast_in_dim3A_494 = vector.broadcast %broadcast_in_dim3A_493 : f32 to vector<1x1xf32>
    %slice3A = vector.extract_strided_slice %convert_element_type3A_486 {offsets = [0, 0], sizes = [1, 512], strides = [1, 1]} : vector<1x4096xf32> to vector<1x512xf32>
    %dot_general3A = arith.constant dense<0.000000e+00> : vector<1x512xf32>
    %dot_general3A_495 = tpu.matmul %slice3A, %get3A_492, %dot_general3A {dimension_numbers = #tpu.dot_dimension_numbers<[1], [0], [0], [1], [0, 0, 1, 1], [], []>, transpose_lhs_hint = false} : vector<1x512xf32>, vector<512x512xf32>, vector<1x512xf32> -> vector<1x512xf32>
    %add3A_496 = vector.broadcast %broadcast_in_dim3A_494 : vector<1x1xf32> to vector<1x512xf32>
    %add3A_497 = arith.addf %dot_general3A_495, %add3A_496 : vector<1x512xf32>
    %slice3A_498 = vector.extract_strided_slice %add3A_497 {offsets = [0, 511], sizes = [1, 1], strides = [1, 1]} : vector<1x512xf32> to vector<1x1xf32>
    %slice3A_499 = vector.extract_strided_slice %convert_element_type3A_486 {offsets = [0, 512], sizes = [1, 512], strides = [1, 1]} : vector<1x4096xf32> to vector<1x512xf32>
    %dot_general3A_500 = arith.constant dense<0.000000e+00> : vector<1x512xf32>
    %dot_general3A_501 = tpu.matmul %slice3A_499, %get3A_492, %dot_general3A_500 {dimension_numbers = #tpu.dot_dimension_numbers<[1], [0], [0], [1], [0, 0, 1, 1], [], []>, transpose_lhs_hint = false} : vector<1x512xf32>, vector<512x512xf32>, vector<1x512xf32> -> vector<1x512xf32>
    %add3A_502 = vector.broadcast %slice3A_498 : vector<1x1xf32> to vector<1x512xf32>
    %add3A_503 = arith.addf %dot_general3A_501, %add3A_502 : vector<1x512xf32>
    %slice3A_504 = vector.extract_strided_slice %add3A_503 {offsets = [0, 511], sizes = [1, 1], strides = [1, 1]} : vector<1x512xf32> to vector<1x1xf32>
    %slice3A_505 = vector.extract_strided_slice %convert_element_type3A_486 {offsets = [0, 1024], sizes = [1, 512], strides = [1, 1]} : vector<1x4096xf32> to vector<1x512xf32>
    %dot_general3A_506 = arith.constant dense<0.000000e+00> : vector<1x512xf32>
    %dot_general3A_507 = tpu.matmul %slice3A_505, %get3A_492, %dot_general3A_506 {dimension_numbers = #tpu.dot_dimension_numbers<[1], [0], [0], [1], [0, 0, 1, 1], [], []>, transpose_lhs_hint = false} : vector<1x512xf32>, vector<512x512xf32>, vector<1x512xf32> -> vector<1x512xf32>
    %add3A_508 = vector.broadcast %slice3A_504 : vector<1x1xf32> to vector<1x512xf32>
    %add3A_509 = arith.addf %dot_general3A_507, %add3A_508 : vector<1x512xf32>
    %slice3A_510 = vector.extract_strided_slice %add3A_509 {offsets = [0, 511], sizes = [1, 1], strides = [1, 1]} : vector<1x512xf32> to vector<1x1xf32>
    %slice3A_511 = vector.extract_strided_slice %convert_element_type3A_486 {offsets = [0, 1536], sizes = [1, 512], strides = [1, 1]} : vector<1x4096xf32> to vector<1x512xf32>
    %dot_general3A_512 = arith.constant dense<0.000000e+00> : vector<1x512xf32>
    %dot_general3A_513 = tpu.matmul %slice3A_511, %get3A_492, %dot_general3A_512 {dimension_numbers = #tpu.dot_dimension_numbers<[1], [0], [0], [1], [0, 0, 1, 1], [], []>, transpose_lhs_hint = false} : vector<1x512xf32>, vector<512x512xf32>, vector<1x512xf32> -> vector<1x512xf32>
    %add3A_514 = vector.broadcast %slice3A_510 : vector<1x1xf32> to vector<1x512xf32>
    %add3A_515 = arith.addf %dot_general3A_513, %add3A_514 : vector<1x512xf32>
    %slice3A_516 = vector.extract_strided_slice %add3A_515 {offsets = [0, 511], sizes = [1, 1], strides = [1, 1]} : vector<1x512xf32> to vector<1x1xf32>
    %slice3A_517 = vector.extract_strided_slice %convert_element_type3A_486 {offsets = [0, 2048], sizes = [1, 512], strides = [1, 1]} : vector<1x4096xf32> to vector<1x512xf32>
    %dot_general3A_518 = arith.constant dense<0.000000e+00> : vector<1x512xf32>
    %dot_general3A_519 = tpu.matmul %slice3A_517, %get3A_492, %dot_general3A_518 {dimension_numbers = #tpu.dot_dimension_numbers<[1], [0], [0], [1], [0, 0, 1, 1], [], []>, transpose_lhs_hint = false} : vector<1x512xf32>, vector<512x512xf32>, vector<1x512xf32> -> vector<1x512xf32>
    %add3A_520 = vector.broadcast %slice3A_516 : vector<1x1xf32> to vector<1x512xf32>
    %add3A_521 = arith.addf %dot_general3A_519, %add3A_520 : vector<1x512xf32>
    %slice3A_522 = vector.extract_strided_slice %add3A_521 {offsets = [0, 511], sizes = [1, 1], strides = [1, 1]} : vector<1x512xf32> to vector<1x1xf32>
    %slice3A_523 = vector.extract_strided_slice %convert_element_type3A_486 {offsets = [0, 2560], sizes = [1, 512], strides = [1, 1]} : vector<1x4096xf32> to vector<1x512xf32>
    %dot_general3A_524 = arith.constant dense<0.000000e+00> : vector<1x512xf32>
    %dot_general3A_525 = tpu.matmul %slice3A_523, %get3A_492, %dot_general3A_524 {dimension_numbers = #tpu.dot_dimension_numbers<[1], [0], [0], [1], [0, 0, 1, 1], [], []>, transpose_lhs_hint = false} : vector<1x512xf32>, vector<512x512xf32>, vector<1x512xf32> -> vector<1x512xf32>
    %add3A_526 = vector.broadcast %slice3A_522 : vector<1x1xf32> to vector<1x512xf32>
    %add3A_527 = arith.addf %dot_general3A_525, %add3A_526 : vector<1x512xf32>
    %slice3A_528 = vector.extract_strided_slice %add3A_527 {offsets = [0, 511], sizes = [1, 1], strides = [1, 1]} : vector<1x512xf32> to vector<1x1xf32>
    %slice3A_529 = vector.extract_strided_slice %convert_element_type3A_486 {offsets = [0, 3072], sizes = [1, 512], strides = [1, 1]} : vector<1x4096xf32> to vector<1x512xf32>
    %dot_general3A_530 = arith.constant dense<0.000000e+00> : vector<1x512xf32>
    %dot_general3A_531 = tpu.matmul %slice3A_529, %get3A_492, %dot_general3A_530 {dimension_numbers = #tpu.dot_dimension_numbers<[1], [0], [0], [1], [0, 0, 1, 1], [], []>, transpose_lhs_hint = false} : vector<1x512xf32>, vector<512x512xf32>, vector<1x512xf32> -> vector<1x512xf32>
    %add3A_532 = vector.broadcast %slice3A_528 : vector<1x1xf32> to vector<1x512xf32>
    %add3A_533 = arith.addf %dot_general3A_531, %add3A_532 : vector<1x512xf32>
    %slice3A_534 = vector.extract_strided_slice %add3A_533 {offsets = [0, 511], sizes = [1, 1], strides = [1, 1]} : vector<1x512xf32> to vector<1x1xf32>
    %slice3A_535 = vector.extract_strided_slice %convert_element_type3A_486 {offsets = [0, 3584], sizes = [1, 512], strides = [1, 1]} : vector<1x4096xf32> to vector<1x512xf32>
    %dot_general3A_536 = arith.constant dense<0.000000e+00> : vector<1x512xf32>
    %dot_general3A_537 = tpu.matmul %slice3A_535, %get3A_492, %dot_general3A_536 {dimension_numbers = #tpu.dot_dimension_numbers<[1], [0], [0], [1], [0, 0, 1, 1], [], []>, transpose_lhs_hint = false} : vector<1x512xf32>, vector<512x512xf32>, vector<1x512xf32> -> vector<1x512xf32>
    %add3A_538 = vector.broadcast %slice3A_534 : vector<1x1xf32> to vector<1x512xf32>
    %add3A_539 = arith.addf %dot_general3A_537, %add3A_538 : vector<1x512xf32>
    %slice3A_540 = vector.extract_strided_slice %add3A_539 {offsets = [0, 511], sizes = [1, 1], strides = [1, 1]} : vector<1x512xf32> to vector<1x1xf32>
    %broadcast_in_dim3A_541 = arith.constant 0.000000e+00 : f32
    %broadcast_in_dim3A_542 = vector.broadcast %broadcast_in_dim3A_541 : f32 to vector<1x1xf32>
    %slice3A_543 = vector.extract_strided_slice %convert_element_type3A_489 {offsets = [0, 0], sizes = [1, 512], strides = [1, 1]} : vector<1x4096xf32> to vector<1x512xf32>
    %dot_general3A_544 = arith.constant dense<0.000000e+00> : vector<1x512xf32>
    %dot_general3A_545 = tpu.matmul %slice3A_543, %get3A_492, %dot_general3A_544 {dimension_numbers = #tpu.dot_dimension_numbers<[1], [0], [0], [1], [0, 0, 1, 1], [], []>, transpose_lhs_hint = false} : vector<1x512xf32>, vector<512x512xf32>, vector<1x512xf32> -> vector<1x512xf32>
    %add3A_546 = vector.broadcast %broadcast_in_dim3A_542 : vector<1x1xf32> to vector<1x512xf32>
    %add3A_547 = arith.addf %dot_general3A_545, %add3A_546 : vector<1x512xf32>
    %slice3A_548 = vector.extract_strided_slice %add3A_547 {offsets = [0, 511], sizes = [1, 1], strides = [1, 1]} : vector<1x512xf32> to vector<1x1xf32>
    %slice3A_549 = vector.extract_strided_slice %convert_element_type3A_489 {offsets = [0, 512], sizes = [1, 512], strides = [1, 1]} : vector<1x4096xf32> to vector<1x512xf32>
    %dot_general3A_550 = arith.constant dense<0.000000e+00> : vector<1x512xf32>
    %dot_general3A_551 = tpu.matmul %slice3A_549, %get3A_492, %dot_general3A_550 {dimension_numbers = #tpu.dot_dimension_numbers<[1], [0], [0], [1], [0, 0, 1, 1], [], []>, transpose_lhs_hint = false} : vector<1x512xf32>, vector<512x512xf32>, vector<1x512xf32> -> vector<1x512xf32>
    %add3A_552 = vector.broadcast %slice3A_548 : vector<1x1xf32> to vector<1x512xf32>
    %add3A_553 = arith.addf %dot_general3A_551, %add3A_552 : vector<1x512xf32>
    %slice3A_554 = vector.extract_strided_slice %add3A_553 {offsets = [0, 511], sizes = [1, 1], strides = [1, 1]} : vector<1x512xf32> to vector<1x1xf32>
    %slice3A_555 = vector.extract_strided_slice %convert_element_type3A_489 {offsets = [0, 1024], sizes = [1, 512], strides = [1, 1]} : vector<1x4096xf32> to vector<1x512xf32>
    %dot_general3A_556 = arith.constant dense<0.000000e+00> : vector<1x512xf32>
    %dot_general3A_557 = tpu.matmul %slice3A_555, %get3A_492, %dot_general3A_556 {dimension_numbers = #tpu.dot_dimension_numbers<[1], [0], [0], [1], [0, 0, 1, 1], [], []>, transpose_lhs_hint = false} : vector<1x512xf32>, vector<512x512xf32>, vector<1x512xf32> -> vector<1x512xf32>
    %add3A_558 = vector.broadcast %slice3A_554 : vector<1x1xf32> to vector<1x512xf32>
    %add3A_559 = arith.addf %dot_general3A_557, %add3A_558 : vector<1x512xf32>
    %slice3A_560 = vector.extract_strided_slice %add3A_559 {offsets = [0, 511], sizes = [1, 1], strides = [1, 1]} : vector<1x512xf32> to vector<1x1xf32>
    %slice3A_561 = vector.extract_strided_slice %convert_element_type3A_489 {offsets = [0, 1536], sizes = [1, 512], strides = [1, 1]} : vector<1x4096xf32> to vector<1x512xf32>
    %dot_general3A_562 = arith.constant dense<0.000000e+00> : vector<1x512xf32>
    %dot_general3A_563 = tpu.matmul %slice3A_561, %get3A_492, %dot_general3A_562 {dimension_numbers = #tpu.dot_dimension_numbers<[1], [0], [0], [1], [0, 0, 1, 1], [], []>, transpose_lhs_hint = false} : vector<1x512xf32>, vector<512x512xf32>, vector<1x512xf32> -> vector<1x512xf32>
    %add3A_564 = vector.broadcast %slice3A_560 : vector<1x1xf32> to vector<1x512xf32>
    %add3A_565 = arith.addf %dot_general3A_563, %add3A_564 : vector<1x512xf32>
    %slice3A_566 = vector.extract_strided_slice %add3A_565 {offsets = [0, 511], sizes = [1, 1], strides = [1, 1]} : vector<1x512xf32> to vector<1x1xf32>
    %slice3A_567 = vector.extract_strided_slice %convert_element_type3A_489 {offsets = [0, 2048], sizes = [1, 512], strides = [1, 1]} : vector<1x4096xf32> to vector<1x512xf32>
    %dot_general3A_568 = arith.constant dense<0.000000e+00> : vector<1x512xf32>
    %dot_general3A_569 = tpu.matmul %slice3A_567, %get3A_492, %dot_general3A_568 {dimension_numbers = #tpu.dot_dimension_numbers<[1], [0], [0], [1], [0, 0, 1, 1], [], []>, transpose_lhs_hint = false} : vector<1x512xf32>, vector<512x512xf32>, vector<1x512xf32> -> vector<1x512xf32>
    %add3A_570 = vector.broadcast %slice3A_566 : vector<1x1xf32> to vector<1x512xf32>
    %add3A_571 = arith.addf %dot_general3A_569, %add3A_570 : vector<1x512xf32>
    %slice3A_572 = vector.extract_strided_slice %add3A_571 {offsets = [0, 511], sizes = [1, 1], strides = [1, 1]} : vector<1x512xf32> to vector<1x1xf32>
    %slice3A_573 = vector.extract_strided_slice %convert_element_type3A_489 {offsets = [0, 2560], sizes = [1, 512], strides = [1, 1]} : vector<1x4096xf32> to vector<1x512xf32>
    %dot_general3A_574 = arith.constant dense<0.000000e+00> : vector<1x512xf32>
    %dot_general3A_575 = tpu.matmul %slice3A_573, %get3A_492, %dot_general3A_574 {dimension_numbers = #tpu.dot_dimension_numbers<[1], [0], [0], [1], [0, 0, 1, 1], [], []>, transpose_lhs_hint = false} : vector<1x512xf32>, vector<512x512xf32>, vector<1x512xf32> -> vector<1x512xf32>
    %add3A_576 = vector.broadcast %slice3A_572 : vector<1x1xf32> to vector<1x512xf32>
    %add3A_577 = arith.addf %dot_general3A_575, %add3A_576 : vector<1x512xf32>
    %slice3A_578 = vector.extract_strided_slice %add3A_577 {offsets = [0, 511], sizes = [1, 1], strides = [1, 1]} : vector<1x512xf32> to vector<1x1xf32>
    %slice3A_579 = vector.extract_strided_slice %convert_element_type3A_489 {offsets = [0, 3072], sizes = [1, 512], strides = [1, 1]} : vector<1x4096xf32> to vector<1x512xf32>
    %dot_general3A_580 = arith.constant dense<0.000000e+00> : vector<1x512xf32>
    %dot_general3A_581 = tpu.matmul %slice3A_579, %get3A_492, %dot_general3A_580 {dimension_numbers = #tpu.dot_dimension_numbers<[1], [0], [0], [1], [0, 0, 1, 1], [], []>, transpose_lhs_hint = false} : vector<1x512xf32>, vector<512x512xf32>, vector<1x512xf32> -> vector<1x512xf32>
    %add3A_582 = vector.broadcast %slice3A_578 : vector<1x1xf32> to vector<1x512xf32>
    %add3A_583 = arith.addf %dot_general3A_581, %add3A_582 : vector<1x512xf32>
    %slice3A_584 = vector.extract_strided_slice %add3A_583 {offsets = [0, 511], sizes = [1, 1], strides = [1, 1]} : vector<1x512xf32> to vector<1x1xf32>
    %slice3A_585 = vector.extract_strided_slice %convert_element_type3A_489 {offsets = [0, 3584], sizes = [1, 512], strides = [1, 1]} : vector<1x4096xf32> to vector<1x512xf32>
    %dot_general3A_586 = arith.constant dense<0.000000e+00> : vector<1x512xf32>
    %dot_general3A_587 = tpu.matmul %slice3A_585, %get3A_492, %dot_general3A_586 {dimension_numbers = #tpu.dot_dimension_numbers<[1], [0], [0], [1], [0, 0, 1, 1], [], []>, transpose_lhs_hint = false} : vector<1x512xf32>, vector<512x512xf32>, vector<1x512xf32> -> vector<1x512xf32>
    %add3A_588 = vector.broadcast %slice3A_584 : vector<1x1xf32> to vector<1x512xf32>
    %add3A_589 = arith.addf %dot_general3A_587, %add3A_588 : vector<1x512xf32>
    %sub3A = arith.constant 1.024000e+03 : f32
    %sub3A_590 = vector.broadcast %sub3A : f32 to vector<1x1xf32>
    %sub3A_591 = arith.subf %sub3A_590, %slice3A_540 : vector<1x1xf32>
    %slice3A_592 = vector.extract_strided_slice %convert_element_type3A_489 {offsets = [0, 0], sizes = [1, 512], strides = [1, 1]} : vector<1x4096xf32> to vector<1x512xf32>
    %slice3A_593 = vector.extract_strided_slice %convert_element_type3A_486 {offsets = [0, 0], sizes = [1, 512], strides = [1, 1]} : vector<1x4096xf32> to vector<1x512xf32>
    %le3A = vector.broadcast %sub3A_591 : vector<1x1xf32> to vector<1x512xf32>
    %le3A_594 = arith.cmpf ole, %add3A_547, %le3A : vector<1x512xf32>
    %convert_element_type3A_595 = arith.extui %le3A_594 : vector<1x512xi1> to vector<1x512xi32>
    %convert_element_type3A_596 = arith.sitofp %convert_element_type3A_595 : vector<1x512xi32> to vector<1x512xf32>
    %mul3A = arith.mulf %slice3A_592, %convert_element_type3A_596 : vector<1x512xf32>
    %add3A_597 = arith.addf %slice3A_593, %mul3A : vector<1x512xf32>
    %slice3A_598 = vector.extract_strided_slice %convert_element_type3A_489 {offsets = [0, 512], sizes = [1, 512], strides = [1, 1]} : vector<1x4096xf32> to vector<1x512xf32>
    %slice3A_599 = vector.extract_strided_slice %convert_element_type3A_486 {offsets = [0, 512], sizes = [1, 512], strides = [1, 1]} : vector<1x4096xf32> to vector<1x512xf32>
    %le3A_600 = vector.broadcast %sub3A_591 : vector<1x1xf32> to vector<1x512xf32>
    %le3A_601 = arith.cmpf ole, %add3A_553, %le3A_600 : vector<1x512xf32>
    %convert_element_type3A_602 = arith.extui %le3A_601 : vector<1x512xi1> to vector<1x512xi32>
    %convert_element_type3A_603 = arith.sitofp %convert_element_type3A_602 : vector<1x512xi32> to vector<1x512xf32>
    %mul3A_604 = arith.mulf %slice3A_598, %convert_element_type3A_603 : vector<1x512xf32>
    %add3A_605 = arith.addf %slice3A_599, %mul3A_604 : vector<1x512xf32>
    %slice3A_606 = vector.extract_strided_slice %convert_element_type3A_489 {offsets = [0, 1024], sizes = [1, 512], strides = [1, 1]} : vector<1x4096xf32> to vector<1x512xf32>
    %slice3A_607 = vector.extract_strided_slice %convert_element_type3A_486 {offsets = [0, 1024], sizes = [1, 512], strides = [1, 1]} : vector<1x4096xf32> to vector<1x512xf32>
    %le3A_608 = vector.broadcast %sub3A_591 : vector<1x1xf32> to vector<1x512xf32>
    %le3A_609 = arith.cmpf ole, %add3A_559, %le3A_608 : vector<1x512xf32>
    %convert_element_type3A_610 = arith.extui %le3A_609 : vector<1x512xi1> to vector<1x512xi32>
    %convert_element_type3A_611 = arith.sitofp %convert_element_type3A_610 : vector<1x512xi32> to vector<1x512xf32>
    %mul3A_612 = arith.mulf %slice3A_606, %convert_element_type3A_611 : vector<1x512xf32>
    %add3A_613 = arith.addf %slice3A_607, %mul3A_612 : vector<1x512xf32>
    %slice3A_614 = vector.extract_strided_slice %convert_element_type3A_489 {offsets = [0, 1536], sizes = [1, 512], strides = [1, 1]} : vector<1x4096xf32> to vector<1x512xf32>
    %slice3A_615 = vector.extract_strided_slice %convert_element_type3A_486 {offsets = [0, 1536], sizes = [1, 512], strides = [1, 1]} : vector<1x4096xf32> to vector<1x512xf32>
    %le3A_616 = vector.broadcast %sub3A_591 : vector<1x1xf32> to vector<1x512xf32>
    %le3A_617 = arith.cmpf ole, %add3A_565, %le3A_616 : vector<1x512xf32>
    %convert_element_type3A_618 = arith.extui %le3A_617 : vector<1x512xi1> to vector<1x512xi32>
    %convert_element_type3A_619 = arith.sitofp %convert_element_type3A_618 : vector<1x512xi32> to vector<1x512xf32>
    %mul3A_620 = arith.mulf %slice3A_614, %convert_element_type3A_619 : vector<1x512xf32>
    %add3A_621 = arith.addf %slice3A_615, %mul3A_620 : vector<1x512xf32>
    %slice3A_622 = vector.extract_strided_slice %convert_element_type3A_489 {offsets = [0, 2048], sizes = [1, 512], strides = [1, 1]} : vector<1x4096xf32> to vector<1x512xf32>
    %slice3A_623 = vector.extract_strided_slice %convert_element_type3A_486 {offsets = [0, 2048], sizes = [1, 512], strides = [1, 1]} : vector<1x4096xf32> to vector<1x512xf32>
    %le3A_624 = vector.broadcast %sub3A_591 : vector<1x1xf32> to vector<1x512xf32>
    %le3A_625 = arith.cmpf ole, %add3A_571, %le3A_624 : vector<1x512xf32>
    %convert_element_type3A_626 = arith.extui %le3A_625 : vector<1x512xi1> to vector<1x512xi32>
    %convert_element_type3A_627 = arith.sitofp %convert_element_type3A_626 : vector<1x512xi32> to vector<1x512xf32>
    %mul3A_628 = arith.mulf %slice3A_622, %convert_element_type3A_627 : vector<1x512xf32>
    %add3A_629 = arith.addf %slice3A_623, %mul3A_628 : vector<1x512xf32>
    %slice3A_630 = vector.extract_strided_slice %convert_element_type3A_489 {offsets = [0, 2560], sizes = [1, 512], strides = [1, 1]} : vector<1x4096xf32> to vector<1x512xf32>
    %slice3A_631 = vector.extract_strided_slice %convert_element_type3A_486 {offsets = [0, 2560], sizes = [1, 512], strides = [1, 1]} : vector<1x4096xf32> to vector<1x512xf32>
    %le3A_632 = vector.broadcast %sub3A_591 : vector<1x1xf32> to vector<1x512xf32>
    %le3A_633 = arith.cmpf ole, %add3A_577, %le3A_632 : vector<1x512xf32>
    %convert_element_type3A_634 = arith.extui %le3A_633 : vector<1x512xi1> to vector<1x512xi32>
    %convert_element_type3A_635 = arith.sitofp %convert_element_type3A_634 : vector<1x512xi32> to vector<1x512xf32>
    %mul3A_636 = arith.mulf %slice3A_630, %convert_element_type3A_635 : vector<1x512xf32>
    %add3A_637 = arith.addf %slice3A_631, %mul3A_636 : vector<1x512xf32>
    %slice3A_638 = vector.extract_strided_slice %convert_element_type3A_489 {offsets = [0, 3072], sizes = [1, 512], strides = [1, 1]} : vector<1x4096xf32> to vector<1x512xf32>
    %slice3A_639 = vector.extract_strided_slice %convert_element_type3A_486 {offsets = [0, 3072], sizes = [1, 512], strides = [1, 1]} : vector<1x4096xf32> to vector<1x512xf32>
    %le3A_640 = vector.broadcast %sub3A_591 : vector<1x1xf32> to vector<1x512xf32>
    %le3A_641 = arith.cmpf ole, %add3A_583, %le3A_640 : vector<1x512xf32>
    %convert_element_type3A_642 = arith.extui %le3A_641 : vector<1x512xi1> to vector<1x512xi32>
    %convert_element_type3A_643 = arith.sitofp %convert_element_type3A_642 : vector<1x512xi32> to vector<1x512xf32>
    %mul3A_644 = arith.mulf %slice3A_638, %convert_element_type3A_643 : vector<1x512xf32>
    %add3A_645 = arith.addf %slice3A_639, %mul3A_644 : vector<1x512xf32>
    %slice3A_646 = vector.extract_strided_slice %convert_element_type3A_489 {offsets = [0, 3584], sizes = [1, 512], strides = [1, 1]} : vector<1x4096xf32> to vector<1x512xf32>
    %slice3A_647 = vector.extract_strided_slice %convert_element_type3A_486 {offsets = [0, 3584], sizes = [1, 512], strides = [1, 1]} : vector<1x4096xf32> to vector<1x512xf32>
    %le3A_648 = vector.broadcast %sub3A_591 : vector<1x1xf32> to vector<1x512xf32>
    %le3A_649 = arith.cmpf ole, %add3A_589, %le3A_648 : vector<1x512xf32>
    %convert_element_type3A_650 = arith.extui %le3A_649 : vector<1x512xi1> to vector<1x512xi32>
    %convert_element_type3A_651 = arith.sitofp %convert_element_type3A_650 : vector<1x512xi32> to vector<1x512xf32>
    %mul3A_652 = arith.mulf %slice3A_646, %convert_element_type3A_651 : vector<1x512xf32>
    %add3A_653 = arith.addf %slice3A_647, %mul3A_652 : vector<1x512xf32>
    %concatenate3A = tpu.concatenate %add3A_597, %add3A_605, %add3A_613, %add3A_621, %add3A_629, %add3A_637, %add3A_645, %add3A_653 in 1 : vector<1x512xf32>, vector<1x512xf32>, vector<1x512xf32>, vector<1x512xf32>, vector<1x512xf32>, vector<1x512xf32>, vector<1x512xf32>, vector<1x512xf32> -> vector<1x4096xf32>
    %broadcast_in_dim3A_654 = arith.constant 0.000000e+00 : f32
    %broadcast_in_dim3A_655 = vector.broadcast %broadcast_in_dim3A_654 : f32 to vector<1x1xf32>
    %slice3A_656 = vector.extract_strided_slice %concatenate3A {offsets = [0, 0], sizes = [1, 512], strides = [1, 1]} : vector<1x4096xf32> to vector<1x512xf32>
    %dot_general3A_657 = arith.constant dense<0.000000e+00> : vector<1x512xf32>
    %dot_general3A_658 = tpu.matmul %slice3A_656, %get3A_492, %dot_general3A_657 {dimension_numbers = #tpu.dot_dimension_numbers<[1], [0], [0], [1], [0, 0, 1, 1], [], []>, transpose_lhs_hint = false} : vector<1x512xf32>, vector<512x512xf32>, vector<1x512xf32> -> vector<1x512xf32>
    %add3A_659 = vector.broadcast %broadcast_in_dim3A_655 : vector<1x1xf32> to vector<1x512xf32>
    %add3A_660 = arith.addf %dot_general3A_658, %add3A_659 : vector<1x512xf32>
    %slice3A_661 = vector.extract_strided_slice %add3A_660 {offsets = [0, 511], sizes = [1, 1], strides = [1, 1]} : vector<1x512xf32> to vector<1x1xf32>
    %slice3A_662 = vector.extract_strided_slice %concatenate3A {offsets = [0, 512], sizes = [1, 512], strides = [1, 1]} : vector<1x4096xf32> to vector<1x512xf32>
    %dot_general3A_663 = arith.constant dense<0.000000e+00> : vector<1x512xf32>
    %dot_general3A_664 = tpu.matmul %slice3A_662, %get3A_492, %dot_general3A_663 {dimension_numbers = #tpu.dot_dimension_numbers<[1], [0], [0], [1], [0, 0, 1, 1], [], []>, transpose_lhs_hint = false} : vector<1x512xf32>, vector<512x512xf32>, vector<1x512xf32> -> vector<1x512xf32>
    %add3A_665 = vector.broadcast %slice3A_661 : vector<1x1xf32> to vector<1x512xf32>
    %add3A_666 = arith.addf %dot_general3A_664, %add3A_665 : vector<1x512xf32>
    %slice3A_667 = vector.extract_strided_slice %add3A_666 {offsets = [0, 511], sizes = [1, 1], strides = [1, 1]} : vector<1x512xf32> to vector<1x1xf32>
    %slice3A_668 = vector.extract_strided_slice %concatenate3A {offsets = [0, 1024], sizes = [1, 512], strides = [1, 1]} : vector<1x4096xf32> to vector<1x512xf32>
    %dot_general3A_669 = arith.constant dense<0.000000e+00> : vector<1x512xf32>
    %dot_general3A_670 = tpu.matmul %slice3A_668, %get3A_492, %dot_general3A_669 {dimension_numbers = #tpu.dot_dimension_numbers<[1], [0], [0], [1], [0, 0, 1, 1], [], []>, transpose_lhs_hint = false} : vector<1x512xf32>, vector<512x512xf32>, vector<1x512xf32> -> vector<1x512xf32>
    %add3A_671 = vector.broadcast %slice3A_667 : vector<1x1xf32> to vector<1x512xf32>
    %add3A_672 = arith.addf %dot_general3A_670, %add3A_671 : vector<1x512xf32>
    %slice3A_673 = vector.extract_strided_slice %add3A_672 {offsets = [0, 511], sizes = [1, 1], strides = [1, 1]} : vector<1x512xf32> to vector<1x1xf32>
    %slice3A_674 = vector.extract_strided_slice %concatenate3A {offsets = [0, 1536], sizes = [1, 512], strides = [1, 1]} : vector<1x4096xf32> to vector<1x512xf32>
    %dot_general3A_675 = arith.constant dense<0.000000e+00> : vector<1x512xf32>
    %dot_general3A_676 = tpu.matmul %slice3A_674, %get3A_492, %dot_general3A_675 {dimension_numbers = #tpu.dot_dimension_numbers<[1], [0], [0], [1], [0, 0, 1, 1], [], []>, transpose_lhs_hint = false} : vector<1x512xf32>, vector<512x512xf32>, vector<1x512xf32> -> vector<1x512xf32>
    %add3A_677 = vector.broadcast %slice3A_673 : vector<1x1xf32> to vector<1x512xf32>
    %add3A_678 = arith.addf %dot_general3A_676, %add3A_677 : vector<1x512xf32>
    %slice3A_679 = vector.extract_strided_slice %add3A_678 {offsets = [0, 511], sizes = [1, 1], strides = [1, 1]} : vector<1x512xf32> to vector<1x1xf32>
    %slice3A_680 = vector.extract_strided_slice %concatenate3A {offsets = [0, 2048], sizes = [1, 512], strides = [1, 1]} : vector<1x4096xf32> to vector<1x512xf32>
    %dot_general3A_681 = arith.constant dense<0.000000e+00> : vector<1x512xf32>
    %dot_general3A_682 = tpu.matmul %slice3A_680, %get3A_492, %dot_general3A_681 {dimension_numbers = #tpu.dot_dimension_numbers<[1], [0], [0], [1], [0, 0, 1, 1], [], []>, transpose_lhs_hint = false} : vector<1x512xf32>, vector<512x512xf32>, vector<1x512xf32> -> vector<1x512xf32>
    %add3A_683 = vector.broadcast %slice3A_679 : vector<1x1xf32> to vector<1x512xf32>
    %add3A_684 = arith.addf %dot_general3A_682, %add3A_683 : vector<1x512xf32>
    %slice3A_685 = vector.extract_strided_slice %add3A_684 {offsets = [0, 511], sizes = [1, 1], strides = [1, 1]} : vector<1x512xf32> to vector<1x1xf32>
    %slice3A_686 = vector.extract_strided_slice %concatenate3A {offsets = [0, 2560], sizes = [1, 512], strides = [1, 1]} : vector<1x4096xf32> to vector<1x512xf32>
    %dot_general3A_687 = arith.constant dense<0.000000e+00> : vector<1x512xf32>
    %dot_general3A_688 = tpu.matmul %slice3A_686, %get3A_492, %dot_general3A_687 {dimension_numbers = #tpu.dot_dimension_numbers<[1], [0], [0], [1], [0, 0, 1, 1], [], []>, transpose_lhs_hint = false} : vector<1x512xf32>, vector<512x512xf32>, vector<1x512xf32> -> vector<1x512xf32>
    %add3A_689 = vector.broadcast %slice3A_685 : vector<1x1xf32> to vector<1x512xf32>
    %add3A_690 = arith.addf %dot_general3A_688, %add3A_689 : vector<1x512xf32>
    %slice3A_691 = vector.extract_strided_slice %add3A_690 {offsets = [0, 511], sizes = [1, 1], strides = [1, 1]} : vector<1x512xf32> to vector<1x1xf32>
    %slice3A_692 = vector.extract_strided_slice %concatenate3A {offsets = [0, 3072], sizes = [1, 512], strides = [1, 1]} : vector<1x4096xf32> to vector<1x512xf32>
    %dot_general3A_693 = arith.constant dense<0.000000e+00> : vector<1x512xf32>
    %dot_general3A_694 = tpu.matmul %slice3A_692, %get3A_492, %dot_general3A_693 {dimension_numbers = #tpu.dot_dimension_numbers<[1], [0], [0], [1], [0, 0, 1, 1], [], []>, transpose_lhs_hint = false} : vector<1x512xf32>, vector<512x512xf32>, vector<1x512xf32> -> vector<1x512xf32>
    %add3A_695 = vector.broadcast %slice3A_691 : vector<1x1xf32> to vector<1x512xf32>
    %add3A_696 = arith.addf %dot_general3A_694, %add3A_695 : vector<1x512xf32>
    %slice3A_697 = vector.extract_strided_slice %add3A_696 {offsets = [0, 511], sizes = [1, 1], strides = [1, 1]} : vector<1x512xf32> to vector<1x1xf32>
    %slice3A_698 = vector.extract_strided_slice %concatenate3A {offsets = [0, 3584], sizes = [1, 512], strides = [1, 1]} : vector<1x4096xf32> to vector<1x512xf32>
    %dot_general3A_699 = arith.constant dense<0.000000e+00> : vector<1x512xf32>
    %dot_general3A_700 = tpu.matmul %slice3A_698, %get3A_492, %dot_general3A_699 {dimension_numbers = #tpu.dot_dimension_numbers<[1], [0], [0], [1], [0, 0, 1, 1], [], []>, transpose_lhs_hint = false} : vector<1x512xf32>, vector<512x512xf32>, vector<1x512xf32> -> vector<1x512xf32>
    %add3A_701 = vector.broadcast %slice3A_697 : vector<1x1xf32> to vector<1x512xf32>
    %add3A_702 = arith.addf %dot_general3A_700, %add3A_701 : vector<1x512xf32>
    %iota3A = tpu.iota {dimensions = array<i32: 0>} : vector<1024x512xi32>
    %convert_element_type3A_703 = arith.sitofp %iota3A : vector<1024x512xi32> to vector<1024x512xf32>
    %add3A_704 = arith.constant 1.000000e+00 : f32
    %add3A_705 = vector.broadcast %add3A_704 : f32 to vector<1024x512xf32>
    %add3A_706 = arith.addf %convert_element_type3A_703, %add3A_705 : vector<1024x512xf32>
    %get3A_707 = arith.constant 0 : index
    %get3A_708 = arith.constant 0 : index
    %get3A_709 = arith.constant 0 : index
    %get3A_710 = vector.load %arg2[%get3A_707, %get3A_708, %get3A_709] : memref<1x4096x1xf32, #tpu.memory_space<vmem>>, vector<1x4096x1xf32>
    %reshape3A_711 = vector.shape_cast %get3A_710 : vector<1x4096x1xf32> to vector<4096x1xf32>
    %convert_element_type3A_712 = arith.truncf %reshape3A_711 : vector<4096x1xf32> to vector<4096x1xbf16>
    %convert_element_type3A_713 = arith.extf %convert_element_type3A_712 : vector<4096x1xbf16> to vector<4096x1xf32>
    %sub3A_714 = arith.subf %reshape3A_711, %convert_element_type3A_713 : vector<4096x1xf32>
    %convert_element_type3A_715 = arith.truncf %sub3A_714 : vector<4096x1xf32> to vector<4096x1xbf16>
    %convert_element_type3A_716 = arith.extf %convert_element_type3A_715 : vector<4096x1xbf16> to vector<4096x1xf32>
    %sub3A_717 = arith.subf %reshape3A_711, %convert_element_type3A_713 : vector<4096x1xf32>
    %sub3A_718 = arith.subf %sub3A_717, %convert_element_type3A_716 : vector<4096x1xf32>
    %broadcast_in_dim3A_719 = arith.constant 0.000000e+00 : f32
    %broadcast_in_dim3A_720 = vector.broadcast %broadcast_in_dim3A_719 : f32 to vector<1024x1xf32>
    %broadcast_in_dim3A_721 = arith.constant 0.000000e+00 : f32
    %broadcast_in_dim3A_722 = vector.broadcast %broadcast_in_dim3A_721 : f32 to vector<1024x1xf32>
    %eq3A_723 = vector.broadcast %add3A_660 : vector<1x512xf32> to vector<1024x512xf32>
    %eq3A_724 = arith.cmpf oeq, %eq3A_723, %add3A_706 : vector<1024x512xf32>
    %convert_element_type3A_725 = arith.extui %eq3A_724 : vector<1024x512xi1> to vector<1024x512xi32>
    %convert_element_type3A_726 = arith.sitofp %convert_element_type3A_725 : vector<1024x512xi32> to vector<1024x512xf32>
    %mul3A_727 = vector.broadcast %add3A_597 : vector<1x512xf32> to vector<1024x512xf32>
    %mul3A_728 = arith.mulf %convert_element_type3A_726, %mul3A_727 : vector<1024x512xf32>
    %get3A_729 = arith.constant 0 : index
    %get3A_730 = arith.constant 0 : index
    %get3A_731 = vector.load %arg4[%get3A_729, %get3A_730] : memref<4096x1xf32, #tpu.memory_space<vmem>>, vector<512x1xf32>
    %dot_general3A_732 = arith.constant dense<0.000000e+00> : vector<1024x1xf32>
    %dot_general3A_733 = tpu.matmul %mul3A_728, %get3A_731, %dot_general3A_732 {dimension_numbers = #tpu.dot_dimension_numbers<[1], [0], [0], [1], [0, 0, 1, 1], [], []>, transpose_lhs_hint = false} : vector<1024x512xf32>, vector<512x1xf32>, vector<1024x1xf32> -> vector<1024x1xf32>
    %mul3A_734 = arith.constant 6.400000e+01 : f32
    %mul3A_735 = vector.broadcast %mul3A_734 : f32 to vector<1024x1xf32>
    %mul3A_736 = arith.mulf %mul3A_735, %dot_general3A_733 : vector<1024x1xf32>
    %add3A_737 = arith.addf %broadcast_in_dim3A_720, %mul3A_736 : vector<1024x1xf32>
    %get3A_738 = arith.constant 0 : index
    %get3A_739 = arith.constant 0 : index
    %get3A_740 = vector.load %arg5[%get3A_738, %get3A_739] : memref<4096x1xf32, #tpu.memory_space<vmem>>, vector<512x1xf32>
    %dot_general3A_741 = arith.constant dense<0.000000e+00> : vector<1024x1xf32>
    %dot_general3A_742 = tpu.matmul %mul3A_728, %get3A_740, %dot_general3A_741 {dimension_numbers = #tpu.dot_dimension_numbers<[1], [0], [0], [1], [0, 0, 1, 1], [], []>, transpose_lhs_hint = false} : vector<1024x512xf32>, vector<512x1xf32>, vector<1024x1xf32> -> vector<1024x1xf32>
    %add3A_743 = arith.addf %add3A_737, %dot_general3A_742 : vector<1024x1xf32>
    %slice3A_744 = vector.extract_strided_slice %convert_element_type3A_713 {offsets = [0, 0], sizes = [512, 1], strides = [1, 1]} : vector<4096x1xf32> to vector<512x1xf32>
    %dot_general3A_745 = arith.constant dense<0.000000e+00> : vector<1024x1xf32>
    %dot_general3A_746 = tpu.matmul %mul3A_728, %slice3A_744, %dot_general3A_745 {dimension_numbers = #tpu.dot_dimension_numbers<[1], [0], [0], [1], [0, 0, 1, 1], [], []>, transpose_lhs_hint = false} : vector<1024x512xf32>, vector<512x1xf32>, vector<1024x1xf32> -> vector<1024x1xf32>
    %add3A_747 = arith.addf %broadcast_in_dim3A_722, %dot_general3A_746 : vector<1024x1xf32>
    %slice3A_748 = vector.extract_strided_slice %convert_element_type3A_716 {offsets = [0, 0], sizes = [512, 1], strides = [1, 1]} : vector<4096x1xf32> to vector<512x1xf32>
    %dot_general3A_749 = arith.constant dense<0.000000e+00> : vector<1024x1xf32>
    %dot_general3A_750 = tpu.matmul %mul3A_728, %slice3A_748, %dot_general3A_749 {dimension_numbers = #tpu.dot_dimension_numbers<[1], [0], [0], [1], [0, 0, 1, 1], [], []>, transpose_lhs_hint = false} : vector<1024x512xf32>, vector<512x1xf32>, vector<1024x1xf32> -> vector<1024x1xf32>
    %add3A_751 = arith.addf %add3A_747, %dot_general3A_750 : vector<1024x1xf32>
    %slice3A_752 = vector.extract_strided_slice %sub3A_718 {offsets = [0, 0], sizes = [512, 1], strides = [1, 1]} : vector<4096x1xf32> to vector<512x1xf32>
    %dot_general3A_753 = arith.constant dense<0.000000e+00> : vector<1024x1xf32>
    %dot_general3A_754 = tpu.matmul %mul3A_728, %slice3A_752, %dot_general3A_753 {dimension_numbers = #tpu.dot_dimension_numbers<[1], [0], [0], [1], [0, 0, 1, 1], [], []>, transpose_lhs_hint = false} : vector<1024x512xf32>, vector<512x1xf32>, vector<1024x1xf32> -> vector<1024x1xf32>
    %add3A_755 = arith.addf %add3A_751, %dot_general3A_754 : vector<1024x1xf32>
    %eq3A_756 = vector.broadcast %add3A_666 : vector<1x512xf32> to vector<1024x512xf32>
    %eq3A_757 = arith.cmpf oeq, %eq3A_756, %add3A_706 : vector<1024x512xf32>
    %convert_element_type3A_758 = arith.extui %eq3A_757 : vector<1024x512xi1> to vector<1024x512xi32>
    %convert_element_type3A_759 = arith.sitofp %convert_element_type3A_758 : vector<1024x512xi32> to vector<1024x512xf32>
    %mul3A_760 = vector.broadcast %add3A_605 : vector<1x512xf32> to vector<1024x512xf32>
    %mul3A_761 = arith.mulf %convert_element_type3A_759, %mul3A_760 : vector<1024x512xf32>
    %get3A_762 = arith.constant 512 : index
    %get3A_763 = arith.constant 0 : index
    %get3A_764 = vector.load %arg4[%get3A_762, %get3A_763] : memref<4096x1xf32, #tpu.memory_space<vmem>>, vector<512x1xf32>
    %dot_general3A_765 = arith.constant dense<0.000000e+00> : vector<1024x1xf32>
    %dot_general3A_766 = tpu.matmul %mul3A_761, %get3A_764, %dot_general3A_765 {dimension_numbers = #tpu.dot_dimension_numbers<[1], [0], [0], [1], [0, 0, 1, 1], [], []>, transpose_lhs_hint = false} : vector<1024x512xf32>, vector<512x1xf32>, vector<1024x1xf32> -> vector<1024x1xf32>
    %mul3A_767 = arith.constant 6.400000e+01 : f32
    %mul3A_768 = vector.broadcast %mul3A_767 : f32 to vector<1024x1xf32>
    %mul3A_769 = arith.mulf %mul3A_768, %dot_general3A_766 : vector<1024x1xf32>
    %add3A_770 = arith.addf %add3A_743, %mul3A_769 : vector<1024x1xf32>
    %get3A_771 = arith.constant 512 : index
    %get3A_772 = arith.constant 0 : index
    %get3A_773 = vector.load %arg5[%get3A_771, %get3A_772] : memref<4096x1xf32, #tpu.memory_space<vmem>>, vector<512x1xf32>
    %dot_general3A_774 = arith.constant dense<0.000000e+00> : vector<1024x1xf32>
    %dot_general3A_775 = tpu.matmul %mul3A_761, %get3A_773, %dot_general3A_774 {dimension_numbers = #tpu.dot_dimension_numbers<[1], [0], [0], [1], [0, 0, 1, 1], [], []>, transpose_lhs_hint = false} : vector<1024x512xf32>, vector<512x1xf32>, vector<1024x1xf32> -> vector<1024x1xf32>
    %add3A_776 = arith.addf %add3A_770, %dot_general3A_775 : vector<1024x1xf32>
    %slice3A_777 = vector.extract_strided_slice %convert_element_type3A_713 {offsets = [512, 0], sizes = [512, 1], strides = [1, 1]} : vector<4096x1xf32> to vector<512x1xf32>
    %dot_general3A_778 = arith.constant dense<0.000000e+00> : vector<1024x1xf32>
    %dot_general3A_779 = tpu.matmul %mul3A_761, %slice3A_777, %dot_general3A_778 {dimension_numbers = #tpu.dot_dimension_numbers<[1], [0], [0], [1], [0, 0, 1, 1], [], []>, transpose_lhs_hint = false} : vector<1024x512xf32>, vector<512x1xf32>, vector<1024x1xf32> -> vector<1024x1xf32>
    %add3A_780 = arith.addf %add3A_755, %dot_general3A_779 : vector<1024x1xf32>
    %slice3A_781 = vector.extract_strided_slice %convert_element_type3A_716 {offsets = [512, 0], sizes = [512, 1], strides = [1, 1]} : vector<4096x1xf32> to vector<512x1xf32>
    %dot_general3A_782 = arith.constant dense<0.000000e+00> : vector<1024x1xf32>
    %dot_general3A_783 = tpu.matmul %mul3A_761, %slice3A_781, %dot_general3A_782 {dimension_numbers = #tpu.dot_dimension_numbers<[1], [0], [0], [1], [0, 0, 1, 1], [], []>, transpose_lhs_hint = false} : vector<1024x512xf32>, vector<512x1xf32>, vector<1024x1xf32> -> vector<1024x1xf32>
    %add3A_784 = arith.addf %add3A_780, %dot_general3A_783 : vector<1024x1xf32>
    %slice3A_785 = vector.extract_strided_slice %sub3A_718 {offsets = [512, 0], sizes = [512, 1], strides = [1, 1]} : vector<4096x1xf32> to vector<512x1xf32>
    %dot_general3A_786 = arith.constant dense<0.000000e+00> : vector<1024x1xf32>
    %dot_general3A_787 = tpu.matmul %mul3A_761, %slice3A_785, %dot_general3A_786 {dimension_numbers = #tpu.dot_dimension_numbers<[1], [0], [0], [1], [0, 0, 1, 1], [], []>, transpose_lhs_hint = false} : vector<1024x512xf32>, vector<512x1xf32>, vector<1024x1xf32> -> vector<1024x1xf32>
    %add3A_788 = arith.addf %add3A_784, %dot_general3A_787 : vector<1024x1xf32>
    %eq3A_789 = vector.broadcast %add3A_672 : vector<1x512xf32> to vector<1024x512xf32>
    %eq3A_790 = arith.cmpf oeq, %eq3A_789, %add3A_706 : vector<1024x512xf32>
    %convert_element_type3A_791 = arith.extui %eq3A_790 : vector<1024x512xi1> to vector<1024x512xi32>
    %convert_element_type3A_792 = arith.sitofp %convert_element_type3A_791 : vector<1024x512xi32> to vector<1024x512xf32>
    %mul3A_793 = vector.broadcast %add3A_613 : vector<1x512xf32> to vector<1024x512xf32>
    %mul3A_794 = arith.mulf %convert_element_type3A_792, %mul3A_793 : vector<1024x512xf32>
    %get3A_795 = arith.constant 1024 : index
    %get3A_796 = arith.constant 0 : index
    %get3A_797 = vector.load %arg4[%get3A_795, %get3A_796] : memref<4096x1xf32, #tpu.memory_space<vmem>>, vector<512x1xf32>
    %dot_general3A_798 = arith.constant dense<0.000000e+00> : vector<1024x1xf32>
    %dot_general3A_799 = tpu.matmul %mul3A_794, %get3A_797, %dot_general3A_798 {dimension_numbers = #tpu.dot_dimension_numbers<[1], [0], [0], [1], [0, 0, 1, 1], [], []>, transpose_lhs_hint = false} : vector<1024x512xf32>, vector<512x1xf32>, vector<1024x1xf32> -> vector<1024x1xf32>
    %mul3A_800 = arith.constant 6.400000e+01 : f32
    %mul3A_801 = vector.broadcast %mul3A_800 : f32 to vector<1024x1xf32>
    %mul3A_802 = arith.mulf %mul3A_801, %dot_general3A_799 : vector<1024x1xf32>
    %add3A_803 = arith.addf %add3A_776, %mul3A_802 : vector<1024x1xf32>
    %get3A_804 = arith.constant 1024 : index
    %get3A_805 = arith.constant 0 : index
    %get3A_806 = vector.load %arg5[%get3A_804, %get3A_805] : memref<4096x1xf32, #tpu.memory_space<vmem>>, vector<512x1xf32>
    %dot_general3A_807 = arith.constant dense<0.000000e+00> : vector<1024x1xf32>
    %dot_general3A_808 = tpu.matmul %mul3A_794, %get3A_806, %dot_general3A_807 {dimension_numbers = #tpu.dot_dimension_numbers<[1], [0], [0], [1], [0, 0, 1, 1], [], []>, transpose_lhs_hint = false} : vector<1024x512xf32>, vector<512x1xf32>, vector<1024x1xf32> -> vector<1024x1xf32>
    %add3A_809 = arith.addf %add3A_803, %dot_general3A_808 : vector<1024x1xf32>
    %slice3A_810 = vector.extract_strided_slice %convert_element_type3A_713 {offsets = [1024, 0], sizes = [512, 1], strides = [1, 1]} : vector<4096x1xf32> to vector<512x1xf32>
    %dot_general3A_811 = arith.constant dense<0.000000e+00> : vector<1024x1xf32>
    %dot_general3A_812 = tpu.matmul %mul3A_794, %slice3A_810, %dot_general3A_811 {dimension_numbers = #tpu.dot_dimension_numbers<[1], [0], [0], [1], [0, 0, 1, 1], [], []>, transpose_lhs_hint = false} : vector<1024x512xf32>, vector<512x1xf32>, vector<1024x1xf32> -> vector<1024x1xf32>
    %add3A_813 = arith.addf %add3A_788, %dot_general3A_812 : vector<1024x1xf32>
    %slice3A_814 = vector.extract_strided_slice %convert_element_type3A_716 {offsets = [1024, 0], sizes = [512, 1], strides = [1, 1]} : vector<4096x1xf32> to vector<512x1xf32>
    %dot_general3A_815 = arith.constant dense<0.000000e+00> : vector<1024x1xf32>
    %dot_general3A_816 = tpu.matmul %mul3A_794, %slice3A_814, %dot_general3A_815 {dimension_numbers = #tpu.dot_dimension_numbers<[1], [0], [0], [1], [0, 0, 1, 1], [], []>, transpose_lhs_hint = false} : vector<1024x512xf32>, vector<512x1xf32>, vector<1024x1xf32> -> vector<1024x1xf32>
    %add3A_817 = arith.addf %add3A_813, %dot_general3A_816 : vector<1024x1xf32>
    %slice3A_818 = vector.extract_strided_slice %sub3A_718 {offsets = [1024, 0], sizes = [512, 1], strides = [1, 1]} : vector<4096x1xf32> to vector<512x1xf32>
    %dot_general3A_819 = arith.constant dense<0.000000e+00> : vector<1024x1xf32>
    %dot_general3A_820 = tpu.matmul %mul3A_794, %slice3A_818, %dot_general3A_819 {dimension_numbers = #tpu.dot_dimension_numbers<[1], [0], [0], [1], [0, 0, 1, 1], [], []>, transpose_lhs_hint = false} : vector<1024x512xf32>, vector<512x1xf32>, vector<1024x1xf32> -> vector<1024x1xf32>
    %add3A_821 = arith.addf %add3A_817, %dot_general3A_820 : vector<1024x1xf32>
    %eq3A_822 = vector.broadcast %add3A_678 : vector<1x512xf32> to vector<1024x512xf32>
    %eq3A_823 = arith.cmpf oeq, %eq3A_822, %add3A_706 : vector<1024x512xf32>
    %convert_element_type3A_824 = arith.extui %eq3A_823 : vector<1024x512xi1> to vector<1024x512xi32>
    %convert_element_type3A_825 = arith.sitofp %convert_element_type3A_824 : vector<1024x512xi32> to vector<1024x512xf32>
    %mul3A_826 = vector.broadcast %add3A_621 : vector<1x512xf32> to vector<1024x512xf32>
    %mul3A_827 = arith.mulf %convert_element_type3A_825, %mul3A_826 : vector<1024x512xf32>
    %get3A_828 = arith.constant 1536 : index
    %get3A_829 = arith.constant 0 : index
    %get3A_830 = vector.load %arg4[%get3A_828, %get3A_829] : memref<4096x1xf32, #tpu.memory_space<vmem>>, vector<512x1xf32>
    %dot_general3A_831 = arith.constant dense<0.000000e+00> : vector<1024x1xf32>
    %dot_general3A_832 = tpu.matmul %mul3A_827, %get3A_830, %dot_general3A_831 {dimension_numbers = #tpu.dot_dimension_numbers<[1], [0], [0], [1], [0, 0, 1, 1], [], []>, transpose_lhs_hint = false} : vector<1024x512xf32>, vector<512x1xf32>, vector<1024x1xf32> -> vector<1024x1xf32>
    %mul3A_833 = arith.constant 6.400000e+01 : f32
    %mul3A_834 = vector.broadcast %mul3A_833 : f32 to vector<1024x1xf32>
    %mul3A_835 = arith.mulf %mul3A_834, %dot_general3A_832 : vector<1024x1xf32>
    %add3A_836 = arith.addf %add3A_809, %mul3A_835 : vector<1024x1xf32>
    %get3A_837 = arith.constant 1536 : index
    %get3A_838 = arith.constant 0 : index
    %get3A_839 = vector.load %arg5[%get3A_837, %get3A_838] : memref<4096x1xf32, #tpu.memory_space<vmem>>, vector<512x1xf32>
    %dot_general3A_840 = arith.constant dense<0.000000e+00> : vector<1024x1xf32>
    %dot_general3A_841 = tpu.matmul %mul3A_827, %get3A_839, %dot_general3A_840 {dimension_numbers = #tpu.dot_dimension_numbers<[1], [0], [0], [1], [0, 0, 1, 1], [], []>, transpose_lhs_hint = false} : vector<1024x512xf32>, vector<512x1xf32>, vector<1024x1xf32> -> vector<1024x1xf32>
    %add3A_842 = arith.addf %add3A_836, %dot_general3A_841 : vector<1024x1xf32>
    %slice3A_843 = vector.extract_strided_slice %convert_element_type3A_713 {offsets = [1536, 0], sizes = [512, 1], strides = [1, 1]} : vector<4096x1xf32> to vector<512x1xf32>
    %dot_general3A_844 = arith.constant dense<0.000000e+00> : vector<1024x1xf32>
    %dot_general3A_845 = tpu.matmul %mul3A_827, %slice3A_843, %dot_general3A_844 {dimension_numbers = #tpu.dot_dimension_numbers<[1], [0], [0], [1], [0, 0, 1, 1], [], []>, transpose_lhs_hint = false} : vector<1024x512xf32>, vector<512x1xf32>, vector<1024x1xf32> -> vector<1024x1xf32>
    %add3A_846 = arith.addf %add3A_821, %dot_general3A_845 : vector<1024x1xf32>
    %slice3A_847 = vector.extract_strided_slice %convert_element_type3A_716 {offsets = [1536, 0], sizes = [512, 1], strides = [1, 1]} : vector<4096x1xf32> to vector<512x1xf32>
    %dot_general3A_848 = arith.constant dense<0.000000e+00> : vector<1024x1xf32>
    %dot_general3A_849 = tpu.matmul %mul3A_827, %slice3A_847, %dot_general3A_848 {dimension_numbers = #tpu.dot_dimension_numbers<[1], [0], [0], [1], [0, 0, 1, 1], [], []>, transpose_lhs_hint = false} : vector<1024x512xf32>, vector<512x1xf32>, vector<1024x1xf32> -> vector<1024x1xf32>
    %add3A_850 = arith.addf %add3A_846, %dot_general3A_849 : vector<1024x1xf32>
    %slice3A_851 = vector.extract_strided_slice %sub3A_718 {offsets = [1536, 0], sizes = [512, 1], strides = [1, 1]} : vector<4096x1xf32> to vector<512x1xf32>
    %dot_general3A_852 = arith.constant dense<0.000000e+00> : vector<1024x1xf32>
    %dot_general3A_853 = tpu.matmul %mul3A_827, %slice3A_851, %dot_general3A_852 {dimension_numbers = #tpu.dot_dimension_numbers<[1], [0], [0], [1], [0, 0, 1, 1], [], []>, transpose_lhs_hint = false} : vector<1024x512xf32>, vector<512x1xf32>, vector<1024x1xf32> -> vector<1024x1xf32>
    %add3A_854 = arith.addf %add3A_850, %dot_general3A_853 : vector<1024x1xf32>
    %eq3A_855 = vector.broadcast %add3A_684 : vector<1x512xf32> to vector<1024x512xf32>
    %eq3A_856 = arith.cmpf oeq, %eq3A_855, %add3A_706 : vector<1024x512xf32>
    %convert_element_type3A_857 = arith.extui %eq3A_856 : vector<1024x512xi1> to vector<1024x512xi32>
    %convert_element_type3A_858 = arith.sitofp %convert_element_type3A_857 : vector<1024x512xi32> to vector<1024x512xf32>
    %mul3A_859 = vector.broadcast %add3A_629 : vector<1x512xf32> to vector<1024x512xf32>
    %mul3A_860 = arith.mulf %convert_element_type3A_858, %mul3A_859 : vector<1024x512xf32>
    %get3A_861 = arith.constant 2048 : index
    %get3A_862 = arith.constant 0 : index
    %get3A_863 = vector.load %arg4[%get3A_861, %get3A_862] : memref<4096x1xf32, #tpu.memory_space<vmem>>, vector<512x1xf32>
    %dot_general3A_864 = arith.constant dense<0.000000e+00> : vector<1024x1xf32>
    %dot_general3A_865 = tpu.matmul %mul3A_860, %get3A_863, %dot_general3A_864 {dimension_numbers = #tpu.dot_dimension_numbers<[1], [0], [0], [1], [0, 0, 1, 1], [], []>, transpose_lhs_hint = false} : vector<1024x512xf32>, vector<512x1xf32>, vector<1024x1xf32> -> vector<1024x1xf32>
    %mul3A_866 = arith.constant 6.400000e+01 : f32
    %mul3A_867 = vector.broadcast %mul3A_866 : f32 to vector<1024x1xf32>
    %mul3A_868 = arith.mulf %mul3A_867, %dot_general3A_865 : vector<1024x1xf32>
    %add3A_869 = arith.addf %add3A_842, %mul3A_868 : vector<1024x1xf32>
    %get3A_870 = arith.constant 2048 : index
    %get3A_871 = arith.constant 0 : index
    %get3A_872 = vector.load %arg5[%get3A_870, %get3A_871] : memref<4096x1xf32, #tpu.memory_space<vmem>>, vector<512x1xf32>
    %dot_general3A_873 = arith.constant dense<0.000000e+00> : vector<1024x1xf32>
    %dot_general3A_874 = tpu.matmul %mul3A_860, %get3A_872, %dot_general3A_873 {dimension_numbers = #tpu.dot_dimension_numbers<[1], [0], [0], [1], [0, 0, 1, 1], [], []>, transpose_lhs_hint = false} : vector<1024x512xf32>, vector<512x1xf32>, vector<1024x1xf32> -> vector<1024x1xf32>
    %add3A_875 = arith.addf %add3A_869, %dot_general3A_874 : vector<1024x1xf32>
    %slice3A_876 = vector.extract_strided_slice %convert_element_type3A_713 {offsets = [2048, 0], sizes = [512, 1], strides = [1, 1]} : vector<4096x1xf32> to vector<512x1xf32>
    %dot_general3A_877 = arith.constant dense<0.000000e+00> : vector<1024x1xf32>
    %dot_general3A_878 = tpu.matmul %mul3A_860, %slice3A_876, %dot_general3A_877 {dimension_numbers = #tpu.dot_dimension_numbers<[1], [0], [0], [1], [0, 0, 1, 1], [], []>, transpose_lhs_hint = false} : vector<1024x512xf32>, vector<512x1xf32>, vector<1024x1xf32> -> vector<1024x1xf32>
    %add3A_879 = arith.addf %add3A_854, %dot_general3A_878 : vector<1024x1xf32>
    %slice3A_880 = vector.extract_strided_slice %convert_element_type3A_716 {offsets = [2048, 0], sizes = [512, 1], strides = [1, 1]} : vector<4096x1xf32> to vector<512x1xf32>
    %dot_general3A_881 = arith.constant dense<0.000000e+00> : vector<1024x1xf32>
    %dot_general3A_882 = tpu.matmul %mul3A_860, %slice3A_880, %dot_general3A_881 {dimension_numbers = #tpu.dot_dimension_numbers<[1], [0], [0], [1], [0, 0, 1, 1], [], []>, transpose_lhs_hint = false} : vector<1024x512xf32>, vector<512x1xf32>, vector<1024x1xf32> -> vector<1024x1xf32>
    %add3A_883 = arith.addf %add3A_879, %dot_general3A_882 : vector<1024x1xf32>
    %slice3A_884 = vector.extract_strided_slice %sub3A_718 {offsets = [2048, 0], sizes = [512, 1], strides = [1, 1]} : vector<4096x1xf32> to vector<512x1xf32>
    %dot_general3A_885 = arith.constant dense<0.000000e+00> : vector<1024x1xf32>
    %dot_general3A_886 = tpu.matmul %mul3A_860, %slice3A_884, %dot_general3A_885 {dimension_numbers = #tpu.dot_dimension_numbers<[1], [0], [0], [1], [0, 0, 1, 1], [], []>, transpose_lhs_hint = false} : vector<1024x512xf32>, vector<512x1xf32>, vector<1024x1xf32> -> vector<1024x1xf32>
    %add3A_887 = arith.addf %add3A_883, %dot_general3A_886 : vector<1024x1xf32>
    %eq3A_888 = vector.broadcast %add3A_690 : vector<1x512xf32> to vector<1024x512xf32>
    %eq3A_889 = arith.cmpf oeq, %eq3A_888, %add3A_706 : vector<1024x512xf32>
    %convert_element_type3A_890 = arith.extui %eq3A_889 : vector<1024x512xi1> to vector<1024x512xi32>
    %convert_element_type3A_891 = arith.sitofp %convert_element_type3A_890 : vector<1024x512xi32> to vector<1024x512xf32>
    %mul3A_892 = vector.broadcast %add3A_637 : vector<1x512xf32> to vector<1024x512xf32>
    %mul3A_893 = arith.mulf %convert_element_type3A_891, %mul3A_892 : vector<1024x512xf32>
    %get3A_894 = arith.constant 2560 : index
    %get3A_895 = arith.constant 0 : index
    %get3A_896 = vector.load %arg4[%get3A_894, %get3A_895] : memref<4096x1xf32, #tpu.memory_space<vmem>>, vector<512x1xf32>
    %dot_general3A_897 = arith.constant dense<0.000000e+00> : vector<1024x1xf32>
    %dot_general3A_898 = tpu.matmul %mul3A_893, %get3A_896, %dot_general3A_897 {dimension_numbers = #tpu.dot_dimension_numbers<[1], [0], [0], [1], [0, 0, 1, 1], [], []>, transpose_lhs_hint = false} : vector<1024x512xf32>, vector<512x1xf32>, vector<1024x1xf32> -> vector<1024x1xf32>
    %mul3A_899 = arith.constant 6.400000e+01 : f32
    %mul3A_900 = vector.broadcast %mul3A_899 : f32 to vector<1024x1xf32>
    %mul3A_901 = arith.mulf %mul3A_900, %dot_general3A_898 : vector<1024x1xf32>
    %add3A_902 = arith.addf %add3A_875, %mul3A_901 : vector<1024x1xf32>
    %get3A_903 = arith.constant 2560 : index
    %get3A_904 = arith.constant 0 : index
    %get3A_905 = vector.load %arg5[%get3A_903, %get3A_904] : memref<4096x1xf32, #tpu.memory_space<vmem>>, vector<512x1xf32>
    %dot_general3A_906 = arith.constant dense<0.000000e+00> : vector<1024x1xf32>
    %dot_general3A_907 = tpu.matmul %mul3A_893, %get3A_905, %dot_general3A_906 {dimension_numbers = #tpu.dot_dimension_numbers<[1], [0], [0], [1], [0, 0, 1, 1], [], []>, transpose_lhs_hint = false} : vector<1024x512xf32>, vector<512x1xf32>, vector<1024x1xf32> -> vector<1024x1xf32>
    %add3A_908 = arith.addf %add3A_902, %dot_general3A_907 : vector<1024x1xf32>
    %slice3A_909 = vector.extract_strided_slice %convert_element_type3A_713 {offsets = [2560, 0], sizes = [512, 1], strides = [1, 1]} : vector<4096x1xf32> to vector<512x1xf32>
    %dot_general3A_910 = arith.constant dense<0.000000e+00> : vector<1024x1xf32>
    %dot_general3A_911 = tpu.matmul %mul3A_893, %slice3A_909, %dot_general3A_910 {dimension_numbers = #tpu.dot_dimension_numbers<[1], [0], [0], [1], [0, 0, 1, 1], [], []>, transpose_lhs_hint = false} : vector<1024x512xf32>, vector<512x1xf32>, vector<1024x1xf32> -> vector<1024x1xf32>
    %add3A_912 = arith.addf %add3A_887, %dot_general3A_911 : vector<1024x1xf32>
    %slice3A_913 = vector.extract_strided_slice %convert_element_type3A_716 {offsets = [2560, 0], sizes = [512, 1], strides = [1, 1]} : vector<4096x1xf32> to vector<512x1xf32>
    %dot_general3A_914 = arith.constant dense<0.000000e+00> : vector<1024x1xf32>
    %dot_general3A_915 = tpu.matmul %mul3A_893, %slice3A_913, %dot_general3A_914 {dimension_numbers = #tpu.dot_dimension_numbers<[1], [0], [0], [1], [0, 0, 1, 1], [], []>, transpose_lhs_hint = false} : vector<1024x512xf32>, vector<512x1xf32>, vector<1024x1xf32> -> vector<1024x1xf32>
    %add3A_916 = arith.addf %add3A_912, %dot_general3A_915 : vector<1024x1xf32>
    %slice3A_917 = vector.extract_strided_slice %sub3A_718 {offsets = [2560, 0], sizes = [512, 1], strides = [1, 1]} : vector<4096x1xf32> to vector<512x1xf32>
    %dot_general3A_918 = arith.constant dense<0.000000e+00> : vector<1024x1xf32>
    %dot_general3A_919 = tpu.matmul %mul3A_893, %slice3A_917, %dot_general3A_918 {dimension_numbers = #tpu.dot_dimension_numbers<[1], [0], [0], [1], [0, 0, 1, 1], [], []>, transpose_lhs_hint = false} : vector<1024x512xf32>, vector<512x1xf32>, vector<1024x1xf32> -> vector<1024x1xf32>
    %add3A_920 = arith.addf %add3A_916, %dot_general3A_919 : vector<1024x1xf32>
    %eq3A_921 = vector.broadcast %add3A_696 : vector<1x512xf32> to vector<1024x512xf32>
    %eq3A_922 = arith.cmpf oeq, %eq3A_921, %add3A_706 : vector<1024x512xf32>
    %convert_element_type3A_923 = arith.extui %eq3A_922 : vector<1024x512xi1> to vector<1024x512xi32>
    %convert_element_type3A_924 = arith.sitofp %convert_element_type3A_923 : vector<1024x512xi32> to vector<1024x512xf32>
    %mul3A_925 = vector.broadcast %add3A_645 : vector<1x512xf32> to vector<1024x512xf32>
    %mul3A_926 = arith.mulf %convert_element_type3A_924, %mul3A_925 : vector<1024x512xf32>
    %get3A_927 = arith.constant 3072 : index
    %get3A_928 = arith.constant 0 : index
    %get3A_929 = vector.load %arg4[%get3A_927, %get3A_928] : memref<4096x1xf32, #tpu.memory_space<vmem>>, vector<512x1xf32>
    %dot_general3A_930 = arith.constant dense<0.000000e+00> : vector<1024x1xf32>
    %dot_general3A_931 = tpu.matmul %mul3A_926, %get3A_929, %dot_general3A_930 {dimension_numbers = #tpu.dot_dimension_numbers<[1], [0], [0], [1], [0, 0, 1, 1], [], []>, transpose_lhs_hint = false} : vector<1024x512xf32>, vector<512x1xf32>, vector<1024x1xf32> -> vector<1024x1xf32>
    %mul3A_932 = arith.constant 6.400000e+01 : f32
    %mul3A_933 = vector.broadcast %mul3A_932 : f32 to vector<1024x1xf32>
    %mul3A_934 = arith.mulf %mul3A_933, %dot_general3A_931 : vector<1024x1xf32>
    %add3A_935 = arith.addf %add3A_908, %mul3A_934 : vector<1024x1xf32>
    %get3A_936 = arith.constant 3072 : index
    %get3A_937 = arith.constant 0 : index
    %get3A_938 = vector.load %arg5[%get3A_936, %get3A_937] : memref<4096x1xf32, #tpu.memory_space<vmem>>, vector<512x1xf32>
    %dot_general3A_939 = arith.constant dense<0.000000e+00> : vector<1024x1xf32>
    %dot_general3A_940 = tpu.matmul %mul3A_926, %get3A_938, %dot_general3A_939 {dimension_numbers = #tpu.dot_dimension_numbers<[1], [0], [0], [1], [0, 0, 1, 1], [], []>, transpose_lhs_hint = false} : vector<1024x512xf32>, vector<512x1xf32>, vector<1024x1xf32> -> vector<1024x1xf32>
    %add3A_941 = arith.addf %add3A_935, %dot_general3A_940 : vector<1024x1xf32>
    %slice3A_942 = vector.extract_strided_slice %convert_element_type3A_713 {offsets = [3072, 0], sizes = [512, 1], strides = [1, 1]} : vector<4096x1xf32> to vector<512x1xf32>
    %dot_general3A_943 = arith.constant dense<0.000000e+00> : vector<1024x1xf32>
    %dot_general3A_944 = tpu.matmul %mul3A_926, %slice3A_942, %dot_general3A_943 {dimension_numbers = #tpu.dot_dimension_numbers<[1], [0], [0], [1], [0, 0, 1, 1], [], []>, transpose_lhs_hint = false} : vector<1024x512xf32>, vector<512x1xf32>, vector<1024x1xf32> -> vector<1024x1xf32>
    %add3A_945 = arith.addf %add3A_920, %dot_general3A_944 : vector<1024x1xf32>
    %slice3A_946 = vector.extract_strided_slice %convert_element_type3A_716 {offsets = [3072, 0], sizes = [512, 1], strides = [1, 1]} : vector<4096x1xf32> to vector<512x1xf32>
    %dot_general3A_947 = arith.constant dense<0.000000e+00> : vector<1024x1xf32>
    %dot_general3A_948 = tpu.matmul %mul3A_926, %slice3A_946, %dot_general3A_947 {dimension_numbers = #tpu.dot_dimension_numbers<[1], [0], [0], [1], [0, 0, 1, 1], [], []>, transpose_lhs_hint = false} : vector<1024x512xf32>, vector<512x1xf32>, vector<1024x1xf32> -> vector<1024x1xf32>
    %add3A_949 = arith.addf %add3A_945, %dot_general3A_948 : vector<1024x1xf32>
    %slice3A_950 = vector.extract_strided_slice %sub3A_718 {offsets = [3072, 0], sizes = [512, 1], strides = [1, 1]} : vector<4096x1xf32> to vector<512x1xf32>
    %dot_general3A_951 = arith.constant dense<0.000000e+00> : vector<1024x1xf32>
    %dot_general3A_952 = tpu.matmul %mul3A_926, %slice3A_950, %dot_general3A_951 {dimension_numbers = #tpu.dot_dimension_numbers<[1], [0], [0], [1], [0, 0, 1, 1], [], []>, transpose_lhs_hint = false} : vector<1024x512xf32>, vector<512x1xf32>, vector<1024x1xf32> -> vector<1024x1xf32>
    %add3A_953 = arith.addf %add3A_949, %dot_general3A_952 : vector<1024x1xf32>
    %eq3A_954 = vector.broadcast %add3A_702 : vector<1x512xf32> to vector<1024x512xf32>
    %eq3A_955 = arith.cmpf oeq, %eq3A_954, %add3A_706 : vector<1024x512xf32>
    %convert_element_type3A_956 = arith.extui %eq3A_955 : vector<1024x512xi1> to vector<1024x512xi32>
    %convert_element_type3A_957 = arith.sitofp %convert_element_type3A_956 : vector<1024x512xi32> to vector<1024x512xf32>
    %mul3A_958 = vector.broadcast %add3A_653 : vector<1x512xf32> to vector<1024x512xf32>
    %mul3A_959 = arith.mulf %convert_element_type3A_957, %mul3A_958 : vector<1024x512xf32>
    %get3A_960 = arith.constant 3584 : index
    %get3A_961 = arith.constant 0 : index
    %get3A_962 = vector.load %arg4[%get3A_960, %get3A_961] : memref<4096x1xf32, #tpu.memory_space<vmem>>, vector<512x1xf32>
    %dot_general3A_963 = arith.constant dense<0.000000e+00> : vector<1024x1xf32>
    %dot_general3A_964 = tpu.matmul %mul3A_959, %get3A_962, %dot_general3A_963 {dimension_numbers = #tpu.dot_dimension_numbers<[1], [0], [0], [1], [0, 0, 1, 1], [], []>, transpose_lhs_hint = false} : vector<1024x512xf32>, vector<512x1xf32>, vector<1024x1xf32> -> vector<1024x1xf32>
    %mul3A_965 = arith.constant 6.400000e+01 : f32
    %mul3A_966 = vector.broadcast %mul3A_965 : f32 to vector<1024x1xf32>
    %mul3A_967 = arith.mulf %mul3A_966, %dot_general3A_964 : vector<1024x1xf32>
    %add3A_968 = arith.addf %add3A_941, %mul3A_967 : vector<1024x1xf32>
    %get3A_969 = arith.constant 3584 : index
    %get3A_970 = arith.constant 0 : index
    %get3A_971 = vector.load %arg5[%get3A_969, %get3A_970] : memref<4096x1xf32, #tpu.memory_space<vmem>>, vector<512x1xf32>
    %dot_general3A_972 = arith.constant dense<0.000000e+00> : vector<1024x1xf32>
    %dot_general3A_973 = tpu.matmul %mul3A_959, %get3A_971, %dot_general3A_972 {dimension_numbers = #tpu.dot_dimension_numbers<[1], [0], [0], [1], [0, 0, 1, 1], [], []>, transpose_lhs_hint = false} : vector<1024x512xf32>, vector<512x1xf32>, vector<1024x1xf32> -> vector<1024x1xf32>
    %add3A_974 = arith.addf %add3A_968, %dot_general3A_973 : vector<1024x1xf32>
    %slice3A_975 = vector.extract_strided_slice %convert_element_type3A_713 {offsets = [3584, 0], sizes = [512, 1], strides = [1, 1]} : vector<4096x1xf32> to vector<512x1xf32>
    %dot_general3A_976 = arith.constant dense<0.000000e+00> : vector<1024x1xf32>
    %dot_general3A_977 = tpu.matmul %mul3A_959, %slice3A_975, %dot_general3A_976 {dimension_numbers = #tpu.dot_dimension_numbers<[1], [0], [0], [1], [0, 0, 1, 1], [], []>, transpose_lhs_hint = false} : vector<1024x512xf32>, vector<512x1xf32>, vector<1024x1xf32> -> vector<1024x1xf32>
    %add3A_978 = arith.addf %add3A_953, %dot_general3A_977 : vector<1024x1xf32>
    %slice3A_979 = vector.extract_strided_slice %convert_element_type3A_716 {offsets = [3584, 0], sizes = [512, 1], strides = [1, 1]} : vector<4096x1xf32> to vector<512x1xf32>
    %dot_general3A_980 = arith.constant dense<0.000000e+00> : vector<1024x1xf32>
    %dot_general3A_981 = tpu.matmul %mul3A_959, %slice3A_979, %dot_general3A_980 {dimension_numbers = #tpu.dot_dimension_numbers<[1], [0], [0], [1], [0, 0, 1, 1], [], []>, transpose_lhs_hint = false} : vector<1024x512xf32>, vector<512x1xf32>, vector<1024x1xf32> -> vector<1024x1xf32>
    %add3A_982 = arith.addf %add3A_978, %dot_general3A_981 : vector<1024x1xf32>
    %slice3A_983 = vector.extract_strided_slice %sub3A_718 {offsets = [3584, 0], sizes = [512, 1], strides = [1, 1]} : vector<4096x1xf32> to vector<512x1xf32>
    %dot_general3A_984 = arith.constant dense<0.000000e+00> : vector<1024x1xf32>
    %dot_general3A_985 = tpu.matmul %mul3A_959, %slice3A_983, %dot_general3A_984 {dimension_numbers = #tpu.dot_dimension_numbers<[1], [0], [0], [1], [0, 0, 1, 1], [], []>, transpose_lhs_hint = false} : vector<1024x512xf32>, vector<512x1xf32>, vector<1024x1xf32> -> vector<1024x1xf32>
    %add3A_986 = arith.addf %add3A_982, %dot_general3A_985 : vector<1024x1xf32>
    %convert_element_type3A_987 = arith.fptosi %add3A_974 : vector<1024x1xf32> to vector<1024x1xi32>
    %swap3A = arith.constant 0 : index
    %swap3A_988 = arith.constant 0 : index
    %swap3A_989 = vector.load %arg6[%swap3A, %swap3A_988] : memref<1024x1xi32, #tpu.memory_space<vmem>>, vector<1024x1xi32>
    tpu.vector_store %arg6[%swap3A, %swap3A_988], %convert_element_type3A_987 {strides = array<i32>} : memref<1024x1xi32, #tpu.memory_space<vmem>>, vector<1024x1xi32>,
    %swap3A_990 = arith.constant 0 : index
    %swap3A_991 = arith.constant 0 : index
    %swap3A_992 = vector.load %arg7[%swap3A_990, %swap3A_991] : memref<1024x1xf32, #tpu.memory_space<vmem>>, vector<1024x1xf32>
    tpu.vector_store %arg7[%swap3A_990, %swap3A_991], %add3A_986 {strides = array<i32>} : memref<1024x1xf32, #tpu.memory_space<vmem>>, vector<1024x1xf32>,
    return
  }
  func.func @transform_0(%arg0: i32) -> (i32, i32, i32) {
    %c0_i32 = arith.constant 0 : i32
    %c0_i32_0 = arith.constant 0 : i32
    %c0_i32_1 = arith.constant 0 : i32
    return %arg0, %c0_i32, %c0_i32_0 : i32, i32, i32
  }
  func.func @transform_1(%arg0: i32) -> (i32, i32, i32) {
    %c0_i32 = arith.constant 0 : i32
    %c0_i32_0 = arith.constant 0 : i32
    %c0_i32_1 = arith.constant 0 : i32
    return %arg0, %c0_i32, %c0_i32_0 : i32, i32, i32
  }
  func.func @transform_2(%arg0: i32) -> (i32, i32) {
    %c0_i32 = arith.constant 0 : i32
    %c0_i32_0 = arith.constant 0 : i32
    %c0_i32_1 = arith.constant 0 : i32
    return %c0_i32, %c0_i32_0 : i32, i32
  }
  func.func @transform_3(%arg0: i32) -> (i32, i32) {
    %c0_i32 = arith.constant 0 : i32
    %c0_i32_0 = arith.constant 0 : i32
    %c0_i32_1 = arith.constant 0 : i32
    return %c0_i32, %c0_i32_0 : i32, i32
  }
  func.func @transform_4(%arg0: i32) -> (i32, i32) {
    %c0_i32 = arith.constant 0 : i32
    %c0_i32_0 = arith.constant 0 : i32
    %c0_i32_1 = arith.constant 0 : i32
    return %c0_i32, %c0_i32_0 : i32, i32
  }
  func.func @transform_5(%arg0: i32) -> (i32, i32) {
    %c0_i32 = arith.constant 0 : i32
    %c0_i32_0 = arith.constant 0 : i32
    return %arg0, %c0_i32 : i32, i32
  }
  func.func @transform_6(%arg0: i32) -> (i32, i32) {
    %c0_i32 = arith.constant 0 : i32
    %c0_i32_0 = arith.constant 0 : i32
    return %arg0, %c0_i32 : i32, i32
  }
}

module attributes {stable_mosaic.version = 14 : i64} {
  func.func @_rottab_body(%arg0: i32, %arg1: memref<1x64xf32, #tpu.memory_space<vmem>>, %arg2: memref<1x64xf32, #tpu.memory_space<vmem>>, %arg3: memref<4096x64xf32, #tpu.memory_space<vmem>>) attributes {dimension_semantics = [#tpu.dimension_semantics<arbitrary>], iteration_bounds = array<i64: 1>, scalar_prefetch = 0 : i64, scratch_operands = 0 : i64, tpu.core_type = #tpu.core_type<tc>, window_params = [{pipeline_mode = #tpu.pipeline_mode<synchronous>, transform_indices = @transform_0, window_bounds = array<i64: 1, 64>}, {pipeline_mode = #tpu.pipeline_mode<synchronous>, transform_indices = @transform_1, window_bounds = array<i64: 1, 64>}, {pipeline_mode = #tpu.pipeline_mode<synchronous>, transform_indices = @transform_2, window_bounds = array<i64: 4096, 64>}]} {
    %iota3A = tpu.iota {dimensions = array<i32: 0>} : vector<4096x64xi32>
    %convert_element_type3A = arith.sitofp %iota3A : vector<4096x64xi32> to vector<4096x64xf32>
    %get3A = arith.constant 0 : index
    %get3A_0 = arith.constant 0 : index
    %get3A_1 = vector.load %arg1[%get3A, %get3A_0] : memref<1x64xf32, #tpu.memory_space<vmem>>, vector<1x64xf32>
    %mul3A = vector.broadcast %get3A_1 : vector<1x64xf32> to vector<4096x64xf32>
    %mul3A_2 = arith.mulf %convert_element_type3A, %mul3A : vector<4096x64xf32>
    %get3A_3 = arith.constant 0 : index
    %get3A_4 = arith.constant 0 : index
    %get3A_5 = vector.load %arg2[%get3A_3, %get3A_4] : memref<1x64xf32, #tpu.memory_space<vmem>>, vector<1x64xf32>
    %ne3A = arith.constant 0.000000e+00 : f32
    %ne3A_6 = vector.broadcast %ne3A : f32 to vector<1x64xf32>
    %ne3A_7 = arith.cmpf one, %get3A_5, %ne3A_6 : vector<1x64xf32>
    %sin3A = math.sin %mul3A_2 : vector<4096x64xf32>
    %cos3A = math.cos %mul3A_2 : vector<4096x64xf32>
    %broadcast_in_dim3A = vector.shape_cast %ne3A_7 : vector<1x64xi1> to vector<1x64xi1>
    %broadcast_in_dim3A_8 = vector.broadcast %broadcast_in_dim3A : vector<1x64xi1> to vector<4096x64xi1>
    %select_n3A = arith.select %broadcast_in_dim3A_8, %sin3A, %cos3A : vector<4096x64xi1>, vector<4096x64xf32>
    %swap3A = arith.constant 0 : index
    %swap3A_9 = arith.constant 0 : index
    %swap3A_10 = vector.load %arg3[%swap3A, %swap3A_9] : memref<4096x64xf32, #tpu.memory_space<vmem>>, vector<4096x64xf32>
    tpu.vector_store %arg3[%swap3A, %swap3A_9], %select_n3A {strides = array<i32>} : memref<4096x64xf32, #tpu.memory_space<vmem>>, vector<4096x64xf32>,
    return
  }
  func.func @transform_0(%arg0: i32) -> (i32, i32) {
    %c0_i32 = arith.constant 0 : i32
    %c0_i32_0 = arith.constant 0 : i32
    %c0_i32_1 = arith.constant 0 : i32
    return %c0_i32, %c0_i32_0 : i32, i32
  }
  func.func @transform_1(%arg0: i32) -> (i32, i32) {
    %c0_i32 = arith.constant 0 : i32
    %c0_i32_0 = arith.constant 0 : i32
    %c0_i32_1 = arith.constant 0 : i32
    return %c0_i32, %c0_i32_0 : i32, i32
  }
  func.func @transform_2(%arg0: i32) -> (i32, i32) {
    %c0_i32 = arith.constant 0 : i32
    %c0_i32_0 = arith.constant 0 : i32
    %c0_i32_1 = arith.constant 0 : i32
    return %c0_i32, %c0_i32_0 : i32, i32
  }
}

module attributes {stable_mosaic.version = 14 : i64} {
  func.func @_proj_body(%arg0: i32, %arg1: memref<512x1024xf32, #tpu.memory_space<vmem>>, %arg2: memref<1024x1024xf32, #tpu.memory_space<vmem>>, %arg3: memref<512x1024xf32, #tpu.memory_space<vmem>>) attributes {dimension_semantics = [#tpu.dimension_semantics<arbitrary>], iteration_bounds = array<i64: 16>, scalar_prefetch = 0 : i64, scratch_operands = 0 : i64, tpu.core_type = #tpu.core_type<tc>, window_params = [{transform_indices = @transform_0, window_bounds = array<i64: 512, 1024>}, {pipeline_mode = #tpu.pipeline_mode<synchronous>, transform_indices = @transform_1, window_bounds = array<i64: 1024, 1024>}, {transform_indices = @transform_2, window_bounds = array<i64: 512, 1024>}]} {
    %get3A = arith.constant 0 : index
    %get3A_0 = arith.constant 0 : index
    %get3A_1 = vector.load %arg1[%get3A, %get3A_0] : memref<512x1024xf32, #tpu.memory_space<vmem>>, vector<512x1024xf32>
    %get3A_2 = arith.constant 0 : index
    %get3A_3 = arith.constant 0 : index
    %get3A_4 = vector.load %arg2[%get3A_2, %get3A_3] : memref<1024x1024xf32, #tpu.memory_space<vmem>>, vector<1024x1024xf32>
    %dot_general3A = arith.constant dense<0.000000e+00> : vector<512x1024xf32>
    %dot_general3A_5 = tpu.matmul %get3A_1, %get3A_4, %dot_general3A {dimension_numbers = #tpu.dot_dimension_numbers<[1], [0], [0], [1], [0, 0, 1, 1], [], []>, transpose_lhs_hint = false} : vector<512x1024xf32>, vector<1024x1024xf32>, vector<512x1024xf32> -> vector<512x1024xf32>
    %swap3A = arith.constant 0 : index
    %swap3A_6 = arith.constant 0 : index
    %swap3A_7 = vector.load %arg3[%swap3A, %swap3A_6] : memref<512x1024xf32, #tpu.memory_space<vmem>>, vector<512x1024xf32>
    tpu.vector_store %arg3[%swap3A, %swap3A_6], %dot_general3A_5 {strides = array<i32>} : memref<512x1024xf32, #tpu.memory_space<vmem>>, vector<512x1024xf32>,
    return
  }
  func.func @transform_0(%arg0: i32) -> (i32, i32) {
    %c0_i32 = arith.constant 0 : i32
    %c0_i32_0 = arith.constant 0 : i32
    return %arg0, %c0_i32 : i32, i32
  }
  func.func @transform_1(%arg0: i32) -> (i32, i32) {
    %c0_i32 = arith.constant 0 : i32
    %c0_i32_0 = arith.constant 0 : i32
    %c0_i32_1 = arith.constant 0 : i32
    return %c0_i32, %c0_i32_0 : i32, i32
  }
  func.func @transform_2(%arg0: i32) -> (i32, i32) {
    %c0_i32 = arith.constant 0 : i32
    %c0_i32_0 = arith.constant 0 : i32
    return %arg0, %c0_i32 : i32, i32
  }
}

module attributes {stable_mosaic.version = 14 : i64} {
  func.func @_proj_rot_body(%arg0: i32, %arg1: memref<512x1024xf32, #tpu.memory_space<vmem>>, %arg2: memref<1024x1024xf32, #tpu.memory_space<vmem>>, %arg3: memref<512x64xf32, #tpu.memory_space<vmem>>, %arg4: memref<512x1024xf32, #tpu.memory_space<vmem>>) attributes {dimension_semantics = [#tpu.dimension_semantics<arbitrary>], iteration_bounds = array<i64: 16>, scalar_prefetch = 0 : i64, scratch_operands = 0 : i64, tpu.core_type = #tpu.core_type<tc>, window_params = [{transform_indices = @transform_0, window_bounds = array<i64: 512, 1024>}, {pipeline_mode = #tpu.pipeline_mode<synchronous>, transform_indices = @transform_1, window_bounds = array<i64: 1024, 1024>}, {transform_indices = @transform_2, window_bounds = array<i64: 512, 64>}, {transform_indices = @transform_3, window_bounds = array<i64: 512, 1024>}]} {
    %get3A = arith.constant 0 : index
    %get3A_0 = arith.constant 0 : index
    %get3A_1 = vector.load %arg1[%get3A, %get3A_0] : memref<512x1024xf32, #tpu.memory_space<vmem>>, vector<512x1024xf32>
    %get3A_2 = arith.constant 0 : index
    %get3A_3 = arith.constant 0 : index
    %get3A_4 = vector.load %arg2[%get3A_2, %get3A_3] : memref<1024x1024xf32, #tpu.memory_space<vmem>>, vector<1024x1024xf32>
    %dot_general3A = arith.constant dense<0.000000e+00> : vector<512x1024xf32>
    %dot_general3A_5 = tpu.matmul %get3A_1, %get3A_4, %dot_general3A {dimension_numbers = #tpu.dot_dimension_numbers<[1], [0], [0], [1], [0, 0, 1, 1], [], []>, transpose_lhs_hint = false} : vector<512x1024xf32>, vector<1024x1024xf32>, vector<512x1024xf32> -> vector<512x1024xf32>
    %get3A_6 = arith.constant 0 : index
    %get3A_7 = arith.constant 0 : index
    %get3A_8 = vector.load %arg3[%get3A_6, %get3A_7] : memref<512x64xf32, #tpu.memory_space<vmem>>, vector<512x64xf32>
    %concatenate3A = tpu.concatenate %get3A_8, %get3A_8, %get3A_8, %get3A_8, %get3A_8, %get3A_8, %get3A_8, %get3A_8, %get3A_8, %get3A_8, %get3A_8, %get3A_8, %get3A_8, %get3A_8, %get3A_8, %get3A_8 in 1 : vector<512x64xf32>, vector<512x64xf32>, vector<512x64xf32>, vector<512x64xf32>, vector<512x64xf32>, vector<512x64xf32>, vector<512x64xf32>, vector<512x64xf32>, vector<512x64xf32>, vector<512x64xf32>, vector<512x64xf32>, vector<512x64xf32>, vector<512x64xf32>, vector<512x64xf32>, vector<512x64xf32>, vector<512x64xf32> -> vector<512x1024xf32>
    %mul3A = arith.mulf %dot_general3A_5, %concatenate3A : vector<512x1024xf32>
    %swap3A = arith.constant 0 : index
    %swap3A_9 = arith.constant 0 : index
    %swap3A_10 = vector.load %arg4[%swap3A, %swap3A_9] : memref<512x1024xf32, #tpu.memory_space<vmem>>, vector<512x1024xf32>
    tpu.vector_store %arg4[%swap3A, %swap3A_9], %mul3A {strides = array<i32>} : memref<512x1024xf32, #tpu.memory_space<vmem>>, vector<512x1024xf32>,
    return
  }
  func.func @transform_0(%arg0: i32) -> (i32, i32) {
    %c0_i32 = arith.constant 0 : i32
    %c0_i32_0 = arith.constant 0 : i32
    return %arg0, %c0_i32 : i32, i32
  }
  func.func @transform_1(%arg0: i32) -> (i32, i32) {
    %c0_i32 = arith.constant 0 : i32
    %c0_i32_0 = arith.constant 0 : i32
    %c0_i32_1 = arith.constant 0 : i32
    return %c0_i32, %c0_i32_0 : i32, i32
  }
  func.func @transform_2(%arg0: i32) -> (i32, i32) {
    %c0_i32 = arith.constant 0 : i32
    %c0_i32_0 = arith.constant 0 : i32
    return %arg0, %c0_i32 : i32, i32
  }
  func.func @transform_3(%arg0: i32) -> (i32, i32) {
    %c0_i32 = arith.constant 0 : i32
    %c0_i32_0 = arith.constant 0 : i32
    return %arg0, %c0_i32 : i32, i32
  }
}

module attributes {stable_mosaic.version = 14 : i64} {
  func.func @_proj_rope_body(%arg0: i32, %arg1: memref<512x1024xf32, #tpu.memory_space<vmem>>, %arg2: memref<1024x1024xf32, #tpu.memory_space<vmem>>, %arg3: memref<512x1xf32, #tpu.memory_space<vmem>>, %arg4: memref<1x1024xf32, #tpu.memory_space<vmem>>, %arg5: memref<1x1024xf32, #tpu.memory_space<vmem>>, %arg6: memref<512x1024xf32, #tpu.memory_space<vmem>>) attributes {dimension_semantics = [#tpu.dimension_semantics<arbitrary>], iteration_bounds = array<i64: 4>, scalar_prefetch = 0 : i64, scratch_operands = 0 : i64, tpu.core_type = #tpu.core_type<tc>, window_params = [{transform_indices = @transform_0, window_bounds = array<i64: 512, 1024>}, {pipeline_mode = #tpu.pipeline_mode<synchronous>, transform_indices = @transform_1, window_bounds = array<i64: 1024, 1024>}, {transform_indices = @transform_2, window_bounds = array<i64: 512, 1>}, {pipeline_mode = #tpu.pipeline_mode<synchronous>, transform_indices = @transform_3, window_bounds = array<i64: 1, 1024>}, {pipeline_mode = #tpu.pipeline_mode<synchronous>, transform_indices = @transform_4, window_bounds = array<i64: 1, 1024>}, {transform_indices = @transform_5, window_bounds = array<i64: 512, 1024>}]} {
    %get3A = arith.constant 0 : index
    %get3A_0 = arith.constant 0 : index
    %get3A_1 = vector.load %arg1[%get3A, %get3A_0] : memref<512x1024xf32, #tpu.memory_space<vmem>>, vector<512x1024xf32>
    %get3A_2 = arith.constant 0 : index
    %get3A_3 = arith.constant 0 : index
    %get3A_4 = vector.load %arg2[%get3A_2, %get3A_3] : memref<1024x1024xf32, #tpu.memory_space<vmem>>, vector<1024x1024xf32>
    %dot_general3A = arith.constant dense<0.000000e+00> : vector<512x1024xf32>
    %dot_general3A_5 = tpu.matmul %get3A_1, %get3A_4, %dot_general3A {dimension_numbers = #tpu.dot_dimension_numbers<[1], [0], [0], [1], [0, 0, 1, 1], [], []>, transpose_lhs_hint = false} : vector<512x1024xf32>, vector<1024x1024xf32>, vector<512x1024xf32> -> vector<512x1024xf32>
    %get3A_6 = arith.constant 0 : index
    %get3A_7 = arith.constant 0 : index
    %get3A_8 = vector.load %arg3[%get3A_6, %get3A_7] : memref<512x1xf32, #tpu.memory_space<vmem>>, vector<512x1xf32>
    %get3A_9 = arith.constant 0 : index
    %get3A_10 = arith.constant 0 : index
    %get3A_11 = vector.load %arg4[%get3A_9, %get3A_10] : memref<1x1024xf32, #tpu.memory_space<vmem>>, vector<1x1024xf32>
    %mul3A = vector.broadcast %get3A_8 : vector<512x1xf32> to vector<512x1024xf32>
    %mul3A_12 = vector.broadcast %get3A_11 : vector<1x1024xf32> to vector<512x1024xf32>
    %mul3A_13 = arith.mulf %mul3A, %mul3A_12 : vector<512x1024xf32>
    %get3A_14 = arith.constant 0 : index
    %get3A_15 = arith.constant 0 : index
    %get3A_16 = vector.load %arg5[%get3A_14, %get3A_15] : memref<1x1024xf32, #tpu.memory_space<vmem>>, vector<1x1024xf32>
    %ne3A = arith.constant 0.000000e+00 : f32
    %ne3A_17 = vector.broadcast %ne3A : f32 to vector<1x1024xf32>
    %ne3A_18 = arith.cmpf one, %get3A_16, %ne3A_17 : vector<1x1024xf32>
    %sin3A = math.sin %mul3A_13 : vector<512x1024xf32>
    %cos3A = math.cos %mul3A_13 : vector<512x1024xf32>
    %broadcast_in_dim3A = vector.shape_cast %ne3A_18 : vector<1x1024xi1> to vector<1x1024xi1>
    %broadcast_in_dim3A_19 = vector.broadcast %broadcast_in_dim3A : vector<1x1024xi1> to vector<512x1024xi1>
    %select_n3A = arith.select %broadcast_in_dim3A_19, %sin3A, %cos3A : vector<512x1024xi1>, vector<512x1024xf32>
    %mul3A_20 = arith.mulf %dot_general3A_5, %select_n3A : vector<512x1024xf32>
    %swap3A = arith.constant 0 : index
    %swap3A_21 = arith.constant 0 : index
    %swap3A_22 = vector.load %arg6[%swap3A, %swap3A_21] : memref<512x1024xf32, #tpu.memory_space<vmem>>, vector<512x1024xf32>
    tpu.vector_store %arg6[%swap3A, %swap3A_21], %mul3A_20 {strides = array<i32>} : memref<512x1024xf32, #tpu.memory_space<vmem>>, vector<512x1024xf32>,
    return
  }
  func.func @transform_0(%arg0: i32) -> (i32, i32) {
    %c0_i32 = arith.constant 0 : i32
    %c0_i32_0 = arith.constant 0 : i32
    return %arg0, %c0_i32 : i32, i32
  }
  func.func @transform_1(%arg0: i32) -> (i32, i32) {
    %c0_i32 = arith.constant 0 : i32
    %c0_i32_0 = arith.constant 0 : i32
    %c0_i32_1 = arith.constant 0 : i32
    return %c0_i32, %c0_i32_0 : i32, i32
  }
  func.func @transform_2(%arg0: i32) -> (i32, i32) {
    %c0_i32 = arith.constant 0 : i32
    %c0_i32_0 = arith.constant 0 : i32
    return %arg0, %c0_i32 : i32, i32
  }
  func.func @transform_3(%arg0: i32) -> (i32, i32) {
    %c0_i32 = arith.constant 0 : i32
    %c0_i32_0 = arith.constant 0 : i32
    %c0_i32_1 = arith.constant 0 : i32
    return %c0_i32, %c0_i32_0 : i32, i32
  }
  func.func @transform_4(%arg0: i32) -> (i32, i32) {
    %c0_i32 = arith.constant 0 : i32
    %c0_i32_0 = arith.constant 0 : i32
    %c0_i32_1 = arith.constant 0 : i32
    return %c0_i32, %c0_i32_0 : i32, i32
  }
  func.func @transform_5(%arg0: i32) -> (i32, i32) {
    %c0_i32 = arith.constant 0 : i32
    %c0_i32_0 = arith.constant 0 : i32
    return %arg0, %c0_i32 : i32, i32
  }
}

module attributes {stable_mosaic.version = 14 : i64} {
  func.func @_attn_body(%arg0: i32, %arg1: i32, %arg2: i32, %arg3: memref<512x1024xf32, #tpu.memory_space<vmem>>, %arg4: memref<1024x1024xf32, #tpu.memory_space<vmem>>, %arg5: memref<1024x1024xf32, #tpu.memory_space<vmem>>, %arg6: memref<512x1024xf32, #tpu.memory_space<vmem>>, %arg7: memref<512x16xf32, #tpu.memory_space<vmem>>, %arg8: memref<512x1024xf32, #tpu.memory_space<vmem>>) attributes {dimension_semantics = [#tpu.dimension_semantics<arbitrary>, #tpu.dimension_semantics<arbitrary>, #tpu.dimension_semantics<arbitrary>], iteration_bounds = array<i64: 2, 2, 4>, scalar_prefetch = 0 : i64, scratch_operands = 2 : i64, tpu.core_type = #tpu.core_type<tc>, window_params = [{transform_indices = @transform_0, window_bounds = array<i64: 512, 1024>}, {transform_indices = @transform_1, window_bounds = array<i64: 1024, 1024>}, {transform_indices = @transform_2, window_bounds = array<i64: 1024, 1024>}, {transform_indices = @transform_3, window_bounds = array<i64: 512, 1024>}]} {
    %eq3A = arith.constant 0 : i32
    %eq3A_0 = arith.cmpi eq, %arg2, %eq3A : i32
    %convert_element_type3A = arith.extui %eq3A_0 : i1 to i32
    %cond3A = arith.constant 0 : i32
    %cond3A_1 = arith.cmpi ne, %convert_element_type3A, %cond3A : i32
    scf.if %cond3A_1 {
      %broadcast_in_dim3A_543 = arith.constant 0.000000e+00 : f32
      %broadcast_in_dim3A_544 = vector.broadcast %broadcast_in_dim3A_543 : f32 to vector<512x16xf32>
      %swap3A_545 = arith.constant 0 : index
      %swap3A_546 = arith.constant 0 : index
      %swap3A_547 = vector.load %arg7[%swap3A_545, %swap3A_546] : memref<512x16xf32, #tpu.memory_space<vmem>>, vector<512x16xf32>
      tpu.vector_store %arg7[%swap3A_545, %swap3A_546], %broadcast_in_dim3A_544 {strides = array<i32>} : memref<512x16xf32, #tpu.memory_space<vmem>>, vector<512x16xf32>,
      %broadcast_in_dim3A_548 = arith.constant 0.000000e+00 : f32
      %broadcast_in_dim3A_549 = vector.broadcast %broadcast_in_dim3A_548 : f32 to vector<512x1024xf32>
      %swap3A_550 = arith.constant 0 : index
      %swap3A_551 = arith.constant 0 : index
      %swap3A_552 = vector.load %arg8[%swap3A_550, %swap3A_551] : memref<512x1024xf32, #tpu.memory_space<vmem>>, vector<512x1024xf32>
      tpu.vector_store %arg8[%swap3A_550, %swap3A_551], %broadcast_in_dim3A_549 {strides = array<i32>} : memref<512x1024xf32, #tpu.memory_space<vmem>>, vector<512x1024xf32>,
    } else {
    }
    %get3A = arith.constant 0 : index
    %get3A_2 = arith.constant 0 : index
    %get3A_3 = vector.load %arg3[%get3A, %get3A_2] : memref<512x1024xf32, #tpu.memory_space<vmem>>, vector<512x64xf32>
    %mul3A = arith.constant 1.250000e-01 : f32
    %mul3A_4 = vector.broadcast %mul3A : f32 to vector<512x64xf32>
    %mul3A_5 = arith.mulf %get3A_3, %mul3A_4 : vector<512x64xf32>
    %get3A_6 = arith.constant 0 : index
    %get3A_7 = arith.constant 0 : index
    %get3A_8 = vector.load %arg4[%get3A_6, %get3A_7] : memref<1024x1024xf32, #tpu.memory_space<vmem>>, vector<1024x64xf32>
    %dot_general3A = arith.constant dense<0.000000e+00> : vector<512x1024xf32>
    %dot_general3A_9 = tpu.matmul %mul3A_5, %get3A_8, %dot_general3A {dimension_numbers = #tpu.dot_dimension_numbers<[1], [1], [0], [0], [0, 0, 1, 0], [], []>, transpose_lhs_hint = false} : vector<512x64xf32>, vector<1024x64xf32>, vector<512x1024xf32> -> vector<512x1024xf32>
    %exp3A = math.exp %dot_general3A_9 : vector<512x1024xf32>
    %get3A_10 = arith.constant 0 : index
    %get3A_11 = arith.constant 0 : index
    %get3A_12 = vector.load %arg7[%get3A_10, %get3A_11] : memref<512x16xf32, #tpu.memory_space<vmem>>, vector<512x1xf32>
    %reduce_sum3A = arith.constant dense<0.000000e+00> : vector<512xf32>
    %reduce_sum3A_13 = vector.multi_reduction <add>, %exp3A, %reduce_sum3A [1] : vector<512x1024xf32> to vector<512xf32>
    %broadcast_in_dim3A = vector.shape_cast %reduce_sum3A_13 : vector<512xf32> to vector<512x1xf32>
    %add3A = arith.addf %get3A_12, %broadcast_in_dim3A : vector<512x1xf32>
    %swap3A = arith.constant 0 : index
    %swap3A_14 = arith.constant 0 : index
    %swap3A_15 = vector.load %arg7[%swap3A, %swap3A_14] : memref<512x16xf32, #tpu.memory_space<vmem>>, vector<512x1xf32>
    tpu.vector_store %arg7[%swap3A, %swap3A_14], %add3A {strides = array<i32>} : memref<512x16xf32, #tpu.memory_space<vmem>>, vector<512x1xf32>,
    %get3A_16 = arith.constant 0 : index
    %get3A_17 = arith.constant 0 : index
    %get3A_18 = vector.load %arg8[%get3A_16, %get3A_17] : memref<512x1024xf32, #tpu.memory_space<vmem>>, vector<512x64xf32>
    %get3A_19 = arith.constant 0 : index
    %get3A_20 = arith.constant 0 : index
    %get3A_21 = vector.load %arg5[%get3A_19, %get3A_20] : memref<1024x1024xf32, #tpu.memory_space<vmem>>, vector<1024x64xf32>
    %dot_general3A_22 = arith.constant dense<0.000000e+00> : vector<512x64xf32>
    %dot_general3A_23 = tpu.matmul %exp3A, %get3A_21, %dot_general3A_22 {dimension_numbers = #tpu.dot_dimension_numbers<[1], [0], [0], [1], [0, 0, 1, 1], [], []>, transpose_lhs_hint = false} : vector<512x1024xf32>, vector<1024x64xf32>, vector<512x64xf32> -> vector<512x64xf32>
    %add3A_24 = arith.addf %get3A_18, %dot_general3A_23 : vector<512x64xf32>
    %swap3A_25 = arith.constant 0 : index
    %swap3A_26 = arith.constant 0 : index
    %swap3A_27 = vector.load %arg8[%swap3A_25, %swap3A_26] : memref<512x1024xf32, #tpu.memory_space<vmem>>, vector<512x64xf32>
    tpu.vector_store %arg8[%swap3A_25, %swap3A_26], %add3A_24 {strides = array<i32>} : memref<512x1024xf32, #tpu.memory_space<vmem>>, vector<512x64xf32>,
    %get3A_28 = arith.constant 0 : index
    %get3A_29 = arith.constant 64 : index
    %get3A_30 = vector.load %arg3[%get3A_28, %get3A_29] : memref<512x1024xf32, #tpu.memory_space<vmem>>, vector<512x64xf32>
    %mul3A_31 = arith.constant 1.250000e-01 : f32
    %mul3A_32 = vector.broadcast %mul3A_31 : f32 to vector<512x64xf32>
    %mul3A_33 = arith.mulf %get3A_30, %mul3A_32 : vector<512x64xf32>
    %get3A_34 = arith.constant 0 : index
    %get3A_35 = arith.constant 64 : index
    %get3A_36 = vector.load %arg4[%get3A_34, %get3A_35] : memref<1024x1024xf32, #tpu.memory_space<vmem>>, vector<1024x64xf32>
    %dot_general3A_37 = arith.constant dense<0.000000e+00> : vector<512x1024xf32>
    %dot_general3A_38 = tpu.matmul %mul3A_33, %get3A_36, %dot_general3A_37 {dimension_numbers = #tpu.dot_dimension_numbers<[1], [1], [0], [0], [0, 0, 1, 0], [], []>, transpose_lhs_hint = false} : vector<512x64xf32>, vector<1024x64xf32>, vector<512x1024xf32> -> vector<512x1024xf32>
    %exp3A_39 = math.exp %dot_general3A_38 : vector<512x1024xf32>
    %get3A_40 = arith.constant 0 : index
    %get3A_41 = arith.constant 1 : index
    %get3A_42 = vector.load %arg7[%get3A_40, %get3A_41] : memref<512x16xf32, #tpu.memory_space<vmem>>, vector<512x1xf32>
    %reduce_sum3A_43 = arith.constant dense<0.000000e+00> : vector<512xf32>
    %reduce_sum3A_44 = vector.multi_reduction <add>, %exp3A_39, %reduce_sum3A_43 [1] : vector<512x1024xf32> to vector<512xf32>
    %broadcast_in_dim3A_45 = vector.shape_cast %reduce_sum3A_44 : vector<512xf32> to vector<512x1xf32>
    %add3A_46 = arith.addf %get3A_42, %broadcast_in_dim3A_45 : vector<512x1xf32>
    %swap3A_47 = arith.constant 0 : index
    %swap3A_48 = arith.constant 1 : index
    %swap3A_49 = vector.load %arg7[%swap3A_47, %swap3A_48] : memref<512x16xf32, #tpu.memory_space<vmem>>, vector<512x1xf32>
    tpu.vector_store %arg7[%swap3A_47, %swap3A_48], %add3A_46 {strides = array<i32>} : memref<512x16xf32, #tpu.memory_space<vmem>>, vector<512x1xf32>,
    %get3A_50 = arith.constant 0 : index
    %get3A_51 = arith.constant 64 : index
    %get3A_52 = vector.load %arg8[%get3A_50, %get3A_51] : memref<512x1024xf32, #tpu.memory_space<vmem>>, vector<512x64xf32>
    %get3A_53 = arith.constant 0 : index
    %get3A_54 = arith.constant 64 : index
    %get3A_55 = vector.load %arg5[%get3A_53, %get3A_54] : memref<1024x1024xf32, #tpu.memory_space<vmem>>, vector<1024x64xf32>
    %dot_general3A_56 = arith.constant dense<0.000000e+00> : vector<512x64xf32>
    %dot_general3A_57 = tpu.matmul %exp3A_39, %get3A_55, %dot_general3A_56 {dimension_numbers = #tpu.dot_dimension_numbers<[1], [0], [0], [1], [0, 0, 1, 1], [], []>, transpose_lhs_hint = false} : vector<512x1024xf32>, vector<1024x64xf32>, vector<512x64xf32> -> vector<512x64xf32>
    %add3A_58 = arith.addf %get3A_52, %dot_general3A_57 : vector<512x64xf32>
    %swap3A_59 = arith.constant 0 : index
    %swap3A_60 = arith.constant 64 : index
    %swap3A_61 = vector.load %arg8[%swap3A_59, %swap3A_60] : memref<512x1024xf32, #tpu.memory_space<vmem>>, vector<512x64xf32>
    tpu.vector_store %arg8[%swap3A_59, %swap3A_60], %add3A_58 {strides = array<i32>} : memref<512x1024xf32, #tpu.memory_space<vmem>>, vector<512x64xf32>,
    %get3A_62 = arith.constant 0 : index
    %get3A_63 = arith.constant 128 : index
    %get3A_64 = vector.load %arg3[%get3A_62, %get3A_63] : memref<512x1024xf32, #tpu.memory_space<vmem>>, vector<512x64xf32>
    %mul3A_65 = arith.constant 1.250000e-01 : f32
    %mul3A_66 = vector.broadcast %mul3A_65 : f32 to vector<512x64xf32>
    %mul3A_67 = arith.mulf %get3A_64, %mul3A_66 : vector<512x64xf32>
    %get3A_68 = arith.constant 0 : index
    %get3A_69 = arith.constant 128 : index
    %get3A_70 = vector.load %arg4[%get3A_68, %get3A_69] : memref<1024x1024xf32, #tpu.memory_space<vmem>>, vector<1024x64xf32>
    %dot_general3A_71 = arith.constant dense<0.000000e+00> : vector<512x1024xf32>
    %dot_general3A_72 = tpu.matmul %mul3A_67, %get3A_70, %dot_general3A_71 {dimension_numbers = #tpu.dot_dimension_numbers<[1], [1], [0], [0], [0, 0, 1, 0], [], []>, transpose_lhs_hint = false} : vector<512x64xf32>, vector<1024x64xf32>, vector<512x1024xf32> -> vector<512x1024xf32>
    %exp3A_73 = math.exp %dot_general3A_72 : vector<512x1024xf32>
    %get3A_74 = arith.constant 0 : index
    %get3A_75 = arith.constant 2 : index
    %get3A_76 = vector.load %arg7[%get3A_74, %get3A_75] : memref<512x16xf32, #tpu.memory_space<vmem>>, vector<512x1xf32>
    %reduce_sum3A_77 = arith.constant dense<0.000000e+00> : vector<512xf32>
    %reduce_sum3A_78 = vector.multi_reduction <add>, %exp3A_73, %reduce_sum3A_77 [1] : vector<512x1024xf32> to vector<512xf32>
    %broadcast_in_dim3A_79 = vector.shape_cast %reduce_sum3A_78 : vector<512xf32> to vector<512x1xf32>
    %add3A_80 = arith.addf %get3A_76, %broadcast_in_dim3A_79 : vector<512x1xf32>
    %swap3A_81 = arith.constant 0 : index
    %swap3A_82 = arith.constant 2 : index
    %swap3A_83 = vector.load %arg7[%swap3A_81, %swap3A_82] : memref<512x16xf32, #tpu.memory_space<vmem>>, vector<512x1xf32>
    tpu.vector_store %arg7[%swap3A_81, %swap3A_82], %add3A_80 {strides = array<i32>} : memref<512x16xf32, #tpu.memory_space<vmem>>, vector<512x1xf32>,
    %get3A_84 = arith.constant 0 : index
    %get3A_85 = arith.constant 128 : index
    %get3A_86 = vector.load %arg8[%get3A_84, %get3A_85] : memref<512x1024xf32, #tpu.memory_space<vmem>>, vector<512x64xf32>
    %get3A_87 = arith.constant 0 : index
    %get3A_88 = arith.constant 128 : index
    %get3A_89 = vector.load %arg5[%get3A_87, %get3A_88] : memref<1024x1024xf32, #tpu.memory_space<vmem>>, vector<1024x64xf32>
    %dot_general3A_90 = arith.constant dense<0.000000e+00> : vector<512x64xf32>
    %dot_general3A_91 = tpu.matmul %exp3A_73, %get3A_89, %dot_general3A_90 {dimension_numbers = #tpu.dot_dimension_numbers<[1], [0], [0], [1], [0, 0, 1, 1], [], []>, transpose_lhs_hint = false} : vector<512x1024xf32>, vector<1024x64xf32>, vector<512x64xf32> -> vector<512x64xf32>
    %add3A_92 = arith.addf %get3A_86, %dot_general3A_91 : vector<512x64xf32>
    %swap3A_93 = arith.constant 0 : index
    %swap3A_94 = arith.constant 128 : index
    %swap3A_95 = vector.load %arg8[%swap3A_93, %swap3A_94] : memref<512x1024xf32, #tpu.memory_space<vmem>>, vector<512x64xf32>
    tpu.vector_store %arg8[%swap3A_93, %swap3A_94], %add3A_92 {strides = array<i32>} : memref<512x1024xf32, #tpu.memory_space<vmem>>, vector<512x64xf32>,
    %get3A_96 = arith.constant 0 : index
    %get3A_97 = arith.constant 192 : index
    %get3A_98 = vector.load %arg3[%get3A_96, %get3A_97] : memref<512x1024xf32, #tpu.memory_space<vmem>>, vector<512x64xf32>
    %mul3A_99 = arith.constant 1.250000e-01 : f32
    %mul3A_100 = vector.broadcast %mul3A_99 : f32 to vector<512x64xf32>
    %mul3A_101 = arith.mulf %get3A_98, %mul3A_100 : vector<512x64xf32>
    %get3A_102 = arith.constant 0 : index
    %get3A_103 = arith.constant 192 : index
    %get3A_104 = vector.load %arg4[%get3A_102, %get3A_103] : memref<1024x1024xf32, #tpu.memory_space<vmem>>, vector<1024x64xf32>
    %dot_general3A_105 = arith.constant dense<0.000000e+00> : vector<512x1024xf32>
    %dot_general3A_106 = tpu.matmul %mul3A_101, %get3A_104, %dot_general3A_105 {dimension_numbers = #tpu.dot_dimension_numbers<[1], [1], [0], [0], [0, 0, 1, 0], [], []>, transpose_lhs_hint = false} : vector<512x64xf32>, vector<1024x64xf32>, vector<512x1024xf32> -> vector<512x1024xf32>
    %exp3A_107 = math.exp %dot_general3A_106 : vector<512x1024xf32>
    %get3A_108 = arith.constant 0 : index
    %get3A_109 = arith.constant 3 : index
    %get3A_110 = vector.load %arg7[%get3A_108, %get3A_109] : memref<512x16xf32, #tpu.memory_space<vmem>>, vector<512x1xf32>
    %reduce_sum3A_111 = arith.constant dense<0.000000e+00> : vector<512xf32>
    %reduce_sum3A_112 = vector.multi_reduction <add>, %exp3A_107, %reduce_sum3A_111 [1] : vector<512x1024xf32> to vector<512xf32>
    %broadcast_in_dim3A_113 = vector.shape_cast %reduce_sum3A_112 : vector<512xf32> to vector<512x1xf32>
    %add3A_114 = arith.addf %get3A_110, %broadcast_in_dim3A_113 : vector<512x1xf32>
    %swap3A_115 = arith.constant 0 : index
    %swap3A_116 = arith.constant 3 : index
    %swap3A_117 = vector.load %arg7[%swap3A_115, %swap3A_116] : memref<512x16xf32, #tpu.memory_space<vmem>>, vector<512x1xf32>
    tpu.vector_store %arg7[%swap3A_115, %swap3A_116], %add3A_114 {strides = array<i32>} : memref<512x16xf32, #tpu.memory_space<vmem>>, vector<512x1xf32>,
    %get3A_118 = arith.constant 0 : index
    %get3A_119 = arith.constant 192 : index
    %get3A_120 = vector.load %arg8[%get3A_118, %get3A_119] : memref<512x1024xf32, #tpu.memory_space<vmem>>, vector<512x64xf32>
    %get3A_121 = arith.constant 0 : index
    %get3A_122 = arith.constant 192 : index
    %get3A_123 = vector.load %arg5[%get3A_121, %get3A_122] : memref<1024x1024xf32, #tpu.memory_space<vmem>>, vector<1024x64xf32>
    %dot_general3A_124 = arith.constant dense<0.000000e+00> : vector<512x64xf32>
    %dot_general3A_125 = tpu.matmul %exp3A_107, %get3A_123, %dot_general3A_124 {dimension_numbers = #tpu.dot_dimension_numbers<[1], [0], [0], [1], [0, 0, 1, 1], [], []>, transpose_lhs_hint = false} : vector<512x1024xf32>, vector<1024x64xf32>, vector<512x64xf32> -> vector<512x64xf32>
    %add3A_126 = arith.addf %get3A_120, %dot_general3A_125 : vector<512x64xf32>
    %swap3A_127 = arith.constant 0 : index
    %swap3A_128 = arith.constant 192 : index
    %swap3A_129 = vector.load %arg8[%swap3A_127, %swap3A_128] : memref<512x1024xf32, #tpu.memory_space<vmem>>, vector<512x64xf32>
    tpu.vector_store %arg8[%swap3A_127, %swap3A_128], %add3A_126 {strides = array<i32>} : memref<512x1024xf32, #tpu.memory_space<vmem>>, vector<512x64xf32>,
    %get3A_130 = arith.constant 0 : index
    %get3A_131 = arith.constant 256 : index
    %get3A_132 = vector.load %arg3[%get3A_130, %get3A_131] : memref<512x1024xf32, #tpu.memory_space<vmem>>, vector<512x64xf32>
    %mul3A_133 = arith.constant 1.250000e-01 : f32
    %mul3A_134 = vector.broadcast %mul3A_133 : f32 to vector<512x64xf32>
    %mul3A_135 = arith.mulf %get3A_132, %mul3A_134 : vector<512x64xf32>
    %get3A_136 = arith.constant 0 : index
    %get3A_137 = arith.constant 256 : index
    %get3A_138 = vector.load %arg4[%get3A_136, %get3A_137] : memref<1024x1024xf32, #tpu.memory_space<vmem>>, vector<1024x64xf32>
    %dot_general3A_139 = arith.constant dense<0.000000e+00> : vector<512x1024xf32>
    %dot_general3A_140 = tpu.matmul %mul3A_135, %get3A_138, %dot_general3A_139 {dimension_numbers = #tpu.dot_dimension_numbers<[1], [1], [0], [0], [0, 0, 1, 0], [], []>, transpose_lhs_hint = false} : vector<512x64xf32>, vector<1024x64xf32>, vector<512x1024xf32> -> vector<512x1024xf32>
    %exp3A_141 = math.exp %dot_general3A_140 : vector<512x1024xf32>
    %get3A_142 = arith.constant 0 : index
    %get3A_143 = arith.constant 4 : index
    %get3A_144 = vector.load %arg7[%get3A_142, %get3A_143] : memref<512x16xf32, #tpu.memory_space<vmem>>, vector<512x1xf32>
    %reduce_sum3A_145 = arith.constant dense<0.000000e+00> : vector<512xf32>
    %reduce_sum3A_146 = vector.multi_reduction <add>, %exp3A_141, %reduce_sum3A_145 [1] : vector<512x1024xf32> to vector<512xf32>
    %broadcast_in_dim3A_147 = vector.shape_cast %reduce_sum3A_146 : vector<512xf32> to vector<512x1xf32>
    %add3A_148 = arith.addf %get3A_144, %broadcast_in_dim3A_147 : vector<512x1xf32>
    %swap3A_149 = arith.constant 0 : index
    %swap3A_150 = arith.constant 4 : index
    %swap3A_151 = vector.load %arg7[%swap3A_149, %swap3A_150] : memref<512x16xf32, #tpu.memory_space<vmem>>, vector<512x1xf32>
    tpu.vector_store %arg7[%swap3A_149, %swap3A_150], %add3A_148 {strides = array<i32>} : memref<512x16xf32, #tpu.memory_space<vmem>>, vector<512x1xf32>,
    %get3A_152 = arith.constant 0 : index
    %get3A_153 = arith.constant 256 : index
    %get3A_154 = vector.load %arg8[%get3A_152, %get3A_153] : memref<512x1024xf32, #tpu.memory_space<vmem>>, vector<512x64xf32>
    %get3A_155 = arith.constant 0 : index
    %get3A_156 = arith.constant 256 : index
    %get3A_157 = vector.load %arg5[%get3A_155, %get3A_156] : memref<1024x1024xf32, #tpu.memory_space<vmem>>, vector<1024x64xf32>
    %dot_general3A_158 = arith.constant dense<0.000000e+00> : vector<512x64xf32>
    %dot_general3A_159 = tpu.matmul %exp3A_141, %get3A_157, %dot_general3A_158 {dimension_numbers = #tpu.dot_dimension_numbers<[1], [0], [0], [1], [0, 0, 1, 1], [], []>, transpose_lhs_hint = false} : vector<512x1024xf32>, vector<1024x64xf32>, vector<512x64xf32> -> vector<512x64xf32>
    %add3A_160 = arith.addf %get3A_154, %dot_general3A_159 : vector<512x64xf32>
    %swap3A_161 = arith.constant 0 : index
    %swap3A_162 = arith.constant 256 : index
    %swap3A_163 = vector.load %arg8[%swap3A_161, %swap3A_162] : memref<512x1024xf32, #tpu.memory_space<vmem>>, vector<512x64xf32>
    tpu.vector_store %arg8[%swap3A_161, %swap3A_162], %add3A_160 {strides = array<i32>} : memref<512x1024xf32, #tpu.memory_space<vmem>>, vector<512x64xf32>,
    %get3A_164 = arith.constant 0 : index
    %get3A_165 = arith.constant 320 : index
    %get3A_166 = vector.load %arg3[%get3A_164, %get3A_165] : memref<512x1024xf32, #tpu.memory_space<vmem>>, vector<512x64xf32>
    %mul3A_167 = arith.constant 1.250000e-01 : f32
    %mul3A_168 = vector.broadcast %mul3A_167 : f32 to vector<512x64xf32>
    %mul3A_169 = arith.mulf %get3A_166, %mul3A_168 : vector<512x64xf32>
    %get3A_170 = arith.constant 0 : index
    %get3A_171 = arith.constant 320 : index
    %get3A_172 = vector.load %arg4[%get3A_170, %get3A_171] : memref<1024x1024xf32, #tpu.memory_space<vmem>>, vector<1024x64xf32>
    %dot_general3A_173 = arith.constant dense<0.000000e+00> : vector<512x1024xf32>
    %dot_general3A_174 = tpu.matmul %mul3A_169, %get3A_172, %dot_general3A_173 {dimension_numbers = #tpu.dot_dimension_numbers<[1], [1], [0], [0], [0, 0, 1, 0], [], []>, transpose_lhs_hint = false} : vector<512x64xf32>, vector<1024x64xf32>, vector<512x1024xf32> -> vector<512x1024xf32>
    %exp3A_175 = math.exp %dot_general3A_174 : vector<512x1024xf32>
    %get3A_176 = arith.constant 0 : index
    %get3A_177 = arith.constant 5 : index
    %get3A_178 = vector.load %arg7[%get3A_176, %get3A_177] : memref<512x16xf32, #tpu.memory_space<vmem>>, vector<512x1xf32>
    %reduce_sum3A_179 = arith.constant dense<0.000000e+00> : vector<512xf32>
    %reduce_sum3A_180 = vector.multi_reduction <add>, %exp3A_175, %reduce_sum3A_179 [1] : vector<512x1024xf32> to vector<512xf32>
    %broadcast_in_dim3A_181 = vector.shape_cast %reduce_sum3A_180 : vector<512xf32> to vector<512x1xf32>
    %add3A_182 = arith.addf %get3A_178, %broadcast_in_dim3A_181 : vector<512x1xf32>
    %swap3A_183 = arith.constant 0 : index
    %swap3A_184 = arith.constant 5 : index
    %swap3A_185 = vector.load %arg7[%swap3A_183, %swap3A_184] : memref<512x16xf32, #tpu.memory_space<vmem>>, vector<512x1xf32>
    tpu.vector_store %arg7[%swap3A_183, %swap3A_184], %add3A_182 {strides = array<i32>} : memref<512x16xf32, #tpu.memory_space<vmem>>, vector<512x1xf32>,
    %get3A_186 = arith.constant 0 : index
    %get3A_187 = arith.constant 320 : index
    %get3A_188 = vector.load %arg8[%get3A_186, %get3A_187] : memref<512x1024xf32, #tpu.memory_space<vmem>>, vector<512x64xf32>
    %get3A_189 = arith.constant 0 : index
    %get3A_190 = arith.constant 320 : index
    %get3A_191 = vector.load %arg5[%get3A_189, %get3A_190] : memref<1024x1024xf32, #tpu.memory_space<vmem>>, vector<1024x64xf32>
    %dot_general3A_192 = arith.constant dense<0.000000e+00> : vector<512x64xf32>
    %dot_general3A_193 = tpu.matmul %exp3A_175, %get3A_191, %dot_general3A_192 {dimension_numbers = #tpu.dot_dimension_numbers<[1], [0], [0], [1], [0, 0, 1, 1], [], []>, transpose_lhs_hint = false} : vector<512x1024xf32>, vector<1024x64xf32>, vector<512x64xf32> -> vector<512x64xf32>
    %add3A_194 = arith.addf %get3A_188, %dot_general3A_193 : vector<512x64xf32>
    %swap3A_195 = arith.constant 0 : index
    %swap3A_196 = arith.constant 320 : index
    %swap3A_197 = vector.load %arg8[%swap3A_195, %swap3A_196] : memref<512x1024xf32, #tpu.memory_space<vmem>>, vector<512x64xf32>
    tpu.vector_store %arg8[%swap3A_195, %swap3A_196], %add3A_194 {strides = array<i32>} : memref<512x1024xf32, #tpu.memory_space<vmem>>, vector<512x64xf32>,
    %get3A_198 = arith.constant 0 : index
    %get3A_199 = arith.constant 384 : index
    %get3A_200 = vector.load %arg3[%get3A_198, %get3A_199] : memref<512x1024xf32, #tpu.memory_space<vmem>>, vector<512x64xf32>
    %mul3A_201 = arith.constant 1.250000e-01 : f32
    %mul3A_202 = vector.broadcast %mul3A_201 : f32 to vector<512x64xf32>
    %mul3A_203 = arith.mulf %get3A_200, %mul3A_202 : vector<512x64xf32>
    %get3A_204 = arith.constant 0 : index
    %get3A_205 = arith.constant 384 : index
    %get3A_206 = vector.load %arg4[%get3A_204, %get3A_205] : memref<1024x1024xf32, #tpu.memory_space<vmem>>, vector<1024x64xf32>
    %dot_general3A_207 = arith.constant dense<0.000000e+00> : vector<512x1024xf32>
    %dot_general3A_208 = tpu.matmul %mul3A_203, %get3A_206, %dot_general3A_207 {dimension_numbers = #tpu.dot_dimension_numbers<[1], [1], [0], [0], [0, 0, 1, 0], [], []>, transpose_lhs_hint = false} : vector<512x64xf32>, vector<1024x64xf32>, vector<512x1024xf32> -> vector<512x1024xf32>
    %exp3A_209 = math.exp %dot_general3A_208 : vector<512x1024xf32>
    %get3A_210 = arith.constant 0 : index
    %get3A_211 = arith.constant 6 : index
    %get3A_212 = vector.load %arg7[%get3A_210, %get3A_211] : memref<512x16xf32, #tpu.memory_space<vmem>>, vector<512x1xf32>
    %reduce_sum3A_213 = arith.constant dense<0.000000e+00> : vector<512xf32>
    %reduce_sum3A_214 = vector.multi_reduction <add>, %exp3A_209, %reduce_sum3A_213 [1] : vector<512x1024xf32> to vector<512xf32>
    %broadcast_in_dim3A_215 = vector.shape_cast %reduce_sum3A_214 : vector<512xf32> to vector<512x1xf32>
    %add3A_216 = arith.addf %get3A_212, %broadcast_in_dim3A_215 : vector<512x1xf32>
    %swap3A_217 = arith.constant 0 : index
    %swap3A_218 = arith.constant 6 : index
    %swap3A_219 = vector.load %arg7[%swap3A_217, %swap3A_218] : memref<512x16xf32, #tpu.memory_space<vmem>>, vector<512x1xf32>
    tpu.vector_store %arg7[%swap3A_217, %swap3A_218], %add3A_216 {strides = array<i32>} : memref<512x16xf32, #tpu.memory_space<vmem>>, vector<512x1xf32>,
    %get3A_220 = arith.constant 0 : index
    %get3A_221 = arith.constant 384 : index
    %get3A_222 = vector.load %arg8[%get3A_220, %get3A_221] : memref<512x1024xf32, #tpu.memory_space<vmem>>, vector<512x64xf32>
    %get3A_223 = arith.constant 0 : index
    %get3A_224 = arith.constant 384 : index
    %get3A_225 = vector.load %arg5[%get3A_223, %get3A_224] : memref<1024x1024xf32, #tpu.memory_space<vmem>>, vector<1024x64xf32>
    %dot_general3A_226 = arith.constant dense<0.000000e+00> : vector<512x64xf32>
    %dot_general3A_227 = tpu.matmul %exp3A_209, %get3A_225, %dot_general3A_226 {dimension_numbers = #tpu.dot_dimension_numbers<[1], [0], [0], [1], [0, 0, 1, 1], [], []>, transpose_lhs_hint = false} : vector<512x1024xf32>, vector<1024x64xf32>, vector<512x64xf32> -> vector<512x64xf32>
    %add3A_228 = arith.addf %get3A_222, %dot_general3A_227 : vector<512x64xf32>
    %swap3A_229 = arith.constant 0 : index
    %swap3A_230 = arith.constant 384 : index
    %swap3A_231 = vector.load %arg8[%swap3A_229, %swap3A_230] : memref<512x1024xf32, #tpu.memory_space<vmem>>, vector<512x64xf32>
    tpu.vector_store %arg8[%swap3A_229, %swap3A_230], %add3A_228 {strides = array<i32>} : memref<512x1024xf32, #tpu.memory_space<vmem>>, vector<512x64xf32>,
    %get3A_232 = arith.constant 0 : index
    %get3A_233 = arith.constant 448 : index
    %get3A_234 = vector.load %arg3[%get3A_232, %get3A_233] : memref<512x1024xf32, #tpu.memory_space<vmem>>, vector<512x64xf32>
    %mul3A_235 = arith.constant 1.250000e-01 : f32
    %mul3A_236 = vector.broadcast %mul3A_235 : f32 to vector<512x64xf32>
    %mul3A_237 = arith.mulf %get3A_234, %mul3A_236 : vector<512x64xf32>
    %get3A_238 = arith.constant 0 : index
    %get3A_239 = arith.constant 448 : index
    %get3A_240 = vector.load %arg4[%get3A_238, %get3A_239] : memref<1024x1024xf32, #tpu.memory_space<vmem>>, vector<1024x64xf32>
    %dot_general3A_241 = arith.constant dense<0.000000e+00> : vector<512x1024xf32>
    %dot_general3A_242 = tpu.matmul %mul3A_237, %get3A_240, %dot_general3A_241 {dimension_numbers = #tpu.dot_dimension_numbers<[1], [1], [0], [0], [0, 0, 1, 0], [], []>, transpose_lhs_hint = false} : vector<512x64xf32>, vector<1024x64xf32>, vector<512x1024xf32> -> vector<512x1024xf32>
    %exp3A_243 = math.exp %dot_general3A_242 : vector<512x1024xf32>
    %get3A_244 = arith.constant 0 : index
    %get3A_245 = arith.constant 7 : index
    %get3A_246 = vector.load %arg7[%get3A_244, %get3A_245] : memref<512x16xf32, #tpu.memory_space<vmem>>, vector<512x1xf32>
    %reduce_sum3A_247 = arith.constant dense<0.000000e+00> : vector<512xf32>
    %reduce_sum3A_248 = vector.multi_reduction <add>, %exp3A_243, %reduce_sum3A_247 [1] : vector<512x1024xf32> to vector<512xf32>
    %broadcast_in_dim3A_249 = vector.shape_cast %reduce_sum3A_248 : vector<512xf32> to vector<512x1xf32>
    %add3A_250 = arith.addf %get3A_246, %broadcast_in_dim3A_249 : vector<512x1xf32>
    %swap3A_251 = arith.constant 0 : index
    %swap3A_252 = arith.constant 7 : index
    %swap3A_253 = vector.load %arg7[%swap3A_251, %swap3A_252] : memref<512x16xf32, #tpu.memory_space<vmem>>, vector<512x1xf32>
    tpu.vector_store %arg7[%swap3A_251, %swap3A_252], %add3A_250 {strides = array<i32>} : memref<512x16xf32, #tpu.memory_space<vmem>>, vector<512x1xf32>,
    %get3A_254 = arith.constant 0 : index
    %get3A_255 = arith.constant 448 : index
    %get3A_256 = vector.load %arg8[%get3A_254, %get3A_255] : memref<512x1024xf32, #tpu.memory_space<vmem>>, vector<512x64xf32>
    %get3A_257 = arith.constant 0 : index
    %get3A_258 = arith.constant 448 : index
    %get3A_259 = vector.load %arg5[%get3A_257, %get3A_258] : memref<1024x1024xf32, #tpu.memory_space<vmem>>, vector<1024x64xf32>
    %dot_general3A_260 = arith.constant dense<0.000000e+00> : vector<512x64xf32>
    %dot_general3A_261 = tpu.matmul %exp3A_243, %get3A_259, %dot_general3A_260 {dimension_numbers = #tpu.dot_dimension_numbers<[1], [0], [0], [1], [0, 0, 1, 1], [], []>, transpose_lhs_hint = false} : vector<512x1024xf32>, vector<1024x64xf32>, vector<512x64xf32> -> vector<512x64xf32>
    %add3A_262 = arith.addf %get3A_256, %dot_general3A_261 : vector<512x64xf32>
    %swap3A_263 = arith.constant 0 : index
    %swap3A_264 = arith.constant 448 : index
    %swap3A_265 = vector.load %arg8[%swap3A_263, %swap3A_264] : memref<512x1024xf32, #tpu.memory_space<vmem>>, vector<512x64xf32>
    tpu.vector_store %arg8[%swap3A_263, %swap3A_264], %add3A_262 {strides = array<i32>} : memref<512x1024xf32, #tpu.memory_space<vmem>>, vector<512x64xf32>,
    %get3A_266 = arith.constant 0 : index
    %get3A_267 = arith.constant 512 : index
    %get3A_268 = vector.load %arg3[%get3A_266, %get3A_267] : memref<512x1024xf32, #tpu.memory_space<vmem>>, vector<512x64xf32>
    %mul3A_269 = arith.constant 1.250000e-01 : f32
    %mul3A_270 = vector.broadcast %mul3A_269 : f32 to vector<512x64xf32>
    %mul3A_271 = arith.mulf %get3A_268, %mul3A_270 : vector<512x64xf32>
    %get3A_272 = arith.constant 0 : index
    %get3A_273 = arith.constant 512 : index
    %get3A_274 = vector.load %arg4[%get3A_272, %get3A_273] : memref<1024x1024xf32, #tpu.memory_space<vmem>>, vector<1024x64xf32>
    %dot_general3A_275 = arith.constant dense<0.000000e+00> : vector<512x1024xf32>
    %dot_general3A_276 = tpu.matmul %mul3A_271, %get3A_274, %dot_general3A_275 {dimension_numbers = #tpu.dot_dimension_numbers<[1], [1], [0], [0], [0, 0, 1, 0], [], []>, transpose_lhs_hint = false} : vector<512x64xf32>, vector<1024x64xf32>, vector<512x1024xf32> -> vector<512x1024xf32>
    %exp3A_277 = math.exp %dot_general3A_276 : vector<512x1024xf32>
    %get3A_278 = arith.constant 0 : index
    %get3A_279 = arith.constant 8 : index
    %get3A_280 = vector.load %arg7[%get3A_278, %get3A_279] : memref<512x16xf32, #tpu.memory_space<vmem>>, vector<512x1xf32>
    %reduce_sum3A_281 = arith.constant dense<0.000000e+00> : vector<512xf32>
    %reduce_sum3A_282 = vector.multi_reduction <add>, %exp3A_277, %reduce_sum3A_281 [1] : vector<512x1024xf32> to vector<512xf32>
    %broadcast_in_dim3A_283 = vector.shape_cast %reduce_sum3A_282 : vector<512xf32> to vector<512x1xf32>
    %add3A_284 = arith.addf %get3A_280, %broadcast_in_dim3A_283 : vector<512x1xf32>
    %swap3A_285 = arith.constant 0 : index
    %swap3A_286 = arith.constant 8 : index
    %swap3A_287 = vector.load %arg7[%swap3A_285, %swap3A_286] : memref<512x16xf32, #tpu.memory_space<vmem>>, vector<512x1xf32>
    tpu.vector_store %arg7[%swap3A_285, %swap3A_286], %add3A_284 {strides = array<i32>} : memref<512x16xf32, #tpu.memory_space<vmem>>, vector<512x1xf32>,
    %get3A_288 = arith.constant 0 : index
    %get3A_289 = arith.constant 512 : index
    %get3A_290 = vector.load %arg8[%get3A_288, %get3A_289] : memref<512x1024xf32, #tpu.memory_space<vmem>>, vector<512x64xf32>
    %get3A_291 = arith.constant 0 : index
    %get3A_292 = arith.constant 512 : index
    %get3A_293 = vector.load %arg5[%get3A_291, %get3A_292] : memref<1024x1024xf32, #tpu.memory_space<vmem>>, vector<1024x64xf32>
    %dot_general3A_294 = arith.constant dense<0.000000e+00> : vector<512x64xf32>
    %dot_general3A_295 = tpu.matmul %exp3A_277, %get3A_293, %dot_general3A_294 {dimension_numbers = #tpu.dot_dimension_numbers<[1], [0], [0], [1], [0, 0, 1, 1], [], []>, transpose_lhs_hint = false} : vector<512x1024xf32>, vector<1024x64xf32>, vector<512x64xf32> -> vector<512x64xf32>
    %add3A_296 = arith.addf %get3A_290, %dot_general3A_295 : vector<512x64xf32>
    %swap3A_297 = arith.constant 0 : index
    %swap3A_298 = arith.constant 512 : index
    %swap3A_299 = vector.load %arg8[%swap3A_297, %swap3A_298] : memref<512x1024xf32, #tpu.memory_space<vmem>>, vector<512x64xf32>
    tpu.vector_store %arg8[%swap3A_297, %swap3A_298], %add3A_296 {strides = array<i32>} : memref<512x1024xf32, #tpu.memory_space<vmem>>, vector<512x64xf32>,
    %get3A_300 = arith.constant 0 : index
    %get3A_301 = arith.constant 576 : index
    %get3A_302 = vector.load %arg3[%get3A_300, %get3A_301] : memref<512x1024xf32, #tpu.memory_space<vmem>>, vector<512x64xf32>
    %mul3A_303 = arith.constant 1.250000e-01 : f32
    %mul3A_304 = vector.broadcast %mul3A_303 : f32 to vector<512x64xf32>
    %mul3A_305 = arith.mulf %get3A_302, %mul3A_304 : vector<512x64xf32>
    %get3A_306 = arith.constant 0 : index
    %get3A_307 = arith.constant 576 : index
    %get3A_308 = vector.load %arg4[%get3A_306, %get3A_307] : memref<1024x1024xf32, #tpu.memory_space<vmem>>, vector<1024x64xf32>
    %dot_general3A_309 = arith.constant dense<0.000000e+00> : vector<512x1024xf32>
    %dot_general3A_310 = tpu.matmul %mul3A_305, %get3A_308, %dot_general3A_309 {dimension_numbers = #tpu.dot_dimension_numbers<[1], [1], [0], [0], [0, 0, 1, 0], [], []>, transpose_lhs_hint = false} : vector<512x64xf32>, vector<1024x64xf32>, vector<512x1024xf32> -> vector<512x1024xf32>
    %exp3A_311 = math.exp %dot_general3A_310 : vector<512x1024xf32>
    %get3A_312 = arith.constant 0 : index
    %get3A_313 = arith.constant 9 : index
    %get3A_314 = vector.load %arg7[%get3A_312, %get3A_313] : memref<512x16xf32, #tpu.memory_space<vmem>>, vector<512x1xf32>
    %reduce_sum3A_315 = arith.constant dense<0.000000e+00> : vector<512xf32>
    %reduce_sum3A_316 = vector.multi_reduction <add>, %exp3A_311, %reduce_sum3A_315 [1] : vector<512x1024xf32> to vector<512xf32>
    %broadcast_in_dim3A_317 = vector.shape_cast %reduce_sum3A_316 : vector<512xf32> to vector<512x1xf32>
    %add3A_318 = arith.addf %get3A_314, %broadcast_in_dim3A_317 : vector<512x1xf32>
    %swap3A_319 = arith.constant 0 : index
    %swap3A_320 = arith.constant 9 : index
    %swap3A_321 = vector.load %arg7[%swap3A_319, %swap3A_320] : memref<512x16xf32, #tpu.memory_space<vmem>>, vector<512x1xf32>
    tpu.vector_store %arg7[%swap3A_319, %swap3A_320], %add3A_318 {strides = array<i32>} : memref<512x16xf32, #tpu.memory_space<vmem>>, vector<512x1xf32>,
    %get3A_322 = arith.constant 0 : index
    %get3A_323 = arith.constant 576 : index
    %get3A_324 = vector.load %arg8[%get3A_322, %get3A_323] : memref<512x1024xf32, #tpu.memory_space<vmem>>, vector<512x64xf32>
    %get3A_325 = arith.constant 0 : index
    %get3A_326 = arith.constant 576 : index
    %get3A_327 = vector.load %arg5[%get3A_325, %get3A_326] : memref<1024x1024xf32, #tpu.memory_space<vmem>>, vector<1024x64xf32>
    %dot_general3A_328 = arith.constant dense<0.000000e+00> : vector<512x64xf32>
    %dot_general3A_329 = tpu.matmul %exp3A_311, %get3A_327, %dot_general3A_328 {dimension_numbers = #tpu.dot_dimension_numbers<[1], [0], [0], [1], [0, 0, 1, 1], [], []>, transpose_lhs_hint = false} : vector<512x1024xf32>, vector<1024x64xf32>, vector<512x64xf32> -> vector<512x64xf32>
    %add3A_330 = arith.addf %get3A_324, %dot_general3A_329 : vector<512x64xf32>
    %swap3A_331 = arith.constant 0 : index
    %swap3A_332 = arith.constant 576 : index
    %swap3A_333 = vector.load %arg8[%swap3A_331, %swap3A_332] : memref<512x1024xf32, #tpu.memory_space<vmem>>, vector<512x64xf32>
    tpu.vector_store %arg8[%swap3A_331, %swap3A_332], %add3A_330 {strides = array<i32>} : memref<512x1024xf32, #tpu.memory_space<vmem>>, vector<512x64xf32>,
    %get3A_334 = arith.constant 0 : index
    %get3A_335 = arith.constant 640 : index
    %get3A_336 = vector.load %arg3[%get3A_334, %get3A_335] : memref<512x1024xf32, #tpu.memory_space<vmem>>, vector<512x64xf32>
    %mul3A_337 = arith.constant 1.250000e-01 : f32
    %mul3A_338 = vector.broadcast %mul3A_337 : f32 to vector<512x64xf32>
    %mul3A_339 = arith.mulf %get3A_336, %mul3A_338 : vector<512x64xf32>
    %get3A_340 = arith.constant 0 : index
    %get3A_341 = arith.constant 640 : index
    %get3A_342 = vector.load %arg4[%get3A_340, %get3A_341] : memref<1024x1024xf32, #tpu.memory_space<vmem>>, vector<1024x64xf32>
    %dot_general3A_343 = arith.constant dense<0.000000e+00> : vector<512x1024xf32>
    %dot_general3A_344 = tpu.matmul %mul3A_339, %get3A_342, %dot_general3A_343 {dimension_numbers = #tpu.dot_dimension_numbers<[1], [1], [0], [0], [0, 0, 1, 0], [], []>, transpose_lhs_hint = false} : vector<512x64xf32>, vector<1024x64xf32>, vector<512x1024xf32> -> vector<512x1024xf32>
    %exp3A_345 = math.exp %dot_general3A_344 : vector<512x1024xf32>
    %get3A_346 = arith.constant 0 : index
    %get3A_347 = arith.constant 10 : index
    %get3A_348 = vector.load %arg7[%get3A_346, %get3A_347] : memref<512x16xf32, #tpu.memory_space<vmem>>, vector<512x1xf32>
    %reduce_sum3A_349 = arith.constant dense<0.000000e+00> : vector<512xf32>
    %reduce_sum3A_350 = vector.multi_reduction <add>, %exp3A_345, %reduce_sum3A_349 [1] : vector<512x1024xf32> to vector<512xf32>
    %broadcast_in_dim3A_351 = vector.shape_cast %reduce_sum3A_350 : vector<512xf32> to vector<512x1xf32>
    %add3A_352 = arith.addf %get3A_348, %broadcast_in_dim3A_351 : vector<512x1xf32>
    %swap3A_353 = arith.constant 0 : index
    %swap3A_354 = arith.constant 10 : index
    %swap3A_355 = vector.load %arg7[%swap3A_353, %swap3A_354] : memref<512x16xf32, #tpu.memory_space<vmem>>, vector<512x1xf32>
    tpu.vector_store %arg7[%swap3A_353, %swap3A_354], %add3A_352 {strides = array<i32>} : memref<512x16xf32, #tpu.memory_space<vmem>>, vector<512x1xf32>,
    %get3A_356 = arith.constant 0 : index
    %get3A_357 = arith.constant 640 : index
    %get3A_358 = vector.load %arg8[%get3A_356, %get3A_357] : memref<512x1024xf32, #tpu.memory_space<vmem>>, vector<512x64xf32>
    %get3A_359 = arith.constant 0 : index
    %get3A_360 = arith.constant 640 : index
    %get3A_361 = vector.load %arg5[%get3A_359, %get3A_360] : memref<1024x1024xf32, #tpu.memory_space<vmem>>, vector<1024x64xf32>
    %dot_general3A_362 = arith.constant dense<0.000000e+00> : vector<512x64xf32>
    %dot_general3A_363 = tpu.matmul %exp3A_345, %get3A_361, %dot_general3A_362 {dimension_numbers = #tpu.dot_dimension_numbers<[1], [0], [0], [1], [0, 0, 1, 1], [], []>, transpose_lhs_hint = false} : vector<512x1024xf32>, vector<1024x64xf32>, vector<512x64xf32> -> vector<512x64xf32>
    %add3A_364 = arith.addf %get3A_358, %dot_general3A_363 : vector<512x64xf32>
    %swap3A_365 = arith.constant 0 : index
    %swap3A_366 = arith.constant 640 : index
    %swap3A_367 = vector.load %arg8[%swap3A_365, %swap3A_366] : memref<512x1024xf32, #tpu.memory_space<vmem>>, vector<512x64xf32>
    tpu.vector_store %arg8[%swap3A_365, %swap3A_366], %add3A_364 {strides = array<i32>} : memref<512x1024xf32, #tpu.memory_space<vmem>>, vector<512x64xf32>,
    %get3A_368 = arith.constant 0 : index
    %get3A_369 = arith.constant 704 : index
    %get3A_370 = vector.load %arg3[%get3A_368, %get3A_369] : memref<512x1024xf32, #tpu.memory_space<vmem>>, vector<512x64xf32>
    %mul3A_371 = arith.constant 1.250000e-01 : f32
    %mul3A_372 = vector.broadcast %mul3A_371 : f32 to vector<512x64xf32>
    %mul3A_373 = arith.mulf %get3A_370, %mul3A_372 : vector<512x64xf32>
    %get3A_374 = arith.constant 0 : index
    %get3A_375 = arith.constant 704 : index
    %get3A_376 = vector.load %arg4[%get3A_374, %get3A_375] : memref<1024x1024xf32, #tpu.memory_space<vmem>>, vector<1024x64xf32>
    %dot_general3A_377 = arith.constant dense<0.000000e+00> : vector<512x1024xf32>
    %dot_general3A_378 = tpu.matmul %mul3A_373, %get3A_376, %dot_general3A_377 {dimension_numbers = #tpu.dot_dimension_numbers<[1], [1], [0], [0], [0, 0, 1, 0], [], []>, transpose_lhs_hint = false} : vector<512x64xf32>, vector<1024x64xf32>, vector<512x1024xf32> -> vector<512x1024xf32>
    %exp3A_379 = math.exp %dot_general3A_378 : vector<512x1024xf32>
    %get3A_380 = arith.constant 0 : index
    %get3A_381 = arith.constant 11 : index
    %get3A_382 = vector.load %arg7[%get3A_380, %get3A_381] : memref<512x16xf32, #tpu.memory_space<vmem>>, vector<512x1xf32>
    %reduce_sum3A_383 = arith.constant dense<0.000000e+00> : vector<512xf32>
    %reduce_sum3A_384 = vector.multi_reduction <add>, %exp3A_379, %reduce_sum3A_383 [1] : vector<512x1024xf32> to vector<512xf32>
    %broadcast_in_dim3A_385 = vector.shape_cast %reduce_sum3A_384 : vector<512xf32> to vector<512x1xf32>
    %add3A_386 = arith.addf %get3A_382, %broadcast_in_dim3A_385 : vector<512x1xf32>
    %swap3A_387 = arith.constant 0 : index
    %swap3A_388 = arith.constant 11 : index
    %swap3A_389 = vector.load %arg7[%swap3A_387, %swap3A_388] : memref<512x16xf32, #tpu.memory_space<vmem>>, vector<512x1xf32>
    tpu.vector_store %arg7[%swap3A_387, %swap3A_388], %add3A_386 {strides = array<i32>} : memref<512x16xf32, #tpu.memory_space<vmem>>, vector<512x1xf32>,
    %get3A_390 = arith.constant 0 : index
    %get3A_391 = arith.constant 704 : index
    %get3A_392 = vector.load %arg8[%get3A_390, %get3A_391] : memref<512x1024xf32, #tpu.memory_space<vmem>>, vector<512x64xf32>
    %get3A_393 = arith.constant 0 : index
    %get3A_394 = arith.constant 704 : index
    %get3A_395 = vector.load %arg5[%get3A_393, %get3A_394] : memref<1024x1024xf32, #tpu.memory_space<vmem>>, vector<1024x64xf32>
    %dot_general3A_396 = arith.constant dense<0.000000e+00> : vector<512x64xf32>
    %dot_general3A_397 = tpu.matmul %exp3A_379, %get3A_395, %dot_general3A_396 {dimension_numbers = #tpu.dot_dimension_numbers<[1], [0], [0], [1], [0, 0, 1, 1], [], []>, transpose_lhs_hint = false} : vector<512x1024xf32>, vector<1024x64xf32>, vector<512x64xf32> -> vector<512x64xf32>
    %add3A_398 = arith.addf %get3A_392, %dot_general3A_397 : vector<512x64xf32>
    %swap3A_399 = arith.constant 0 : index
    %swap3A_400 = arith.constant 704 : index
    %swap3A_401 = vector.load %arg8[%swap3A_399, %swap3A_400] : memref<512x1024xf32, #tpu.memory_space<vmem>>, vector<512x64xf32>
    tpu.vector_store %arg8[%swap3A_399, %swap3A_400], %add3A_398 {strides = array<i32>} : memref<512x1024xf32, #tpu.memory_space<vmem>>, vector<512x64xf32>,
    %get3A_402 = arith.constant 0 : index
    %get3A_403 = arith.constant 768 : index
    %get3A_404 = vector.load %arg3[%get3A_402, %get3A_403] : memref<512x1024xf32, #tpu.memory_space<vmem>>, vector<512x64xf32>
    %mul3A_405 = arith.constant 1.250000e-01 : f32
    %mul3A_406 = vector.broadcast %mul3A_405 : f32 to vector<512x64xf32>
    %mul3A_407 = arith.mulf %get3A_404, %mul3A_406 : vector<512x64xf32>
    %get3A_408 = arith.constant 0 : index
    %get3A_409 = arith.constant 768 : index
    %get3A_410 = vector.load %arg4[%get3A_408, %get3A_409] : memref<1024x1024xf32, #tpu.memory_space<vmem>>, vector<1024x64xf32>
    %dot_general3A_411 = arith.constant dense<0.000000e+00> : vector<512x1024xf32>
    %dot_general3A_412 = tpu.matmul %mul3A_407, %get3A_410, %dot_general3A_411 {dimension_numbers = #tpu.dot_dimension_numbers<[1], [1], [0], [0], [0, 0, 1, 0], [], []>, transpose_lhs_hint = false} : vector<512x64xf32>, vector<1024x64xf32>, vector<512x1024xf32> -> vector<512x1024xf32>
    %exp3A_413 = math.exp %dot_general3A_412 : vector<512x1024xf32>
    %get3A_414 = arith.constant 0 : index
    %get3A_415 = arith.constant 12 : index
    %get3A_416 = vector.load %arg7[%get3A_414, %get3A_415] : memref<512x16xf32, #tpu.memory_space<vmem>>, vector<512x1xf32>
    %reduce_sum3A_417 = arith.constant dense<0.000000e+00> : vector<512xf32>
    %reduce_sum3A_418 = vector.multi_reduction <add>, %exp3A_413, %reduce_sum3A_417 [1] : vector<512x1024xf32> to vector<512xf32>
    %broadcast_in_dim3A_419 = vector.shape_cast %reduce_sum3A_418 : vector<512xf32> to vector<512x1xf32>
    %add3A_420 = arith.addf %get3A_416, %broadcast_in_dim3A_419 : vector<512x1xf32>
    %swap3A_421 = arith.constant 0 : index
    %swap3A_422 = arith.constant 12 : index
    %swap3A_423 = vector.load %arg7[%swap3A_421, %swap3A_422] : memref<512x16xf32, #tpu.memory_space<vmem>>, vector<512x1xf32>
    tpu.vector_store %arg7[%swap3A_421, %swap3A_422], %add3A_420 {strides = array<i32>} : memref<512x16xf32, #tpu.memory_space<vmem>>, vector<512x1xf32>,
    %get3A_424 = arith.constant 0 : index
    %get3A_425 = arith.constant 768 : index
    %get3A_426 = vector.load %arg8[%get3A_424, %get3A_425] : memref<512x1024xf32, #tpu.memory_space<vmem>>, vector<512x64xf32>
    %get3A_427 = arith.constant 0 : index
    %get3A_428 = arith.constant 768 : index
    %get3A_429 = vector.load %arg5[%get3A_427, %get3A_428] : memref<1024x1024xf32, #tpu.memory_space<vmem>>, vector<1024x64xf32>
    %dot_general3A_430 = arith.constant dense<0.000000e+00> : vector<512x64xf32>
    %dot_general3A_431 = tpu.matmul %exp3A_413, %get3A_429, %dot_general3A_430 {dimension_numbers = #tpu.dot_dimension_numbers<[1], [0], [0], [1], [0, 0, 1, 1], [], []>, transpose_lhs_hint = false} : vector<512x1024xf32>, vector<1024x64xf32>, vector<512x64xf32> -> vector<512x64xf32>
    %add3A_432 = arith.addf %get3A_426, %dot_general3A_431 : vector<512x64xf32>
    %swap3A_433 = arith.constant 0 : index
    %swap3A_434 = arith.constant 768 : index
    %swap3A_435 = vector.load %arg8[%swap3A_433, %swap3A_434] : memref<512x1024xf32, #tpu.memory_space<vmem>>, vector<512x64xf32>
    tpu.vector_store %arg8[%swap3A_433, %swap3A_434], %add3A_432 {strides = array<i32>} : memref<512x1024xf32, #tpu.memory_space<vmem>>, vector<512x64xf32>,
    %get3A_436 = arith.constant 0 : index
    %get3A_437 = arith.constant 832 : index
    %get3A_438 = vector.load %arg3[%get3A_436, %get3A_437] : memref<512x1024xf32, #tpu.memory_space<vmem>>, vector<512x64xf32>
    %mul3A_439 = arith.constant 1.250000e-01 : f32
    %mul3A_440 = vector.broadcast %mul3A_439 : f32 to vector<512x64xf32>
    %mul3A_441 = arith.mulf %get3A_438, %mul3A_440 : vector<512x64xf32>
    %get3A_442 = arith.constant 0 : index
    %get3A_443 = arith.constant 832 : index
    %get3A_444 = vector.load %arg4[%get3A_442, %get3A_443] : memref<1024x1024xf32, #tpu.memory_space<vmem>>, vector<1024x64xf32>
    %dot_general3A_445 = arith.constant dense<0.000000e+00> : vector<512x1024xf32>
    %dot_general3A_446 = tpu.matmul %mul3A_441, %get3A_444, %dot_general3A_445 {dimension_numbers = #tpu.dot_dimension_numbers<[1], [1], [0], [0], [0, 0, 1, 0], [], []>, transpose_lhs_hint = false} : vector<512x64xf32>, vector<1024x64xf32>, vector<512x1024xf32> -> vector<512x1024xf32>
    %exp3A_447 = math.exp %dot_general3A_446 : vector<512x1024xf32>
    %get3A_448 = arith.constant 0 : index
    %get3A_449 = arith.constant 13 : index
    %get3A_450 = vector.load %arg7[%get3A_448, %get3A_449] : memref<512x16xf32, #tpu.memory_space<vmem>>, vector<512x1xf32>
    %reduce_sum3A_451 = arith.constant dense<0.000000e+00> : vector<512xf32>
    %reduce_sum3A_452 = vector.multi_reduction <add>, %exp3A_447, %reduce_sum3A_451 [1] : vector<512x1024xf32> to vector<512xf32>
    %broadcast_in_dim3A_453 = vector.shape_cast %reduce_sum3A_452 : vector<512xf32> to vector<512x1xf32>
    %add3A_454 = arith.addf %get3A_450, %broadcast_in_dim3A_453 : vector<512x1xf32>
    %swap3A_455 = arith.constant 0 : index
    %swap3A_456 = arith.constant 13 : index
    %swap3A_457 = vector.load %arg7[%swap3A_455, %swap3A_456] : memref<512x16xf32, #tpu.memory_space<vmem>>, vector<512x1xf32>
    tpu.vector_store %arg7[%swap3A_455, %swap3A_456], %add3A_454 {strides = array<i32>} : memref<512x16xf32, #tpu.memory_space<vmem>>, vector<512x1xf32>,
    %get3A_458 = arith.constant 0 : index
    %get3A_459 = arith.constant 832 : index
    %get3A_460 = vector.load %arg8[%get3A_458, %get3A_459] : memref<512x1024xf32, #tpu.memory_space<vmem>>, vector<512x64xf32>
    %get3A_461 = arith.constant 0 : index
    %get3A_462 = arith.constant 832 : index
    %get3A_463 = vector.load %arg5[%get3A_461, %get3A_462] : memref<1024x1024xf32, #tpu.memory_space<vmem>>, vector<1024x64xf32>
    %dot_general3A_464 = arith.constant dense<0.000000e+00> : vector<512x64xf32>
    %dot_general3A_465 = tpu.matmul %exp3A_447, %get3A_463, %dot_general3A_464 {dimension_numbers = #tpu.dot_dimension_numbers<[1], [0], [0], [1], [0, 0, 1, 1], [], []>, transpose_lhs_hint = false} : vector<512x1024xf32>, vector<1024x64xf32>, vector<512x64xf32> -> vector<512x64xf32>
    %add3A_466 = arith.addf %get3A_460, %dot_general3A_465 : vector<512x64xf32>
    %swap3A_467 = arith.constant 0 : index
    %swap3A_468 = arith.constant 832 : index
    %swap3A_469 = vector.load %arg8[%swap3A_467, %swap3A_468] : memref<512x1024xf32, #tpu.memory_space<vmem>>, vector<512x64xf32>
    tpu.vector_store %arg8[%swap3A_467, %swap3A_468], %add3A_466 {strides = array<i32>} : memref<512x1024xf32, #tpu.memory_space<vmem>>, vector<512x64xf32>,
    %get3A_470 = arith.constant 0 : index
    %get3A_471 = arith.constant 896 : index
    %get3A_472 = vector.load %arg3[%get3A_470, %get3A_471] : memref<512x1024xf32, #tpu.memory_space<vmem>>, vector<512x64xf32>
    %mul3A_473 = arith.constant 1.250000e-01 : f32
    %mul3A_474 = vector.broadcast %mul3A_473 : f32 to vector<512x64xf32>
    %mul3A_475 = arith.mulf %get3A_472, %mul3A_474 : vector<512x64xf32>
    %get3A_476 = arith.constant 0 : index
    %get3A_477 = arith.constant 896 : index
    %get3A_478 = vector.load %arg4[%get3A_476, %get3A_477] : memref<1024x1024xf32, #tpu.memory_space<vmem>>, vector<1024x64xf32>
    %dot_general3A_479 = arith.constant dense<0.000000e+00> : vector<512x1024xf32>
    %dot_general3A_480 = tpu.matmul %mul3A_475, %get3A_478, %dot_general3A_479 {dimension_numbers = #tpu.dot_dimension_numbers<[1], [1], [0], [0], [0, 0, 1, 0], [], []>, transpose_lhs_hint = false} : vector<512x64xf32>, vector<1024x64xf32>, vector<512x1024xf32> -> vector<512x1024xf32>
    %exp3A_481 = math.exp %dot_general3A_480 : vector<512x1024xf32>
    %get3A_482 = arith.constant 0 : index
    %get3A_483 = arith.constant 14 : index
    %get3A_484 = vector.load %arg7[%get3A_482, %get3A_483] : memref<512x16xf32, #tpu.memory_space<vmem>>, vector<512x1xf32>
    %reduce_sum3A_485 = arith.constant dense<0.000000e+00> : vector<512xf32>
    %reduce_sum3A_486 = vector.multi_reduction <add>, %exp3A_481, %reduce_sum3A_485 [1] : vector<512x1024xf32> to vector<512xf32>
    %broadcast_in_dim3A_487 = vector.shape_cast %reduce_sum3A_486 : vector<512xf32> to vector<512x1xf32>
    %add3A_488 = arith.addf %get3A_484, %broadcast_in_dim3A_487 : vector<512x1xf32>
    %swap3A_489 = arith.constant 0 : index
    %swap3A_490 = arith.constant 14 : index
    %swap3A_491 = vector.load %arg7[%swap3A_489, %swap3A_490] : memref<512x16xf32, #tpu.memory_space<vmem>>, vector<512x1xf32>
    tpu.vector_store %arg7[%swap3A_489, %swap3A_490], %add3A_488 {strides = array<i32>} : memref<512x16xf32, #tpu.memory_space<vmem>>, vector<512x1xf32>,
    %get3A_492 = arith.constant 0 : index
    %get3A_493 = arith.constant 896 : index
    %get3A_494 = vector.load %arg8[%get3A_492, %get3A_493] : memref<512x1024xf32, #tpu.memory_space<vmem>>, vector<512x64xf32>
    %get3A_495 = arith.constant 0 : index
    %get3A_496 = arith.constant 896 : index
    %get3A_497 = vector.load %arg5[%get3A_495, %get3A_496] : memref<1024x1024xf32, #tpu.memory_space<vmem>>, vector<1024x64xf32>
    %dot_general3A_498 = arith.constant dense<0.000000e+00> : vector<512x64xf32>
    %dot_general3A_499 = tpu.matmul %exp3A_481, %get3A_497, %dot_general3A_498 {dimension_numbers = #tpu.dot_dimension_numbers<[1], [0], [0], [1], [0, 0, 1, 1], [], []>, transpose_lhs_hint = false} : vector<512x1024xf32>, vector<1024x64xf32>, vector<512x64xf32> -> vector<512x64xf32>
    %add3A_500 = arith.addf %get3A_494, %dot_general3A_499 : vector<512x64xf32>
    %swap3A_501 = arith.constant 0 : index
    %swap3A_502 = arith.constant 896 : index
    %swap3A_503 = vector.load %arg8[%swap3A_501, %swap3A_502] : memref<512x1024xf32, #tpu.memory_space<vmem>>, vector<512x64xf32>
    tpu.vector_store %arg8[%swap3A_501, %swap3A_502], %add3A_500 {strides = array<i32>} : memref<512x1024xf32, #tpu.memory_space<vmem>>, vector<512x64xf32>,
    %get3A_504 = arith.constant 0 : index
    %get3A_505 = arith.constant 960 : index
    %get3A_506 = vector.load %arg3[%get3A_504, %get3A_505] : memref<512x1024xf32, #tpu.memory_space<vmem>>, vector<512x64xf32>
    %mul3A_507 = arith.constant 1.250000e-01 : f32
    %mul3A_508 = vector.broadcast %mul3A_507 : f32 to vector<512x64xf32>
    %mul3A_509 = arith.mulf %get3A_506, %mul3A_508 : vector<512x64xf32>
    %get3A_510 = arith.constant 0 : index
    %get3A_511 = arith.constant 960 : index
    %get3A_512 = vector.load %arg4[%get3A_510, %get3A_511] : memref<1024x1024xf32, #tpu.memory_space<vmem>>, vector<1024x64xf32>
    %dot_general3A_513 = arith.constant dense<0.000000e+00> : vector<512x1024xf32>
    %dot_general3A_514 = tpu.matmul %mul3A_509, %get3A_512, %dot_general3A_513 {dimension_numbers = #tpu.dot_dimension_numbers<[1], [1], [0], [0], [0, 0, 1, 0], [], []>, transpose_lhs_hint = false} : vector<512x64xf32>, vector<1024x64xf32>, vector<512x1024xf32> -> vector<512x1024xf32>
    %exp3A_515 = math.exp %dot_general3A_514 : vector<512x1024xf32>
    %get3A_516 = arith.constant 0 : index
    %get3A_517 = arith.constant 15 : index
    %get3A_518 = vector.load %arg7[%get3A_516, %get3A_517] : memref<512x16xf32, #tpu.memory_space<vmem>>, vector<512x1xf32>
    %reduce_sum3A_519 = arith.constant dense<0.000000e+00> : vector<512xf32>
    %reduce_sum3A_520 = vector.multi_reduction <add>, %exp3A_515, %reduce_sum3A_519 [1] : vector<512x1024xf32> to vector<512xf32>
    %broadcast_in_dim3A_521 = vector.shape_cast %reduce_sum3A_520 : vector<512xf32> to vector<512x1xf32>
    %add3A_522 = arith.addf %get3A_518, %broadcast_in_dim3A_521 : vector<512x1xf32>
    %swap3A_523 = arith.constant 0 : index
    %swap3A_524 = arith.constant 15 : index
    %swap3A_525 = vector.load %arg7[%swap3A_523, %swap3A_524] : memref<512x16xf32, #tpu.memory_space<vmem>>, vector<512x1xf32>
    tpu.vector_store %arg7[%swap3A_523, %swap3A_524], %add3A_522 {strides = array<i32>} : memref<512x16xf32, #tpu.memory_space<vmem>>, vector<512x1xf32>,
    %get3A_526 = arith.constant 0 : index
    %get3A_527 = arith.constant 960 : index
    %get3A_528 = vector.load %arg8[%get3A_526, %get3A_527] : memref<512x1024xf32, #tpu.memory_space<vmem>>, vector<512x64xf32>
    %get3A_529 = arith.constant 0 : index
    %get3A_530 = arith.constant 960 : index
    %get3A_531 = vector.load %arg5[%get3A_529, %get3A_530] : memref<1024x1024xf32, #tpu.memory_space<vmem>>, vector<1024x64xf32>
    %dot_general3A_532 = arith.constant dense<0.000000e+00> : vector<512x64xf32>
    %dot_general3A_533 = tpu.matmul %exp3A_515, %get3A_531, %dot_general3A_532 {dimension_numbers = #tpu.dot_dimension_numbers<[1], [0], [0], [1], [0, 0, 1, 1], [], []>, transpose_lhs_hint = false} : vector<512x1024xf32>, vector<1024x64xf32>, vector<512x64xf32> -> vector<512x64xf32>
    %add3A_534 = arith.addf %get3A_528, %dot_general3A_533 : vector<512x64xf32>
    %swap3A_535 = arith.constant 0 : index
    %swap3A_536 = arith.constant 960 : index
    %swap3A_537 = vector.load %arg8[%swap3A_535, %swap3A_536] : memref<512x1024xf32, #tpu.memory_space<vmem>>, vector<512x64xf32>
    tpu.vector_store %arg8[%swap3A_535, %swap3A_536], %add3A_534 {strides = array<i32>} : memref<512x1024xf32, #tpu.memory_space<vmem>>, vector<512x64xf32>,
    %eq3A_538 = arith.constant 3 : i32
    %eq3A_539 = arith.cmpi eq, %arg2, %eq3A_538 : i32
    %convert_element_type3A_540 = arith.extui %eq3A_539 : i1 to i32
    %cond3A_541 = arith.constant 0 : i32
    %cond3A_542 = arith.cmpi ne, %convert_element_type3A_540, %cond3A_541 : i32
    scf.if %cond3A_542 {
      %get3A_543 = arith.constant 0 : index
      %get3A_544 = arith.constant 0 : index
      %get3A_545 = vector.load %arg8[%get3A_543, %get3A_544] : memref<512x1024xf32, #tpu.memory_space<vmem>>, vector<512x64xf32>
      %get3A_546 = arith.constant 0 : index
      %get3A_547 = arith.constant 0 : index
      %get3A_548 = vector.load %arg7[%get3A_546, %get3A_547] : memref<512x16xf32, #tpu.memory_space<vmem>>, vector<512x1xf32>
      %div3A = arith.constant 1.000000e+00 : f32
      %div3A_549 = vector.broadcast %div3A : f32 to vector<512x1xf32>
      %div3A_550 = arith.divf %div3A_549, %get3A_548 : vector<512x1xf32>
      %mul3A_551 = vector.broadcast %div3A_550 : vector<512x1xf32> to vector<512x64xf32>
      %mul3A_552 = arith.mulf %get3A_545, %mul3A_551 : vector<512x64xf32>
      %swap3A_553 = arith.constant 0 : index
      %swap3A_554 = arith.constant 0 : index
      %swap3A_555 = vector.load %arg6[%swap3A_553, %swap3A_554] : memref<512x1024xf32, #tpu.memory_space<vmem>>, vector<512x64xf32>
      tpu.vector_store %arg6[%swap3A_553, %swap3A_554], %mul3A_552 {strides = array<i32>} : memref<512x1024xf32, #tpu.memory_space<vmem>>, vector<512x64xf32>,
      %get3A_556 = arith.constant 0 : index
      %get3A_557 = arith.constant 64 : index
      %get3A_558 = vector.load %arg8[%get3A_556, %get3A_557] : memref<512x1024xf32, #tpu.memory_space<vmem>>, vector<512x64xf32>
      %get3A_559 = arith.constant 0 : index
      %get3A_560 = arith.constant 1 : index
      %get3A_561 = vector.load %arg7[%get3A_559, %get3A_560] : memref<512x16xf32, #tpu.memory_space<vmem>>, vector<512x1xf32>
      %div3A_562 = arith.constant 1.000000e+00 : f32
      %div3A_563 = vector.broadcast %div3A_562 : f32 to vector<512x1xf32>
      %div3A_564 = arith.divf %div3A_563, %get3A_561 : vector<512x1xf32>
      %mul3A_565 = vector.broadcast %div3A_564 : vector<512x1xf32> to vector<512x64xf32>
      %mul3A_566 = arith.mulf %get3A_558, %mul3A_565 : vector<512x64xf32>
      %swap3A_567 = arith.constant 0 : index
      %swap3A_568 = arith.constant 64 : index
      %swap3A_569 = vector.load %arg6[%swap3A_567, %swap3A_568] : memref<512x1024xf32, #tpu.memory_space<vmem>>, vector<512x64xf32>
      tpu.vector_store %arg6[%swap3A_567, %swap3A_568], %mul3A_566 {strides = array<i32>} : memref<512x1024xf32, #tpu.memory_space<vmem>>, vector<512x64xf32>,
      %get3A_570 = arith.constant 0 : index
      %get3A_571 = arith.constant 128 : index
      %get3A_572 = vector.load %arg8[%get3A_570, %get3A_571] : memref<512x1024xf32, #tpu.memory_space<vmem>>, vector<512x64xf32>
      %get3A_573 = arith.constant 0 : index
      %get3A_574 = arith.constant 2 : index
      %get3A_575 = vector.load %arg7[%get3A_573, %get3A_574] : memref<512x16xf32, #tpu.memory_space<vmem>>, vector<512x1xf32>
      %div3A_576 = arith.constant 1.000000e+00 : f32
      %div3A_577 = vector.broadcast %div3A_576 : f32 to vector<512x1xf32>
      %div3A_578 = arith.divf %div3A_577, %get3A_575 : vector<512x1xf32>
      %mul3A_579 = vector.broadcast %div3A_578 : vector<512x1xf32> to vector<512x64xf32>
      %mul3A_580 = arith.mulf %get3A_572, %mul3A_579 : vector<512x64xf32>
      %swap3A_581 = arith.constant 0 : index
      %swap3A_582 = arith.constant 128 : index
      %swap3A_583 = vector.load %arg6[%swap3A_581, %swap3A_582] : memref<512x1024xf32, #tpu.memory_space<vmem>>, vector<512x64xf32>
      tpu.vector_store %arg6[%swap3A_581, %swap3A_582], %mul3A_580 {strides = array<i32>} : memref<512x1024xf32, #tpu.memory_space<vmem>>, vector<512x64xf32>,
      %get3A_584 = arith.constant 0 : index
      %get3A_585 = arith.constant 192 : index
      %get3A_586 = vector.load %arg8[%get3A_584, %get3A_585] : memref<512x1024xf32, #tpu.memory_space<vmem>>, vector<512x64xf32>
      %get3A_587 = arith.constant 0 : index
      %get3A_588 = arith.constant 3 : index
      %get3A_589 = vector.load %arg7[%get3A_587, %get3A_588] : memref<512x16xf32, #tpu.memory_space<vmem>>, vector<512x1xf32>
      %div3A_590 = arith.constant 1.000000e+00 : f32
      %div3A_591 = vector.broadcast %div3A_590 : f32 to vector<512x1xf32>
      %div3A_592 = arith.divf %div3A_591, %get3A_589 : vector<512x1xf32>
      %mul3A_593 = vector.broadcast %div3A_592 : vector<512x1xf32> to vector<512x64xf32>
      %mul3A_594 = arith.mulf %get3A_586, %mul3A_593 : vector<512x64xf32>
      %swap3A_595 = arith.constant 0 : index
      %swap3A_596 = arith.constant 192 : index
      %swap3A_597 = vector.load %arg6[%swap3A_595, %swap3A_596] : memref<512x1024xf32, #tpu.memory_space<vmem>>, vector<512x64xf32>
      tpu.vector_store %arg6[%swap3A_595, %swap3A_596], %mul3A_594 {strides = array<i32>} : memref<512x1024xf32, #tpu.memory_space<vmem>>, vector<512x64xf32>,
      %get3A_598 = arith.constant 0 : index
      %get3A_599 = arith.constant 256 : index
      %get3A_600 = vector.load %arg8[%get3A_598, %get3A_599] : memref<512x1024xf32, #tpu.memory_space<vmem>>, vector<512x64xf32>
      %get3A_601 = arith.constant 0 : index
      %get3A_602 = arith.constant 4 : index
      %get3A_603 = vector.load %arg7[%get3A_601, %get3A_602] : memref<512x16xf32, #tpu.memory_space<vmem>>, vector<512x1xf32>
      %div3A_604 = arith.constant 1.000000e+00 : f32
      %div3A_605 = vector.broadcast %div3A_604 : f32 to vector<512x1xf32>
      %div3A_606 = arith.divf %div3A_605, %get3A_603 : vector<512x1xf32>
      %mul3A_607 = vector.broadcast %div3A_606 : vector<512x1xf32> to vector<512x64xf32>
      %mul3A_608 = arith.mulf %get3A_600, %mul3A_607 : vector<512x64xf32>
      %swap3A_609 = arith.constant 0 : index
      %swap3A_610 = arith.constant 256 : index
      %swap3A_611 = vector.load %arg6[%swap3A_609, %swap3A_610] : memref<512x1024xf32, #tpu.memory_space<vmem>>, vector<512x64xf32>
      tpu.vector_store %arg6[%swap3A_609, %swap3A_610], %mul3A_608 {strides = array<i32>} : memref<512x1024xf32, #tpu.memory_space<vmem>>, vector<512x64xf32>,
      %get3A_612 = arith.constant 0 : index
      %get3A_613 = arith.constant 320 : index
      %get3A_614 = vector.load %arg8[%get3A_612, %get3A_613] : memref<512x1024xf32, #tpu.memory_space<vmem>>, vector<512x64xf32>
      %get3A_615 = arith.constant 0 : index
      %get3A_616 = arith.constant 5 : index
      %get3A_617 = vector.load %arg7[%get3A_615, %get3A_616] : memref<512x16xf32, #tpu.memory_space<vmem>>, vector<512x1xf32>
      %div3A_618 = arith.constant 1.000000e+00 : f32
      %div3A_619 = vector.broadcast %div3A_618 : f32 to vector<512x1xf32>
      %div3A_620 = arith.divf %div3A_619, %get3A_617 : vector<512x1xf32>
      %mul3A_621 = vector.broadcast %div3A_620 : vector<512x1xf32> to vector<512x64xf32>
      %mul3A_622 = arith.mulf %get3A_614, %mul3A_621 : vector<512x64xf32>
      %swap3A_623 = arith.constant 0 : index
      %swap3A_624 = arith.constant 320 : index
      %swap3A_625 = vector.load %arg6[%swap3A_623, %swap3A_624] : memref<512x1024xf32, #tpu.memory_space<vmem>>, vector<512x64xf32>
      tpu.vector_store %arg6[%swap3A_623, %swap3A_624], %mul3A_622 {strides = array<i32>} : memref<512x1024xf32, #tpu.memory_space<vmem>>, vector<512x64xf32>,
      %get3A_626 = arith.constant 0 : index
      %get3A_627 = arith.constant 384 : index
      %get3A_628 = vector.load %arg8[%get3A_626, %get3A_627] : memref<512x1024xf32, #tpu.memory_space<vmem>>, vector<512x64xf32>
      %get3A_629 = arith.constant 0 : index
      %get3A_630 = arith.constant 6 : index
      %get3A_631 = vector.load %arg7[%get3A_629, %get3A_630] : memref<512x16xf32, #tpu.memory_space<vmem>>, vector<512x1xf32>
      %div3A_632 = arith.constant 1.000000e+00 : f32
      %div3A_633 = vector.broadcast %div3A_632 : f32 to vector<512x1xf32>
      %div3A_634 = arith.divf %div3A_633, %get3A_631 : vector<512x1xf32>
      %mul3A_635 = vector.broadcast %div3A_634 : vector<512x1xf32> to vector<512x64xf32>
      %mul3A_636 = arith.mulf %get3A_628, %mul3A_635 : vector<512x64xf32>
      %swap3A_637 = arith.constant 0 : index
      %swap3A_638 = arith.constant 384 : index
      %swap3A_639 = vector.load %arg6[%swap3A_637, %swap3A_638] : memref<512x1024xf32, #tpu.memory_space<vmem>>, vector<512x64xf32>
      tpu.vector_store %arg6[%swap3A_637, %swap3A_638], %mul3A_636 {strides = array<i32>} : memref<512x1024xf32, #tpu.memory_space<vmem>>, vector<512x64xf32>,
      %get3A_640 = arith.constant 0 : index
      %get3A_641 = arith.constant 448 : index
      %get3A_642 = vector.load %arg8[%get3A_640, %get3A_641] : memref<512x1024xf32, #tpu.memory_space<vmem>>, vector<512x64xf32>
      %get3A_643 = arith.constant 0 : index
      %get3A_644 = arith.constant 7 : index
      %get3A_645 = vector.load %arg7[%get3A_643, %get3A_644] : memref<512x16xf32, #tpu.memory_space<vmem>>, vector<512x1xf32>
      %div3A_646 = arith.constant 1.000000e+00 : f32
      %div3A_647 = vector.broadcast %div3A_646 : f32 to vector<512x1xf32>
      %div3A_648 = arith.divf %div3A_647, %get3A_645 : vector<512x1xf32>
      %mul3A_649 = vector.broadcast %div3A_648 : vector<512x1xf32> to vector<512x64xf32>
      %mul3A_650 = arith.mulf %get3A_642, %mul3A_649 : vector<512x64xf32>
      %swap3A_651 = arith.constant 0 : index
      %swap3A_652 = arith.constant 448 : index
      %swap3A_653 = vector.load %arg6[%swap3A_651, %swap3A_652] : memref<512x1024xf32, #tpu.memory_space<vmem>>, vector<512x64xf32>
      tpu.vector_store %arg6[%swap3A_651, %swap3A_652], %mul3A_650 {strides = array<i32>} : memref<512x1024xf32, #tpu.memory_space<vmem>>, vector<512x64xf32>,
      %get3A_654 = arith.constant 0 : index
      %get3A_655 = arith.constant 512 : index
      %get3A_656 = vector.load %arg8[%get3A_654, %get3A_655] : memref<512x1024xf32, #tpu.memory_space<vmem>>, vector<512x64xf32>
      %get3A_657 = arith.constant 0 : index
      %get3A_658 = arith.constant 8 : index
      %get3A_659 = vector.load %arg7[%get3A_657, %get3A_658] : memref<512x16xf32, #tpu.memory_space<vmem>>, vector<512x1xf32>
      %div3A_660 = arith.constant 1.000000e+00 : f32
      %div3A_661 = vector.broadcast %div3A_660 : f32 to vector<512x1xf32>
      %div3A_662 = arith.divf %div3A_661, %get3A_659 : vector<512x1xf32>
      %mul3A_663 = vector.broadcast %div3A_662 : vector<512x1xf32> to vector<512x64xf32>
      %mul3A_664 = arith.mulf %get3A_656, %mul3A_663 : vector<512x64xf32>
      %swap3A_665 = arith.constant 0 : index
      %swap3A_666 = arith.constant 512 : index
      %swap3A_667 = vector.load %arg6[%swap3A_665, %swap3A_666] : memref<512x1024xf32, #tpu.memory_space<vmem>>, vector<512x64xf32>
      tpu.vector_store %arg6[%swap3A_665, %swap3A_666], %mul3A_664 {strides = array<i32>} : memref<512x1024xf32, #tpu.memory_space<vmem>>, vector<512x64xf32>,
      %get3A_668 = arith.constant 0 : index
      %get3A_669 = arith.constant 576 : index
      %get3A_670 = vector.load %arg8[%get3A_668, %get3A_669] : memref<512x1024xf32, #tpu.memory_space<vmem>>, vector<512x64xf32>
      %get3A_671 = arith.constant 0 : index
      %get3A_672 = arith.constant 9 : index
      %get3A_673 = vector.load %arg7[%get3A_671, %get3A_672] : memref<512x16xf32, #tpu.memory_space<vmem>>, vector<512x1xf32>
      %div3A_674 = arith.constant 1.000000e+00 : f32
      %div3A_675 = vector.broadcast %div3A_674 : f32 to vector<512x1xf32>
      %div3A_676 = arith.divf %div3A_675, %get3A_673 : vector<512x1xf32>
      %mul3A_677 = vector.broadcast %div3A_676 : vector<512x1xf32> to vector<512x64xf32>
      %mul3A_678 = arith.mulf %get3A_670, %mul3A_677 : vector<512x64xf32>
      %swap3A_679 = arith.constant 0 : index
      %swap3A_680 = arith.constant 576 : index
      %swap3A_681 = vector.load %arg6[%swap3A_679, %swap3A_680] : memref<512x1024xf32, #tpu.memory_space<vmem>>, vector<512x64xf32>
      tpu.vector_store %arg6[%swap3A_679, %swap3A_680], %mul3A_678 {strides = array<i32>} : memref<512x1024xf32, #tpu.memory_space<vmem>>, vector<512x64xf32>,
      %get3A_682 = arith.constant 0 : index
      %get3A_683 = arith.constant 640 : index
      %get3A_684 = vector.load %arg8[%get3A_682, %get3A_683] : memref<512x1024xf32, #tpu.memory_space<vmem>>, vector<512x64xf32>
      %get3A_685 = arith.constant 0 : index
      %get3A_686 = arith.constant 10 : index
      %get3A_687 = vector.load %arg7[%get3A_685, %get3A_686] : memref<512x16xf32, #tpu.memory_space<vmem>>, vector<512x1xf32>
      %div3A_688 = arith.constant 1.000000e+00 : f32
      %div3A_689 = vector.broadcast %div3A_688 : f32 to vector<512x1xf32>
      %div3A_690 = arith.divf %div3A_689, %get3A_687 : vector<512x1xf32>
      %mul3A_691 = vector.broadcast %div3A_690 : vector<512x1xf32> to vector<512x64xf32>
      %mul3A_692 = arith.mulf %get3A_684, %mul3A_691 : vector<512x64xf32>
      %swap3A_693 = arith.constant 0 : index
      %swap3A_694 = arith.constant 640 : index
      %swap3A_695 = vector.load %arg6[%swap3A_693, %swap3A_694] : memref<512x1024xf32, #tpu.memory_space<vmem>>, vector<512x64xf32>
      tpu.vector_store %arg6[%swap3A_693, %swap3A_694], %mul3A_692 {strides = array<i32>} : memref<512x1024xf32, #tpu.memory_space<vmem>>, vector<512x64xf32>,
      %get3A_696 = arith.constant 0 : index
      %get3A_697 = arith.constant 704 : index
      %get3A_698 = vector.load %arg8[%get3A_696, %get3A_697] : memref<512x1024xf32, #tpu.memory_space<vmem>>, vector<512x64xf32>
      %get3A_699 = arith.constant 0 : index
      %get3A_700 = arith.constant 11 : index
      %get3A_701 = vector.load %arg7[%get3A_699, %get3A_700] : memref<512x16xf32, #tpu.memory_space<vmem>>, vector<512x1xf32>
      %div3A_702 = arith.constant 1.000000e+00 : f32
      %div3A_703 = vector.broadcast %div3A_702 : f32 to vector<512x1xf32>
      %div3A_704 = arith.divf %div3A_703, %get3A_701 : vector<512x1xf32>
      %mul3A_705 = vector.broadcast %div3A_704 : vector<512x1xf32> to vector<512x64xf32>
      %mul3A_706 = arith.mulf %get3A_698, %mul3A_705 : vector<512x64xf32>
      %swap3A_707 = arith.constant 0 : index
      %swap3A_708 = arith.constant 704 : index
      %swap3A_709 = vector.load %arg6[%swap3A_707, %swap3A_708] : memref<512x1024xf32, #tpu.memory_space<vmem>>, vector<512x64xf32>
      tpu.vector_store %arg6[%swap3A_707, %swap3A_708], %mul3A_706 {strides = array<i32>} : memref<512x1024xf32, #tpu.memory_space<vmem>>, vector<512x64xf32>,
      %get3A_710 = arith.constant 0 : index
      %get3A_711 = arith.constant 768 : index
      %get3A_712 = vector.load %arg8[%get3A_710, %get3A_711] : memref<512x1024xf32, #tpu.memory_space<vmem>>, vector<512x64xf32>
      %get3A_713 = arith.constant 0 : index
      %get3A_714 = arith.constant 12 : index
      %get3A_715 = vector.load %arg7[%get3A_713, %get3A_714] : memref<512x16xf32, #tpu.memory_space<vmem>>, vector<512x1xf32>
      %div3A_716 = arith.constant 1.000000e+00 : f32
      %div3A_717 = vector.broadcast %div3A_716 : f32 to vector<512x1xf32>
      %div3A_718 = arith.divf %div3A_717, %get3A_715 : vector<512x1xf32>
      %mul3A_719 = vector.broadcast %div3A_718 : vector<512x1xf32> to vector<512x64xf32>
      %mul3A_720 = arith.mulf %get3A_712, %mul3A_719 : vector<512x64xf32>
      %swap3A_721 = arith.constant 0 : index
      %swap3A_722 = arith.constant 768 : index
      %swap3A_723 = vector.load %arg6[%swap3A_721, %swap3A_722] : memref<512x1024xf32, #tpu.memory_space<vmem>>, vector<512x64xf32>
      tpu.vector_store %arg6[%swap3A_721, %swap3A_722], %mul3A_720 {strides = array<i32>} : memref<512x1024xf32, #tpu.memory_space<vmem>>, vector<512x64xf32>,
      %get3A_724 = arith.constant 0 : index
      %get3A_725 = arith.constant 832 : index
      %get3A_726 = vector.load %arg8[%get3A_724, %get3A_725] : memref<512x1024xf32, #tpu.memory_space<vmem>>, vector<512x64xf32>
      %get3A_727 = arith.constant 0 : index
      %get3A_728 = arith.constant 13 : index
      %get3A_729 = vector.load %arg7[%get3A_727, %get3A_728] : memref<512x16xf32, #tpu.memory_space<vmem>>, vector<512x1xf32>
      %div3A_730 = arith.constant 1.000000e+00 : f32
      %div3A_731 = vector.broadcast %div3A_730 : f32 to vector<512x1xf32>
      %div3A_732 = arith.divf %div3A_731, %get3A_729 : vector<512x1xf32>
      %mul3A_733 = vector.broadcast %div3A_732 : vector<512x1xf32> to vector<512x64xf32>
      %mul3A_734 = arith.mulf %get3A_726, %mul3A_733 : vector<512x64xf32>
      %swap3A_735 = arith.constant 0 : index
      %swap3A_736 = arith.constant 832 : index
      %swap3A_737 = vector.load %arg6[%swap3A_735, %swap3A_736] : memref<512x1024xf32, #tpu.memory_space<vmem>>, vector<512x64xf32>
      tpu.vector_store %arg6[%swap3A_735, %swap3A_736], %mul3A_734 {strides = array<i32>} : memref<512x1024xf32, #tpu.memory_space<vmem>>, vector<512x64xf32>,
      %get3A_738 = arith.constant 0 : index
      %get3A_739 = arith.constant 896 : index
      %get3A_740 = vector.load %arg8[%get3A_738, %get3A_739] : memref<512x1024xf32, #tpu.memory_space<vmem>>, vector<512x64xf32>
      %get3A_741 = arith.constant 0 : index
      %get3A_742 = arith.constant 14 : index
      %get3A_743 = vector.load %arg7[%get3A_741, %get3A_742] : memref<512x16xf32, #tpu.memory_space<vmem>>, vector<512x1xf32>
      %div3A_744 = arith.constant 1.000000e+00 : f32
      %div3A_745 = vector.broadcast %div3A_744 : f32 to vector<512x1xf32>
      %div3A_746 = arith.divf %div3A_745, %get3A_743 : vector<512x1xf32>
      %mul3A_747 = vector.broadcast %div3A_746 : vector<512x1xf32> to vector<512x64xf32>
      %mul3A_748 = arith.mulf %get3A_740, %mul3A_747 : vector<512x64xf32>
      %swap3A_749 = arith.constant 0 : index
      %swap3A_750 = arith.constant 896 : index
      %swap3A_751 = vector.load %arg6[%swap3A_749, %swap3A_750] : memref<512x1024xf32, #tpu.memory_space<vmem>>, vector<512x64xf32>
      tpu.vector_store %arg6[%swap3A_749, %swap3A_750], %mul3A_748 {strides = array<i32>} : memref<512x1024xf32, #tpu.memory_space<vmem>>, vector<512x64xf32>,
      %get3A_752 = arith.constant 0 : index
      %get3A_753 = arith.constant 960 : index
      %get3A_754 = vector.load %arg8[%get3A_752, %get3A_753] : memref<512x1024xf32, #tpu.memory_space<vmem>>, vector<512x64xf32>
      %get3A_755 = arith.constant 0 : index
      %get3A_756 = arith.constant 15 : index
      %get3A_757 = vector.load %arg7[%get3A_755, %get3A_756] : memref<512x16xf32, #tpu.memory_space<vmem>>, vector<512x1xf32>
      %div3A_758 = arith.constant 1.000000e+00 : f32
      %div3A_759 = vector.broadcast %div3A_758 : f32 to vector<512x1xf32>
      %div3A_760 = arith.divf %div3A_759, %get3A_757 : vector<512x1xf32>
      %mul3A_761 = vector.broadcast %div3A_760 : vector<512x1xf32> to vector<512x64xf32>
      %mul3A_762 = arith.mulf %get3A_754, %mul3A_761 : vector<512x64xf32>
      %swap3A_763 = arith.constant 0 : index
      %swap3A_764 = arith.constant 960 : index
      %swap3A_765 = vector.load %arg6[%swap3A_763, %swap3A_764] : memref<512x1024xf32, #tpu.memory_space<vmem>>, vector<512x64xf32>
      tpu.vector_store %arg6[%swap3A_763, %swap3A_764], %mul3A_762 {strides = array<i32>} : memref<512x1024xf32, #tpu.memory_space<vmem>>, vector<512x64xf32>,
    } else {
    }
    return
  }
  func.func @transform_0(%arg0: i32, %arg1: i32, %arg2: i32) -> (i32, i32) {
    %mul3A = arith.constant 2 : i32
    %mul3A_0 = arith.muli %arg0, %mul3A : i32
    %add3A = arith.addi %mul3A_0, %arg1 : i32
    %c0_i32 = arith.constant 0 : i32
    %c0_i32_1 = arith.constant 0 : i32
    return %add3A, %c0_i32 : i32, i32
  }
  func.func @transform_1(%arg0: i32, %arg1: i32, %arg2: i32) -> (i32, i32) {
    %mul3A = arith.constant 4 : i32
    %mul3A_0 = arith.muli %arg0, %mul3A : i32
    %add3A = arith.addi %mul3A_0, %arg2 : i32
    %c0_i32 = arith.constant 0 : i32
    %c0_i32_1 = arith.constant 0 : i32
    return %add3A, %c0_i32 : i32, i32
  }
  func.func @transform_2(%arg0: i32, %arg1: i32, %arg2: i32) -> (i32, i32) {
    %mul3A = arith.constant 4 : i32
    %mul3A_0 = arith.muli %arg0, %mul3A : i32
    %add3A = arith.addi %mul3A_0, %arg2 : i32
    %c0_i32 = arith.constant 0 : i32
    %c0_i32_1 = arith.constant 0 : i32
    return %add3A, %c0_i32 : i32, i32
  }
  func.func @transform_3(%arg0: i32, %arg1: i32, %arg2: i32) -> (i32, i32) {
    %mul3A = arith.constant 2 : i32
    %mul3A_0 = arith.muli %arg0, %mul3A : i32
    %add3A = arith.addi %mul3A_0, %arg1 : i32
    %c0_i32 = arith.constant 0 : i32
    %c0_i32_1 = arith.constant 0 : i32
    return %add3A, %c0_i32 : i32, i32
  }
}

module attributes {stable_mosaic.version = 14 : i64} {
  func.func @_outproj_body(%arg0: i32, %arg1: memref<512x1024xf32, #tpu.memory_space<vmem>>, %arg2: memref<1024x1024xf32, #tpu.memory_space<vmem>>, %arg3: memref<512x1xf32, #tpu.memory_space<vmem>>, %arg4: memref<512x1024xf32, #tpu.memory_space<vmem>>) attributes {dimension_semantics = [#tpu.dimension_semantics<arbitrary>], iteration_bounds = array<i64: 4>, scalar_prefetch = 0 : i64, scratch_operands = 0 : i64, tpu.core_type = #tpu.core_type<tc>, window_params = [{transform_indices = @transform_0, window_bounds = array<i64: 512, 1024>}, {pipeline_mode = #tpu.pipeline_mode<synchronous>, transform_indices = @transform_1, window_bounds = array<i64: 1024, 1024>}, {transform_indices = @transform_2, window_bounds = array<i64: 512, 1>}, {transform_indices = @transform_3, window_bounds = array<i64: 512, 1024>}]} {
    %get3A = arith.constant 0 : index
    %get3A_0 = arith.constant 0 : index
    %get3A_1 = vector.load %arg1[%get3A, %get3A_0] : memref<512x1024xf32, #tpu.memory_space<vmem>>, vector<512x1024xf32>
    %get3A_2 = arith.constant 0 : index
    %get3A_3 = arith.constant 0 : index
    %get3A_4 = vector.load %arg2[%get3A_2, %get3A_3] : memref<1024x1024xf32, #tpu.memory_space<vmem>>, vector<1024x1024xf32>
    %dot_general3A = arith.constant dense<0.000000e+00> : vector<512x1024xf32>
    %dot_general3A_5 = tpu.matmul %get3A_1, %get3A_4, %dot_general3A {dimension_numbers = #tpu.dot_dimension_numbers<[1], [0], [0], [1], [0, 0, 1, 1], [], []>, transpose_lhs_hint = false} : vector<512x1024xf32>, vector<1024x1024xf32>, vector<512x1024xf32> -> vector<512x1024xf32>
    %get3A_6 = arith.constant 0 : index
    %get3A_7 = arith.constant 0 : index
    %get3A_8 = vector.load %arg3[%get3A_6, %get3A_7] : memref<512x1xf32, #tpu.memory_space<vmem>>, vector<512x1xf32>
    %mul3A = vector.broadcast %get3A_8 : vector<512x1xf32> to vector<512x1024xf32>
    %mul3A_9 = arith.mulf %dot_general3A_5, %mul3A : vector<512x1024xf32>
    %swap3A = arith.constant 0 : index
    %swap3A_10 = arith.constant 0 : index
    %swap3A_11 = vector.load %arg4[%swap3A, %swap3A_10] : memref<512x1024xf32, #tpu.memory_space<vmem>>, vector<512x1024xf32>
    tpu.vector_store %arg4[%swap3A, %swap3A_10], %mul3A_9 {strides = array<i32>} : memref<512x1024xf32, #tpu.memory_space<vmem>>, vector<512x1024xf32>,
    return
  }
  func.func @transform_0(%arg0: i32) -> (i32, i32) {
    %c0_i32 = arith.constant 0 : i32
    %c0_i32_0 = arith.constant 0 : i32
    return %arg0, %c0_i32 : i32, i32
  }
  func.func @transform_1(%arg0: i32) -> (i32, i32) {
    %c0_i32 = arith.constant 0 : i32
    %c0_i32_0 = arith.constant 0 : i32
    %c0_i32_1 = arith.constant 0 : i32
    return %c0_i32, %c0_i32_0 : i32, i32
  }
  func.func @transform_2(%arg0: i32) -> (i32, i32) {
    %c0_i32 = arith.constant 0 : i32
    %c0_i32_0 = arith.constant 0 : i32
    return %arg0, %c0_i32 : i32, i32
  }
  func.func @transform_3(%arg0: i32) -> (i32, i32) {
    %c0_i32 = arith.constant 0 : i32
    %c0_i32_0 = arith.constant 0 : i32
    return %arg0, %c0_i32 : i32, i32
  }
}

</mosaic_0001>

<sc_bundles>
// kernel: kernel.12.cloned.1.call-start
scs
__scs_entry_jumppad:
0x0: {  	(pc) =	sbr.rel $0x88, $3  }
0x1: {  	(tag) =	ssettag $0x0;
	lr =	simm.s32 $0x1  }
0x2: {  	[smem:$0x3F9B] =	sst lr;
	_ =	strace $0xD0000000  }
0x3: {  	_ = 	snop  }
0x4: {  	_ = 	snop  }
0x5: {  	_ = 	snop  }
0x6: {  	_ = 	snop  }
0x7: {  	_ = 	snop  }
__scs_overlays_trampoline_lowered:
0x8: {  	[smem:$0x3FAA] =	sst s0  }
0x9: {  	[smem:$0x3FAB] =	sst s1  }
0xa: {  	[smem:$0x3FAC] =	sst s2  }
0xb: {  	[smem:$0x3FAD] =	sst s3  }
0xc: {  	[smem:$0x3FAE] =	sst s4  }
0xd: {  	[smem:$0x3FAF] =	sst s5  }
0xe: {  	[smem:$0x3FB0] =	sst s6  }
0xf: {  	[smem:$0x3FB1] =	sst s7  }
0x10: {  	[smem:$0x3FB2] =	sst s8  }
0x11: {  	[smem:$0x3FB3] =	sst s9;
	s0 =	simm.s32 @!p0 $0x0  }
0x12: {  	s1 =	sld [smem:$0x3F99];
	s0 =	simm.s32 @p0 $0x1  }
0x13: {  	[smem:$0x3FB4] =	sst s0;
	s0 =	simm.s32 @!p1 $0x0  }
0x14: {  	s2 =	sld [smem:$0x3F98];
	s0 =	simm.s32 @p1 $0x1  }
0x15: {  	[smem:$0x3FB5] =	sst s0;
	s0 =	simm.s32 @!p2 $0x0  }
0x16: {  	s3 =	sld [smem:$0x3FDB];
	s0 =	simm.s32 @p2 $0x1  }
0x17: {  	s4 =	simm.s32 $0x1BF5;
	[smem:$0x3FB7] =	sst s0  }
0x18: {  	s0 =	sld [smem:$0x3F9A];
	_ =	swait.ge [sflag:s4], $0x0  }
0x19: {  	s7 =	sld [smem:$0x3F9B]  }
0x1a: {  	s8 =	sadd.s32 $0xFFFFE003, lr  }
0x1b: {  	s9 =	sadd.s32 $0xFFFFFEF7, lr;
	s5 =	simm.s32 $0xFFFFFFFF;
	p2 =	slt.u32 s8, $0xFFFFF086  }
0x1c: {  	p1 =	slt.u32 s9, $0xF7A;
	s5 =	simm.s32 @!p2 $0x0  }
0x1d: {  	s5 =	simm.s32 @p1 $0x1;
	p0 =	seq.s32 s7, s2  }
0x1e: {  	s7 =	smul.u32 @!p0 $0xF7A, s2;
	p2 =	seq.s32 @!p0 s5, $0x0  }
0x1f: {  	s9 =	smul.u32 $0xF7A, s1;
	s8 =	simm.s32 @!p0 $0x1BF5;
	p2 =	por !p2, p0  }
0x20: {  	[sflag:s8] =	ssyncset.s32 @!p0 $0xFFFFF086;
	s6 =	sadd.s32 @!p0 s3, s7;
	s7 =	simm.s32 @!p0 $0x108  }
0x21: {  	s3 =	sadd.s32 s3, s9;
	s6 =	sadd.s32 @!p0 $0x88, s6;
	s7 =	simm.s32 @p2 $0x1082  }
0x22: {  	[simem:s7], [sflag:s8] =	dma.local @!p0 [hbm:s6], $0xF7A  }
0x23: {  	s9 =	sor.u32 $0xD0000000, s2;
	s6 =	simm.s32 $0x108;
	_ =	swait.ge @!p0 [sflag:s8], $0x0  }
0x24: {  	s3 =	sadd.s32 $0x88, s3;
	s6 =	simm.s32 @!p1 $0x1082;
	[sflag:s4] =	ssyncset.s32 $0xFFFFF086  }
0x25: {  	[simem:s6], [sflag:s4] =	dma.local [hbm:s3], $0xF7A  }
0x26: {  	[smem:$0x3F9B] =	sst s1;
	(tag) =	ssettag s2;
	_ =	strace s9  }
0x27: {  	s1 =	sld [smem:$0x3FAB]  }
0x28: {  	s2 =	sld [smem:$0x3FAC]  }
0x29: {  	s4 =	sld [smem:$0x3FAE]  }
0x2a: {  	p0 =	seq.s32 s5, $0x0;
	s5 =	sld [smem:$0x3FAF]  }
0x2b: {  	s6 =	sld [smem:$0x3FB0]  }
0x2c: {  	s7 =	sld [smem:$0x3FB1]  }
0x2d: {  	s3 =	simm.s32 $0x108;
	s8 =	sld [smem:$0x3FB2]  }
0x2e: {  	s3 =	simm.s32 @!p0 $0x1082;
	s9 =	sld [smem:$0x3FB3]  }
0x2f: {  	lr =	sadd.s32 s0, s3;
	s0 =	sld [smem:$0x3FAA]  }
0x30: {  	s3 =	sld [smem:$0x3FAD]  }
0x31: {  	[smem:$0x3FB6] =	sst s10  }
0x32: {  	s10 =	sld [smem:$0x3FB4];
	_ =	sdelay $0x3  }
0x33: {  	p0 =	seq.s32 s10, $0x1;
	s10 =	sld [smem:$0x3FB6];
	_ =	sdelay $0x3  }
0x34: {  	[smem:$0x3FB6] =	sst s10  }
0x35: {  	s10 =	sld [smem:$0x3FB5];
	_ =	sdelay $0x3  }
0x36: {  	p1 =	seq.s32 s10, $0x1;
	s10 =	sld [smem:$0x3FB6];
	_ =	sdelay $0x3  }
0x37: {  	[smem:$0x3FB6] =	sst s10  }
0x38: {  	s10 =	sld [smem:$0x3FB7]  }
0x39: {  	_ = 	snop;
	(pc) =	sbr.ind lr, $3  }
0x3a: {  	_ = 	snop  }
0x3b: {  	_ = 	snop  }
0x3c: {  	p2 =	seq.s32 s10, $0x1;
	s10 =	sld [smem:$0x3FB6]  }
0x3d: {  	_ =	shalt  }
0x3e: {  	_ =	shalt  }
0x3f: {  	_ =	shalt  }
0x40: {  	_ =	shalt  }
0x41: {  	_ =	shalt  }
0x42: {  	_ =	shalt  }
0x43: {  	_ =	shalt  }
0x44: {  	_ =	shalt  }
0x45: {  	_ =	shalt  }
0x46: {  	_ =	shalt  }
0x47: {  	_ =	shalt  }
0x48: {  	_ =	shalt  }
0x49: {  	_ =	shalt  }
0x4a: {  	_ =	shalt  }
0x4b: {  	_ =	shalt  }
0x4c: {  	_ =	shalt  }
0x4d: {  	_ =	shalt  }
0x4e: {  	_ =	shalt  }
0x4f: {  	_ =	shalt  }
0x50: {  	_ =	shalt  }
0x51: {  	_ =	shalt  }
0x52: {  	_ =	shalt  }
0x53: {  	_ =	shalt  }
0x54: {  	_ =	shalt  }
0x55: {  	_ =	shalt  }
0x56: {  	_ =	shalt  }
0x57: {  	_ =	shalt  }
0x58: {  	_ =	shalt  }
0x59: {  	_ =	shalt  }
0x5a: {  	_ =	shalt  }
0x5b: {  	_ =	shalt  }
0x5c: {  	_ =	shalt  }
0x5d: {  	_ =	shalt  }
0x5e: {  	_ =	shalt  }
0x5f: {  	_ =	shalt  }
0x60: {  	_ =	shalt  }
0x61: {  	_ =	shalt  }
0x62: {  	_ =	shalt  }
0x63: {  	_ =	shalt  }
0x64: {  	_ =	shalt  }
0x65: {  	_ =	shalt  }
0x66: {  	_ =	shalt  }
0x67: {  	_ =	shalt  }
0x68: {  	_ =	shalt  }
0x69: {  	_ =	shalt  }
0x6a: {  	_ =	shalt  }
0x6b: {  	_ =	shalt  }
0x6c: {  	_ =	shalt  }
0x6d: {  	_ =	shalt  }
0x6e: {  	_ =	shalt  }
0x6f: {  	_ =	shalt  }
0x70: {  	_ =	shalt  }
0x71: {  	_ =	shalt  }
0x72: {  	_ =	shalt  }
0x73: {  	_ =	shalt  }
0x74: {  	_ =	shalt  }
0x75: {  	_ =	shalt  }
0x76: {  	_ =	shalt  }
0x77: {  	_ =	shalt  }
0x78: {  	_ =	shalt  }
0x79: {  	_ =	shalt  }
0x7a: {  	_ =	shalt  }
0x7b: {  	_ =	shalt  }
0x7c: {  	_ =	shalt  }
0x7d: {  	_ =	shalt  }
0x7e: {  	_ =	shalt  }
0x7f: {  	_ =	shalt  }
0x80: {  	_ =	shalt  }
0x81: {  	_ =	shalt  }
0x82: {  	_ =	shalt  }
0x83: {  	_ =	shalt  }
0x84: {  	_ =	shalt  }
0x85: {  	_ =	shalt  }
0x86: {  	_ =	shalt  }
0x87: {  	_ =	shalt  }
.Lfunc_end0:
.L_simem_size_0:
called_computation_lowered:
.L_overlay_start_0:
0x88: {  	s2 =	sld [smem:$0x3FD9]  }
0x89: {  	s3 =	sld [smem:$0x3FFE];
	_ =	sdelay $0x1  }
0x8a: {  	s1 =	srdreg.scid  }
0x8b: {  	s0 =	sand.u32 $0x1, s1  }
0x8c: {  	s17 =	sshll.u32 s0, $0xA;
	s2 =	sadd.s32 s3, s2  }
0x8d: {  	s2 =	sadd.s32 s2, s17  }
0x8e: {  	[smem:$0x3FC2] =	sst s2  }
0x8f: {  	_ = 	snop  }
0x90: {  	s2 =	sld [smem:$0x3FC9];
	(tm) =	ssettm $0x1  }
0x91: {  	s18 =	sld [smem:$0x3FFB];
	_ =	sdelay $0x3  }
0x92: {  	_ =	strace s18  }
0x93: {  	s3 =	sld [smem:$0x3FFC];
	_ =	sdelay $0x3  }
0x94: {  	_ =	strace s3  }
0x95: {  	s3 =	sld [smem:$0x3FFD];
	_ =	sdelay $0x3  }
0x96: {  	_ =	strace s3  }
0x97: {  	_ =	strace $0x8FFFFFFF  }
0x98: {  	s19 =	sld [smem:$0x3FDB];
	_ =	sdelay $0x1  }
0x99: {  	s4 =	simm.s32 $_scs_section_size  }
0x9a: {  	s5 =	simm.s32 $_size__tile_overlayer_lowered;
	s6 =	simm.s32 $_tile_overlayer_lowered  }
0x9b: {  	s22 =	simm.s32 $0x1BFF;
	s21 =	sshll.u32 s6, $0x1;
	s3 =	sadd.s32 s4, s19  }
0x9c: {  	s7 =	simm.s32 $0x0;
	s20 =	sshll.u32 s5, $0x1;
	s5 =	sadd.s32 s21, s3  }
0x9d: {  	[timem:s7], [sflag:s22] =	dma.local [hbm:s5], s20  }
0x9e: {  	_ =	swait.ge [sflag:s22], s20  }
0x9f: {  	s4 =	ssub.s32 $0x0, s20;
	[sflag:s22] =	ssyncset.done $0x0  }
0xa0: {  	[sflag:s22] =	ssyncadd.s32 s4;
	_ =	sdelay $0x1  }
0xa1: {  	s23 =	simm.s32 $0x1B8B  }
0xa2: {  	_ =	swait.ge [sflag:s23], $0x1  }
0xa3: {  	[sflag:s23] =	ssyncset.done $0x0  }
0xa4: {  	s25 =	simm.s32 $0x1B8E;
	s24 =	sld [smem:$0x3FFE];
	[sflag:s23] =	ssyncadd.s32 $0xFFFFFFFF  }
0xa5: {  	s26 =	simm.s32 $execute0_lowered;
	[smem:$0x3FD2] =	sst s25  }
0xa6: {  	s5 =	sshll.u32 s26, $0x1;
	_ =	strace $0x80000046;
	[dreg:$0x1] =	wrdreg $0xFFFFFFFF  }
0xa7: {  	s28 =	simm.s32 $_size_execute0_lowered;
	s3 =	sadd.s32 s3, s5;
	[dreg:$0x0] =	wrdreg $0x0  }
0xa8: {  	s5 =	sshll.u32 s28, $0x1;
	[dreg:$0x2] =	wrdreg s3  }
0xa9: {  	[dreg:$0x3] =	wrdreg s5  }
0xaa: {  	[dreg:$0x4] =	wrdreg $0xC0  }
0xab: {  	_ =	task [dreg:s7], $0x5FFFF  }
0xac: {  	[dreg:$0x1] =	wrdreg $0xFFFFFFFF  }
0xad: {  	[dreg:$0x0] =	wrdreg $0x60  }
0xae: {  	[dreg:$0x2] =	wrdreg s2  }
0xaf: {  	[dreg:$0x3] =	wrdreg s24  }
0xb0: {  	[dreg:$0x4] =	wrdreg $0x9  }
0xb1: {  	_ =	task.clear_ibuf [dreg:s7], $0x5FFFF;
	_ =	strace $0x90000046  }
0xb2: {  	s29 =	simm.s32 $0x9;
	_ =	strace $0x80000048  }
0xb3: {  	_ =	swait.ge [sflag:s29], $0x1  }
0xb4: {  	[sflag:s29] =	ssyncadd.s32 $0xFFFFFFFF  }
0xb5: {  	_ =	strace $0x90000048  }
0xb6: {  	_ =	sfence  }
0xb7: {  	s30 =	sld [smem:$0x0];
	_ =	sdelay $0x2  }
0xb8: {  	s31 =	sshll.u32 s1, $0xD;
	s1 =	sshrl.u32 s1, $0x2  }
0xb9: {  	s3 =	sand.u32 $0x4000, s31;
	s1 =	sadd.s32 s1, s30  }
0xba: {  	s0 =	sor.u32 s3, s0;
	s1 =	sshll.u32 s1, $0x11  }
0xbb: {  	s0 =	sor.u32 s1, s0  }
0xbc: {  	s0 =	sadd.s32 $0x8F2B, s0  }
0xbd: {  	[sflag:s0] =	ssyncadd.remote.s32 $0x1  }
0xbe: {  	_ =	sfence.sel $0xFFFF  }
0xbf: {  	[dreg:$0x0] =	wrdreg $0xFFFFFFFF;
	(pc) =	sbr.abs _section_cstart, $3  }
0xc0: {  	[dreg:$0x1] =	wrdreg $0xFFFFFFFF  }
0xc1: {  	_ =	task.clear_ibuf [dreg:s7], $0x2FFFF;
	_ =	strace $0x9FFFFFFF  }
0xc2: {  	(tm) =	ssettm $0x7FFFFFFF  }
0xc3: {  	_ =	shalt  }
tec
execute0_lowered:
.L_overlay_start_1:
0x0: {  	(tag) =	ssettag $0x1  }
0x1: {  	s1 =	srdreg.scid  }
0x2: {  	s0 =	stileid.u32;
	s2 =	rddreg [dreg:$0x0]  }
0x3: {  	s5 =	rddreg [dreg:$0x1];
	s18 =	simm.s32 $0x880;
	s19 =	simm.s32 $0x1080  }
0x4: {  	s20 =	simm.s32 $0x1880;
	s22 =	simm.s32 $0x2080;
	s23 =	simm.s32 $0x2880  }
0x5: {  	s24 =	simm.s32 $0x3080;
	s7 =	simm.s32 $0x3880;
	s8 =	simm.s32 $0x4080  }
0x6: {  	s25 =	simm.s32 $0x4880;
	s26 =	simm.s32 $0x5080;
	s1 =	sand.u32 $0x1, s1  }
0x7: {  	s9 =	simm.s32 $0x80;
	s3 =	sshll.u32 s0, $0x7;
	s4 =	sshll.u32 s1, $0x6  }
0x8: {  	s11 =	simm.s32 $0x6080;
	s4 =	sor.u32 s4, s3;
	s3 =	simm.s32 $0x0  }
0x9: {  	s12 =	simm.s32 $0x6880;
	s13 =	simm.s32 $0x7080;
	[smem:$0x7FF] =	sst s3  }
0xa: {  	s14 =	simm.s32 $0x7880;
	_ =	strace $0x80000047;
	[dreg:$0x5] =	wrdreg s18  }
0xb: {  	s15 =	simm.s32 $0x8080;
	s16 =	simm.s32 $0x8880;
	[dreg:$0x6] =	wrdreg s19  }
0xc: {  	s28 =	simm.s32 $0xE080;
	s29 =	simm.s32 $0xE880;
	[dreg:$0x7] =	wrdreg s20  }
0xd: {  	s30 =	simm.s32 $0xF080;
	s1 =	ssub.s32 $0x2, s1;
	[dreg:$0x8] =	wrdreg s22  }
0xe: {  	s31 =	simm.s32 $0xF880;
	s21 =	sshrl.u32 s1, $0x1;
	[dreg:$0x9] =	wrdreg s23  }
0xf: {  	s6 =	sshrl.u32 s4, $0x3;
	s4 =	sshll.u32 s4, $0x7;
	[dreg:$0xa] =	wrdreg s24  }
0x10: {  	s1 =	ssub.s32 s1, s21;
	s21 =	simm.s32 $0xB080;
	[dreg:$0xb] =	wrdreg s7  }
0x11: {  	s6 =	sadd.s32 s6, s5;
	s4 =	sadd.s32 s4, s5;
	[dreg:$0xc] =	wrdreg s8  }
0x12: {  	s5 =	sadd.s32 $0x200, s2;
	s7 =	smax.u32 s1, $0x1;
	[dreg:$0xd] =	wrdreg s25  }
0x13: {  	s8 =	simm.s32 $0x2;
	[dreg:$0xe] =	wrdreg s26;
	s18 =	simm.s32 $0x9880  }
0x14: {  	s19 =	simm.s32 $0xA080;
	s20 =	simm.s32 $0xA880;
	s22 =	simm.s32 $0xB880  }
0x15: {  	s23 =	simm.s32 $0xC080;
	s24 =	simm.s32 $0xC880;
	s25 =	simm.s32 $0xD080  }
0x16: {  	v2 =	vlaneseq.u32;
	s26 =	simm.s32 $0xD880;
	s1 =	simm.s32 $0x1;
	s17 =	sadd.s32 $0x2600, s6  }
0x17: {  	vm0 =	vmmov $0xffff;
	v1 =	vshrl.u32 v2, $0x3;
	s4 =	sadd.s32 $0x2800, s4;
	s6 =	sadd.s32 $0x300, s2;
	[dreg:$0x3] =	wrdreg s17  }
0x18: {  	v0 =	vand.u32 $0x7, v2;
	v2 =	vor.u32 $0x8, v2;
	v1 =	vmul.u32 $0x8, v1;
	[dreg:$0x4] =	wrdreg s4;
	s4 =	sadd.s32 $0x100, s2;
	s17 =	simm.s32 $0x9080  }
.LBB2_1:
0x19: {  	s0 =	rddreg [dreg:$0x3]  }
0x1a: {  	[tilespmem:s3], [sflag:$0x2] =	stream.linear.gather [hbm4b:s0+s3], $0x40, $0x38;
	[tilespmem:$0x10080] =	vst v63  }
0x1b: {  	_ =	swait.ge [sflag:s8], $0x40  }
0x1c: {  	[sflag:s8] =	ssyncset.done $0x0  }
0x1d: {  	[sflag:s8] =	ssyncadd.s32 $0xFFFFFFC0  }
0x1e: {  	v3 =	vld [tilespmem:$0x0];
	_ =	sdelay $0x4  }
0x1f: {  	v4 =	vshll.u32 v3, $0x3  }
0x20: {  	v3 =	vand.u32 $0x7, v3;
	v4 =	vand.u32 $0xFFFFFFC0, v4  }
0x21: {  	v3 =	vor.u32 v3, v4  }
0x22: {  	v4 =	vperm.xlane v3, v0;
	_ =	sdelay $0x1  }
0x23: {  	v4 =	vadd.s32 v1, v4;
	_ =	sdelay $0x4  }
0x24: {  	[tilespmem:s9], [sflag:$0x1] =	stream.indirect_vreg.gather [hbm4b:s2+s3], $0x80, v4, vm0, $0xb8;
	[tilespmem:$0x10080] =	vst v63  }
0x25: {  	s0 =	rddreg [dreg:$0x5];
	v3 =	vperm.xlane v3, v2  }
0x26: {  	[tilespmem:s0], [sflag:$0x1] =	stream.indirect_vreg.gather [hbm4b:s4+s3], $0x80, v4, vm0, $0xb8;
	[tilespmem:$0x10080] =	vst v63  }
0x27: {  	s10 =	rddreg [dreg:$0x6];
	v3 =	vadd.s32 v1, v3  }
0x28: {  	[tilespmem:s10], [sflag:$0x1] =	stream.indirect_vreg.gather [hbm4b:s5+s3], $0x80, v4, vm0, $0xb8;
	[tilespmem:$0x10080] =	vst v63  }
0x29: {  	s0 =	rddreg [dreg:$0x7]  }
0x2a: {  	[tilespmem:s0], [sflag:$0x1] =	stream.indirect_vreg.gather [hbm4b:s6+s3], $0x80, v4, vm0, $0xb8;
	[tilespmem:$0x10080] =	vst v63  }
0x2b: {  	s10 =	rddreg [dreg:$0x8]  }
0x2c: {  	[tilespmem:s10], [sflag:$0x1] =	stream.indirect_vreg.gather [hbm4b:s2+s3], $0x80, v3, vm0, $0xb8;
	[tilespmem:$0x10080] =	vst v63  }
0x2d: {  	s0 =	rddreg [dreg:$0x9]  }
0x2e: {  	[tilespmem:s0], [sflag:$0x1] =	stream.indirect_vreg.gather [hbm4b:s4+s3], $0x80, v3, vm0, $0xb8;
	[tilespmem:$0x10080] =	vst v63  }
0x2f: {  	s10 =	rddreg [dreg:$0xa]  }
0x30: {  	[tilespmem:s10], [sflag:$0x1] =	stream.indirect_vreg.gather [hbm4b:s5+s3], $0x80, v3, vm0, $0xb8;
	[tilespmem:$0x10080] =	vst v63  }
0x31: {  	s0 =	rddreg [dreg:$0xb]  }
0x32: {  	[tilespmem:s0], [sflag:$0x1] =	stream.indirect_vreg.gather [hbm4b:s6+s3], $0x80, v3, vm0, $0xb8;
	[tilespmem:$0x10080] =	vst v63  }
0x33: {  	v3 =	vld [tilespmem:$0x10];
	_ =	sdelay $0x4  }
0x34: {  	v61 =	vshll.u32 v3, $0x3  }
0x35: {  	v3 =	vand.u32 $0x7, v3;
	v4 =	vand.u32 $0xFFFFFFC0, v61  }
0x36: {  	v3 =	vor.u32 v3, v4  }
0x37: {  	v4 =	vperm.xlane v3, v0;
	_ =	sdelay $0x1  }
0x38: {  	v4 =	vadd.s32 v1, v4;
	_ =	sdelay $0x3  }
0x39: {  	s0 =	rddreg [dreg:$0xc]  }
0x3a: {  	[tilespmem:s0], [sflag:$0x1] =	stream.indirect_vreg.gather [hbm4b:s2+s3], $0x80, v4, vm0, $0xb8;
	[tilespmem:$0x10080] =	vst v63  }
0x3b: {  	s10 =	rddreg [dreg:$0xd];
	v3 =	vperm.xlane v3, v2  }
0x3c: {  	[tilespmem:s10], [sflag:$0x1] =	stream.indirect_vreg.gather [hbm4b:s4+s3], $0x80, v4, vm0, $0xb8;
	[tilespmem:$0x10080] =	vst v63  }
0x3d: {  	v3 =	vadd.s32 v1, v3;
	s0 =	rddreg [dreg:$0xe]  }
0x3e: {  	[tilespmem:s0], [sflag:$0x1] =	stream.indirect_vreg.gather [hbm4b:s5+s3], $0x80, v4, vm0, $0xb8;
	[tilespmem:$0x10080] =	vst v63  }
0x3f: {  	s10 =	simm.s32 $0x5880  }
0x40: {  	[tilespmem:s10], [sflag:$0x1] =	stream.indirect_vreg.gather [hbm4b:s6+s3], $0x80, v4, vm0, $0xb8;
	[tilespmem:$0x10080] =	vst v63  }
0x41: {  	_ = 	snop  }
0x42: {  	[tilespmem:s11], [sflag:$0x1] =	stream.indirect_vreg.gather [hbm4b:s2+s3], $0x80, v3, vm0, $0xb8;
	[tilespmem:$0x10080] =	vst v63  }
0x43: {  	_ = 	snop  }
0x44: {  	[tilespmem:s12], [sflag:$0x1] =	stream.indirect_vreg.gather [hbm4b:s4+s3], $0x80, v3, vm0, $0xb8;
	[tilespmem:$0x10080] =	vst v63  }
0x45: {  	_ = 	snop  }
0x46: {  	[tilespmem:s13], [sflag:$0x1] =	stream.indirect_vreg.gather [hbm4b:s5+s3], $0x80, v3, vm0, $0xb8;
	[tilespmem:$0x10080] =	vst v63  }
0x47: {  	_ = 	snop  }
0x48: {  	[tilespmem:s14], [sflag:$0x1] =	stream.indirect_vreg.gather [hbm4b:s6+s3], $0x80, v3, vm0, $0xb8;
	[tilespmem:$0x10080] =	vst v63  }
0x49: {  	v3 =	vld [tilespmem:$0x20];
	_ =	sdelay $0x4  }
0x4a: {  	v62 =	vshll.u32 v3, $0x3  }
0x4b: {  	v3 =	vand.u32 $0x7, v3;
	v4 =	vand.u32 $0xFFFFFFC0, v62  }
0x4c: {  	v3 =	vor.u32 v3, v4  }
0x4d: {  	v4 =	vperm.xlane v3, v0;
	_ =	sdelay $0x1  }
0x4e: {  	v4 =	vadd.s32 v1, v4;
	_ =	sdelay $0x4  }
0x4f: {  	[tilespmem:s15], [sflag:$0x1] =	stream.indirect_vreg.gather [hbm4b:s2+s3], $0x80, v4, vm0, $0xb8;
	[tilespmem:$0x10080] =	vst v63  }
0x50: {  	v3 =	vperm.xlane v3, v2  }
0x51: {  	[tilespmem:s16], [sflag:$0x1] =	stream.indirect_vreg.gather [hbm4b:s4+s3], $0x80, v4, vm0, $0xb8;
	[tilespmem:$0x10080] =	vst v63  }
0x52: {  	v3 =	vadd.s32 v1, v3  }
0x53: {  	[tilespmem:s17], [sflag:$0x1] =	stream.indirect_vreg.gather [hbm4b:s5+s3], $0x80, v4, vm0, $0xb8;
	[tilespmem:$0x10080] =	vst v63  }
0x54: {  	_ = 	snop  }
0x55: {  	[tilespmem:s18], [sflag:$0x1] =	stream.indirect_vreg.gather [hbm4b:s6+s3], $0x80, v4, vm0, $0xb8;
	[tilespmem:$0x10080] =	vst v63  }
0x56: {  	_ = 	snop  }
0x57: {  	[tilespmem:s19], [sflag:$0x1] =	stream.indirect_vreg.gather [hbm4b:s2+s3], $0x80, v3, vm0, $0xb8;
	[tilespmem:$0x10080] =	vst v63  }
0x58: {  	_ = 	snop  }
0x59: {  	[tilespmem:s20], [sflag:$0x1] =	stream.indirect_vreg.gather [hbm4b:s4+s3], $0x80, v3, vm0, $0xb8;
	[tilespmem:$0x10080] =	vst v63  }
0x5a: {  	_ = 	snop  }
0x5b: {  	[tilespmem:s21], [sflag:$0x1] =	stream.indirect_vreg.gather [hbm4b:s5+s3], $0x80, v3, vm0, $0xb8;
	[tilespmem:$0x10080] =	vst v63  }
0x5c: {  	_ = 	snop  }
0x5d: {  	[tilespmem:s22], [sflag:$0x1] =	stream.indirect_vreg.gather [hbm4b:s6+s3], $0x80, v3, vm0, $0xb8;
	[tilespmem:$0x10080] =	vst v63  }
0x5e: {  	v3 =	vld [tilespmem:$0x30];
	_ =	sdelay $0x4  }
0x5f: {  	v63 =	vshll.u32 v3, $0x3  }
0x60: {  	v3 =	vand.u32 $0x7, v3;
	v4 =	vand.u32 $0xFFFFFFC0, v63  }
0x61: {  	v3 =	vor.u32 v3, v4  }
0x62: {  	v4 =	vperm.xlane v3, v0;
	_ =	sdelay $0x1  }
0x63: {  	v4 =	vadd.s32 v1, v4;
	_ =	sdelay $0x4  }
0x64: {  	[tilespmem:s23], [sflag:$0x1] =	stream.indirect_vreg.gather [hbm4b:s2+s3], $0x80, v4, vm0, $0xb8;
	[tilespmem:$0x10080] =	vst v63  }
0x65: {  	v3 =	vperm.xlane v3, v2  }
0x66: {  	[tilespmem:s24], [sflag:$0x1] =	stream.indirect_vreg.gather [hbm4b:s4+s3], $0x80, v4, vm0, $0xb8;
	[tilespmem:$0x10080] =	vst v63  }
0x67: {  	v3 =	vadd.s32 v1, v3  }
0x68: {  	[tilespmem:s25], [sflag:$0x1] =	stream.indirect_vreg.gather [hbm4b:s5+s3], $0x80, v4, vm0, $0xb8;
	[tilespmem:$0x10080] =	vst v63  }
0x69: {  	_ = 	snop  }
0x6a: {  	[tilespmem:s26], [sflag:$0x1] =	stream.indirect_vreg.gather [hbm4b:s6+s3], $0x80, v4, vm0, $0xb8;
	[tilespmem:$0x10080] =	vst v63  }
0x6b: {  	_ = 	snop  }
0x6c: {  	[tilespmem:s28], [sflag:$0x1] =	stream.indirect_vreg.gather [hbm4b:s2+s3], $0x80, v3, vm0, $0xb8;
	[tilespmem:$0x10080] =	vst v63  }
0x6d: {  	_ = 	snop  }
0x6e: {  	[tilespmem:s29], [sflag:$0x1] =	stream.indirect_vreg.gather [hbm4b:s4+s3], $0x80, v3, vm0, $0xb8;
	[tilespmem:$0x10080] =	vst v63  }
0x6f: {  	_ = 	snop  }
0x70: {  	[tilespmem:s30], [sflag:$0x1] =	stream.indirect_vreg.gather [hbm4b:s5+s3], $0x80, v3, vm0, $0xb8;
	[tilespmem:$0x10080] =	vst v63  }
0x71: {  	_ = 	snop  }
0x72: {  	[tilespmem:s31], [sflag:$0x1] =	stream.indirect_vreg.gather [hbm4b:s6+s3], $0x80, v3, vm0, $0xb8;
	[tilespmem:$0x10080] =	vst v63  }
0x73: {  	_ =	swait.ge [sflag:s1], $0x10000  }
0x74: {  	p0 =	sne.s32 s7, $0x1;
	[sflag:s1] =	ssyncset.done $0x0  }
.Ltmp0:
0x75: {  	s10 =	rddreg [dreg:$0x4];
	[sflag:s1] =	ssyncadd.s32 $0xFFFF0000;
	(pc) =	sbr.rel @p0 .LBB2_1-.Ltmp0, $4  }
0x76: {  	[hbm4b:s10+s3] =	stream.linear.scatter [tilespmem:s9], [sflag:$0x2], $0x10000, $0x38;
	[tilespmem:$0x10080] =	vst v63  }
0x77: {  	_ =	swait.ge [sflag:s8], $0x10000  }
0x78: {  	[sflag:s8] =	ssyncset.done $0x0  }
0x79: {  	s7 =	sadd.s32 $0xFFFFFFFF, s7;
	[sflag:s8] =	ssyncadd.s32 $0xFFFF0000  }
0x7a: {  	_ =	sfence.sel $0x180000  }
0x7b: {  	[bflag:$0x0] =	sbarrier.arrive $0xFFFF  }
0x7c: {  	_ =	strace $0x90000047  }
0x7d: {  	s0 =	stileid.u32;
	[bflag:$0x2] =	sbarrier.arrive $0xFFFF  }
0x7e: {  	p0 =	sne.s32 s0, $0x0;
	s0 =	rddreg [dreg:$0x2]  }
0x7f: {  	s0 =	sadd.s32 @!p0 $0x100000, s0  }
0x80: {  	[sflag:s0] =	ssyncadd.tile.s32 @!p0 $0x1;
	_ =	shalt  }
.Lfunc_end2:
_tile_overlayer_lowered:
.L_overlay_start_2:
0x81: {  	(tag) =	ssettag $0x2  }
0x82: {  	s0 =	rddreg [dreg:$0x0];
	s2 =	stileid.u32  }
0x83: {  	s1 =	rddreg [dreg:$0x1];
	p0 =	sne.s32 s2, $0x0  }
0x84: {  	s3 =	rddreg [dreg:$0x2];
	[bflag:$0x3] =	sbarrier.arrive $0xFFFF;
	s2 =	simm.s32 @!p0 $0x1C02  }
0x85: {  	[timem:s3], [sflag:s2] =	dma.local @!p0 [hbm:s0], s1  }
0x86: {  	s0 =	simm.s32 @!p0 $0x2  }
0x87: {  	_ =	swait.ge @!p0 [sflag:s0], s1  }
0x88: {  	s1 =	ssub.s32 @!p0 $0x0, s1;
	[sflag:s0] =	ssyncset.done @!p0 $0x0  }
0x89: {  	[sflag:s0] =	ssyncadd.s32 @!p0 s1  }
0x8a: {  	[bflag:$0x3] =	sbarrier.arrive $0xFFFF  }
0x8b: {  	_ =	shalt  }

// kernel: kernel.15.cloned.1.call-start
scs
__scs_entry_jumppad:
0x0: {  	(pc) =	sbr.rel $0x88, $3  }
0x1: {  	(tag) =	ssettag $0x0;
	lr =	simm.s32 $0x1  }
0x2: {  	[smem:$0x3F9B] =	sst lr;
	_ =	strace $0xD0000000  }
0x3: {  	_ = 	snop  }
0x4: {  	_ = 	snop  }
0x5: {  	_ = 	snop  }
0x6: {  	_ = 	snop  }
0x7: {  	_ = 	snop  }
__scs_overlays_trampoline_lowered:
0x8: {  	[smem:$0x3FAA] =	sst s0  }
0x9: {  	[smem:$0x3FAB] =	sst s1  }
0xa: {  	[smem:$0x3FAC] =	sst s2  }
0xb: {  	[smem:$0x3FAD] =	sst s3  }
0xc: {  	[smem:$0x3FAE] =	sst s4  }
0xd: {  	[smem:$0x3FAF] =	sst s5  }
0xe: {  	[smem:$0x3FB0] =	sst s6  }
0xf: {  	[smem:$0x3FB1] =	sst s7  }
0x10: {  	[smem:$0x3FB2] =	sst s8  }
0x11: {  	[smem:$0x3FB3] =	sst s9;
	s0 =	simm.s32 @!p0 $0x0  }
0x12: {  	s1 =	sld [smem:$0x3F99];
	s0 =	simm.s32 @p0 $0x1  }
0x13: {  	[smem:$0x3FB4] =	sst s0;
	s0 =	simm.s32 @!p1 $0x0  }
0x14: {  	s2 =	sld [smem:$0x3F98];
	s0 =	simm.s32 @p1 $0x1  }
0x15: {  	[smem:$0x3FB5] =	sst s0;
	s0 =	simm.s32 @!p2 $0x0  }
0x16: {  	s3 =	sld [smem:$0x3FDB];
	s0 =	simm.s32 @p2 $0x1  }
0x17: {  	s4 =	simm.s32 $0x1BF5;
	[smem:$0x3FB7] =	sst s0  }
0x18: {  	s0 =	sld [smem:$0x3F9A];
	_ =	swait.ge [sflag:s4], $0x0  }
0x19: {  	s7 =	sld [smem:$0x3F9B]  }
0x1a: {  	s8 =	sadd.s32 $0xFFFFE003, lr  }
0x1b: {  	s9 =	sadd.s32 $0xFFFFFEF7, lr;
	s5 =	simm.s32 $0xFFFFFFFF;
	p2 =	slt.u32 s8, $0xFFFFF086  }
0x1c: {  	p1 =	slt.u32 s9, $0xF7A;
	s5 =	simm.s32 @!p2 $0x0  }
0x1d: {  	s5 =	simm.s32 @p1 $0x1;
	p0 =	seq.s32 s7, s2  }
0x1e: {  	s7 =	smul.u32 @!p0 $0xF7A, s2;
	p2 =	seq.s32 @!p0 s5, $0x0  }
0x1f: {  	s9 =	smul.u32 $0xF7A, s1;
	s8 =	simm.s32 @!p0 $0x1BF5;
	p2 =	por !p2, p0  }
0x20: {  	[sflag:s8] =	ssyncset.s32 @!p0 $0xFFFFF086;
	s6 =	sadd.s32 @!p0 s3, s7;
	s7 =	simm.s32 @!p0 $0x108  }
0x21: {  	s3 =	sadd.s32 s3, s9;
	s6 =	sadd.s32 @!p0 $0x88, s6;
	s7 =	simm.s32 @p2 $0x1082  }
0x22: {  	[simem:s7], [sflag:s8] =	dma.local @!p0 [hbm:s6], $0xF7A  }
0x23: {  	s9 =	sor.u32 $0xD0000000, s2;
	s6 =	simm.s32 $0x108;
	_ =	swait.ge @!p0 [sflag:s8], $0x0  }
0x24: {  	s3 =	sadd.s32 $0x88, s3;
	s6 =	simm.s32 @!p1 $0x1082;
	[sflag:s4] =	ssyncset.s32 $0xFFFFF086  }
0x25: {  	[simem:s6], [sflag:s4] =	dma.local [hbm:s3], $0xF7A  }
0x26: {  	[smem:$0x3F9B] =	sst s1;
	(tag) =	ssettag s2;
	_ =	strace s9  }
0x27: {  	s1 =	sld [smem:$0x3FAB]  }
0x28: {  	s2 =	sld [smem:$0x3FAC]  }
0x29: {  	s4 =	sld [smem:$0x3FAE]  }
0x2a: {  	p0 =	seq.s32 s5, $0x0;
	s5 =	sld [smem:$0x3FAF]  }
0x2b: {  	s6 =	sld [smem:$0x3FB0]  }
0x2c: {  	s7 =	sld [smem:$0x3FB1]  }
0x2d: {  	s3 =	simm.s32 $0x108;
	s8 =	sld [smem:$0x3FB2]  }
0x2e: {  	s3 =	simm.s32 @!p0 $0x1082;
	s9 =	sld [smem:$0x3FB3]  }
0x2f: {  	lr =	sadd.s32 s0, s3;
	s0 =	sld [smem:$0x3FAA]  }
0x30: {  	s3 =	sld [smem:$0x3FAD]  }
0x31: {  	[smem:$0x3FB6] =	sst s10  }
0x32: {  	s10 =	sld [smem:$0x3FB4];
	_ =	sdelay $0x3  }
0x33: {  	p0 =	seq.s32 s10, $0x1;
	s10 =	sld [smem:$0x3FB6];
	_ =	sdelay $0x3  }
0x34: {  	[smem:$0x3FB6] =	sst s10  }
0x35: {  	s10 =	sld [smem:$0x3FB5];
	_ =	sdelay $0x3  }
0x36: {  	p1 =	seq.s32 s10, $0x1;
	s10 =	sld [smem:$0x3FB6];
	_ =	sdelay $0x3  }
0x37: {  	[smem:$0x3FB6] =	sst s10  }
0x38: {  	s10 =	sld [smem:$0x3FB7]  }
0x39: {  	_ = 	snop;
	(pc) =	sbr.ind lr, $3  }
0x3a: {  	_ = 	snop  }
0x3b: {  	_ = 	snop  }
0x3c: {  	p2 =	seq.s32 s10, $0x1;
	s10 =	sld [smem:$0x3FB6]  }
0x3d: {  	_ =	shalt  }
0x3e: {  	_ =	shalt  }
0x3f: {  	_ =	shalt  }
0x40: {  	_ =	shalt  }
0x41: {  	_ =	shalt  }
0x42: {  	_ =	shalt  }
0x43: {  	_ =	shalt  }
0x44: {  	_ =	shalt  }
0x45: {  	_ =	shalt  }
0x46: {  	_ =	shalt  }
0x47: {  	_ =	shalt  }
0x48: {  	_ =	shalt  }
0x49: {  	_ =	shalt  }
0x4a: {  	_ =	shalt  }
0x4b: {  	_ =	shalt  }
0x4c: {  	_ =	shalt  }
0x4d: {  	_ =	shalt  }
0x4e: {  	_ =	shalt  }
0x4f: {  	_ =	shalt  }
0x50: {  	_ =	shalt  }
0x51: {  	_ =	shalt  }
0x52: {  	_ =	shalt  }
0x53: {  	_ =	shalt  }
0x54: {  	_ =	shalt  }
0x55: {  	_ =	shalt  }
0x56: {  	_ =	shalt  }
0x57: {  	_ =	shalt  }
0x58: {  	_ =	shalt  }
0x59: {  	_ =	shalt  }
0x5a: {  	_ =	shalt  }
0x5b: {  	_ =	shalt  }
0x5c: {  	_ =	shalt  }
0x5d: {  	_ =	shalt  }
0x5e: {  	_ =	shalt  }
0x5f: {  	_ =	shalt  }
0x60: {  	_ =	shalt  }
0x61: {  	_ =	shalt  }
0x62: {  	_ =	shalt  }
0x63: {  	_ =	shalt  }
0x64: {  	_ =	shalt  }
0x65: {  	_ =	shalt  }
0x66: {  	_ =	shalt  }
0x67: {  	_ =	shalt  }
0x68: {  	_ =	shalt  }
0x69: {  	_ =	shalt  }
0x6a: {  	_ =	shalt  }
0x6b: {  	_ =	shalt  }
0x6c: {  	_ =	shalt  }
0x6d: {  	_ =	shalt  }
0x6e: {  	_ =	shalt  }
0x6f: {  	_ =	shalt  }
0x70: {  	_ =	shalt  }
0x71: {  	_ =	shalt  }
0x72: {  	_ =	shalt  }
0x73: {  	_ =	shalt  }
0x74: {  	_ =	shalt  }
0x75: {  	_ =	shalt  }
0x76: {  	_ =	shalt  }
0x77: {  	_ =	shalt  }
0x78: {  	_ =	shalt  }
0x79: {  	_ =	shalt  }
0x7a: {  	_ =	shalt  }
0x7b: {  	_ =	shalt  }
0x7c: {  	_ =	shalt  }
0x7d: {  	_ =	shalt  }
0x7e: {  	_ =	shalt  }
0x7f: {  	_ =	shalt  }
0x80: {  	_ =	shalt  }
0x81: {  	_ =	shalt  }
0x82: {  	_ =	shalt  }
0x83: {  	_ =	shalt  }
0x84: {  	_ =	shalt  }
0x85: {  	_ =	shalt  }
0x86: {  	_ =	shalt  }
0x87: {  	_ =	shalt  }
.Lfunc_end0:
.L_simem_size_0:
called_computation.1_lowered:
.L_overlay_start_0:
0x88: {  	s2 =	sld [smem:$0x3FD9]  }
0x89: {  	s3 =	sld [smem:$0x3FFE];
	_ =	sdelay $0x1  }
0x8a: {  	s1 =	srdreg.scid  }
0x8b: {  	s0 =	sand.u32 $0x1, s1  }
0x8c: {  	s17 =	sshll.u32 s0, $0xA;
	s2 =	sadd.s32 s3, s2  }
0x8d: {  	s2 =	sadd.s32 s2, s17  }
0x8e: {  	[smem:$0x3FC2] =	sst s2  }
0x8f: {  	_ = 	snop  }
0x90: {  	s2 =	sld [smem:$0x3FD0];
	(tm) =	ssettm $0x1  }
0x91: {  	s18 =	sld [smem:$0x3FFB];
	_ =	sdelay $0x3  }
0x92: {  	_ =	strace s18  }
0x93: {  	s3 =	sld [smem:$0x3FFC];
	_ =	sdelay $0x3  }
0x94: {  	_ =	strace s3  }
0x95: {  	s3 =	sld [smem:$0x3FFD];
	_ =	sdelay $0x3  }
0x96: {  	_ =	strace s3  }
0x97: {  	_ =	strace $0x8FFFFFFF  }
0x98: {  	s19 =	sld [smem:$0x3FDB];
	_ =	sdelay $0x1  }
0x99: {  	s4 =	simm.s32 $_scs_section_size  }
0x9a: {  	s5 =	simm.s32 $_size__tile_overlayer_lowered;
	s6 =	simm.s32 $_tile_overlayer_lowered  }
0x9b: {  	s22 =	simm.s32 $0x1BFF;
	s21 =	sshll.u32 s6, $0x1;
	s3 =	sadd.s32 s4, s19  }
0x9c: {  	s7 =	simm.s32 $0x0;
	s20 =	sshll.u32 s5, $0x1;
	s5 =	sadd.s32 s21, s3  }
0x9d: {  	[timem:s7], [sflag:s22] =	dma.local [hbm:s5], s20  }
0x9e: {  	_ =	swait.ge [sflag:s22], s20  }
0x9f: {  	s4 =	ssub.s32 $0x0, s20;
	[sflag:s22] =	ssyncset.done $0x0  }
0xa0: {  	[sflag:s22] =	ssyncadd.s32 s4;
	_ =	sdelay $0x1  }
0xa1: {  	s23 =	simm.s32 $0x1B8B  }
0xa2: {  	_ =	swait.ge [sflag:s23], $0x1  }
0xa3: {  	[sflag:s23] =	ssyncset.done $0x0  }
0xa4: {  	s25 =	simm.s32 $0x1B8E;
	s24 =	sld [smem:$0x3FFE];
	[sflag:s23] =	ssyncadd.s32 $0xFFFFFFFF  }
0xa5: {  	s26 =	simm.s32 $execute0_lowered;
	[smem:$0x3FD2] =	sst s25  }
0xa6: {  	s5 =	sshll.u32 s26, $0x1;
	_ =	strace $0x80000049;
	[dreg:$0x1] =	wrdreg $0xFFFFFFFF  }
0xa7: {  	s28 =	simm.s32 $_size_execute0_lowered;
	s3 =	sadd.s32 s3, s5;
	[dreg:$0x0] =	wrdreg $0x0  }
0xa8: {  	s5 =	sshll.u32 s28, $0x1;
	[dreg:$0x2] =	wrdreg s3  }
0xa9: {  	[dreg:$0x3] =	wrdreg s5  }
0xaa: {  	[dreg:$0x4] =	wrdreg $0xC0  }
0xab: {  	_ =	task [dreg:s7], $0x5FFFF  }
0xac: {  	[dreg:$0x1] =	wrdreg $0xFFFFFFFF  }
0xad: {  	[dreg:$0x0] =	wrdreg $0x60  }
0xae: {  	[dreg:$0x2] =	wrdreg s24  }
0xaf: {  	[dreg:$0x3] =	wrdreg s2  }
0xb0: {  	[dreg:$0x4] =	wrdreg $0x9  }
0xb1: {  	_ =	task.clear_ibuf [dreg:s7], $0x5FFFF;
	_ =	strace $0x90000049  }
0xb2: {  	s29 =	simm.s32 $0x9;
	_ =	strace $0x8000004B  }
0xb3: {  	_ =	swait.ge [sflag:s29], $0x1  }
0xb4: {  	[sflag:s29] =	ssyncadd.s32 $0xFFFFFFFF  }
0xb5: {  	_ =	strace $0x9000004B  }
0xb6: {  	_ =	sfence  }
0xb7: {  	s30 =	sld [smem:$0x0];
	_ =	sdelay $0x2  }
0xb8: {  	s31 =	sshll.u32 s1, $0xD;
	s1 =	sshrl.u32 s1, $0x2  }
0xb9: {  	s3 =	sand.u32 $0x4000, s31;
	s1 =	sadd.s32 s1, s30  }
0xba: {  	s0 =	sor.u32 s3, s0;
	s1 =	sshll.u32 s1, $0x11  }
0xbb: {  	s0 =	sor.u32 s1, s0  }
0xbc: {  	s0 =	sadd.s32 $0x8F2B, s0  }
0xbd: {  	[sflag:s0] =	ssyncadd.remote.s32 $0x1  }
0xbe: {  	_ =	sfence.sel $0xFFFF  }
0xbf: {  	[dreg:$0x0] =	wrdreg $0xFFFFFFFF;
	(pc) =	sbr.abs _section_cstart, $3  }
0xc0: {  	[dreg:$0x1] =	wrdreg $0xFFFFFFFF  }
0xc1: {  	_ =	task.clear_ibuf [dreg:s7], $0x2FFFF;
	_ =	strace $0x9FFFFFFF  }
0xc2: {  	(tm) =	ssettm $0x7FFFFFFF  }
0xc3: {  	_ =	shalt  }
tec
execute0_lowered:
.L_overlay_start_1:
0x0: {  	(tag) =	ssettag $0x1  }
0x1: {  	s0 =	rddreg [dreg:$0x0]  }
0x2: {  	s1 =	rddreg [dreg:$0x1];
	s3 =	simm.s32 $0x0;
	s4 =	srdreg.scid  }
0x3: {  	s2 =	stileid.u32;
	[smem:$0x7FF] =	sst s3;
	s10 =	sadd.s32 $0x42800, s0  }
0x4: {  	s14 =	simm.s32 $0x880;
	_ =	strace $0x8000004A;
	[dreg:$0x3] =	wrdreg s10  }
0x5: {  	s15 =	simm.s32 $0x1080;
	s16 =	simm.s32 $0x1880;
	[dreg:$0x9] =	wrdreg s14  }
0x6: {  	s17 =	simm.s32 $0x2080;
	s18 =	simm.s32 $0x2880;
	[dreg:$0xa] =	wrdreg s15  }
0x7: {  	s20 =	simm.s32 $0x3080;
	s22 =	simm.s32 $0x3880;
	[dreg:$0xb] =	wrdreg s16  }
0x8: {  	s23 =	simm.s32 $0x4080;
	s24 =	simm.s32 $0x4880;
	[dreg:$0xc] =	wrdreg s17  }
0x9: {  	s25 =	simm.s32 $0x5080;
	s26 =	simm.s32 $0x5880;
	[dreg:$0xd] =	wrdreg s18  }
0xa: {  	s28 =	simm.s32 $0xE080;
	s29 =	simm.s32 $0xE880;
	[dreg:$0xe] =	wrdreg s20  }
0xb: {  	s30 =	simm.s32 $0xF080;
	s31 =	simm.s32 $0xF880;
	[dreg:$0xf] =	wrdreg s22  }
0xc: {  	s5 =	sand.u32 $0x1, s4;
	s6 =	sshll.u32 s2, $0xF;
	[dreg:$0x10] =	wrdreg s23  }
0xd: {  	s8 =	sshll.u32 s2, $0x6;
	s4 =	sshll.u32 s5, $0x13;
	[dreg:$0x11] =	wrdreg s24  }
0xe: {  	s7 =	sshll.u32 s5, $0xA;
	s5 =	ssub.s32 $0x2, s5;
	[dreg:$0x12] =	wrdreg s25  }
0xf: {  	s10 =	simm.s32 $0x2;
	[dreg:$0x13] =	wrdreg s26;
	s14 =	simm.s32 $0x7880  }
0x10: {  	s15 =	simm.s32 $0x8080;
	s16 =	simm.s32 $0x8880;
	s17 =	simm.s32 $0x9080  }
0x11: {  	s18 =	simm.s32 $0x9880;
	s20 =	simm.s32 $0xA880;
	s22 =	simm.s32 $0xB880  }
0x12: {  	s23 =	simm.s32 $0xC080;
	s24 =	simm.s32 $0xC880;
	s25 =	simm.s32 $0xD080  }
0x13: {  	s26 =	simm.s32 $0xD880;
	s4 =	sor.u32 s6, s4;
	s9 =	sor.u32 s8, s7  }
0x14: {  	s19 =	sshrl.u32 s5, $0x1;
	s7 =	sadd.s32 $0x300, s1;
	s4 =	sadd.s32 s1, s4  }
0x15: {  	s8 =	sshll.u32 s9, $0x7;
	s6 =	sshrl.u32 s9, $0x3;
	s21 =	ssub.s32 s5, s19  }
0x16: {  	s5 =	sadd.s32 $0x100, s1;
	s9 =	simm.s32 $0x80;
	s19 =	simm.s32 $0xA080  }
0x17: {  	s11 =	sadd.s32 $0x2000, s4;
	s12 =	sadd.s32 $0x4000, s4;
	s6 =	sadd.s32 s6, s0  }
0x18: {  	s13 =	sadd.s32 $0x6000, s4;
	s0 =	sadd.s32 s8, s0;
	[dreg:$0x4] =	wrdreg s11  }
0x19: {  	s8 =	smax.u32 s21, $0x1;
	s21 =	simm.s32 $0xB080;
	[dreg:$0x5] =	wrdreg s12  }
0x1a: {  	v2 =	vlaneseq.u32;
	[dreg:$0x6] =	wrdreg s13;
	s6 =	sadd.s32 $0x2600, s6;
	s0 =	sadd.s32 $0x2800, s0  }
0x1b: {  	vm0 =	vmmov $0xffff;
	v1 =	vshrl.u32 v2, $0x3;
	s12 =	simm.s32 $0x6880;
	s13 =	simm.s32 $0x7080;
	[dreg:$0x7] =	wrdreg s6  }
0x1c: {  	v0 =	vand.u32 $0x7, v2;
	v2 =	vor.u32 $0x8, v2;
	v1 =	vmul.u32 $0x8, v1;
	[dreg:$0x8] =	wrdreg s0;
	s6 =	sadd.s32 $0x200, s1;
	s0 =	simm.s32 $0x1  }
.LBB2_1:
0x1d: {  	s2 =	rddreg [dreg:$0x3]  }
0x1e: {  	[tilespmem:s9], [sflag:$0x2] =	stream.linear.gather [hbm4b:s2+s3], $0x10000, $0x38;
	[tilespmem:$0x10080] =	vst v63  }
0x1f: {  	_ =	swait.ge [sflag:s10], $0x10000  }
0x20: {  	[sflag:s10] =	ssyncset.done $0x0  }
0x21: {  	[sflag:s10] =	ssyncadd.s32 $0xFFFF0000  }
0x22: {  	[hbm4b:s4+s3] =	stream.linear.scatter [tilespmem:s9], [sflag:$0x2], $0x10000, $0x38;
	[tilespmem:$0x10080] =	vst v63  }
0x23: {  	_ =	swait.ge [sflag:s10], $0x10000  }
0x24: {  	[sflag:s10] =	ssyncset.done $0x0  }
0x25: {  	s11 =	rddreg [dreg:$0x4];
	[sflag:s10] =	ssyncadd.s32 $0xFFFF0000  }
0x26: {  	[hbm4b:s11+s3] =	stream.linear.scatter [tilespmem:s9], [sflag:$0x2], $0x10000, $0x38;
	[tilespmem:$0x10080] =	vst v63  }
0x27: {  	_ =	swait.ge [sflag:s10], $0x10000  }
0x28: {  	[sflag:s10] =	ssyncset.done $0x0  }
0x29: {  	s11 =	rddreg [dreg:$0x5];
	[sflag:s10] =	ssyncadd.s32 $0xFFFF0000  }
0x2a: {  	[hbm4b:s11+s3] =	stream.linear.scatter [tilespmem:s9], [sflag:$0x2], $0x10000, $0x38;
	[tilespmem:$0x10080] =	vst v63  }
0x2b: {  	_ =	swait.ge [sflag:s10], $0x10000  }
0x2c: {  	[sflag:s10] =	ssyncset.done $0x0  }
0x2d: {  	s11 =	rddreg [dreg:$0x6];
	[sflag:s10] =	ssyncadd.s32 $0xFFFF0000  }
0x2e: {  	[hbm4b:s11+s3] =	stream.linear.scatter [tilespmem:s9], [sflag:$0x2], $0x10000, $0x38;
	[tilespmem:$0x10080] =	vst v63  }
0x2f: {  	_ =	swait.ge [sflag:s10], $0x10000  }
0x30: {  	[sflag:s10] =	ssyncset.done $0x0  }
0x31: {  	[sflag:s10] =	ssyncadd.s32 $0xFFFF0000  }
0x32: {  	[bflag:$0x0] =	sbarrier.arrive $0xFFFF  }
0x33: {  	s11 =	rddreg [dreg:$0x7]  }
0x34: {  	[tilespmem:s3], [sflag:$0x2] =	stream.linear.gather [hbm4b:s11+s3], $0x40, $0x38;
	[tilespmem:$0x10080] =	vst v63  }
0x35: {  	_ =	swait.ge [sflag:s10], $0x40  }
0x36: {  	[sflag:s10] =	ssyncset.done $0x0  }
0x37: {  	s11 =	rddreg [dreg:$0x8];
	[sflag:s10] =	ssyncadd.s32 $0xFFFFFFC0  }
0x38: {  	[tilespmem:s9], [sflag:$0x2] =	stream.linear.gather [hbm4b:s11+s3], $0x10000, $0x38;
	[tilespmem:$0x10080] =	vst v63  }
0x39: {  	_ =	swait.ge [sflag:s10], $0x10000  }
0x3a: {  	[sflag:s10] =	ssyncset.done $0x0  }
0x3b: {  	[sflag:s10] =	ssyncadd.s32 $0xFFFF0000  }
0x3c: {  	v3 =	vld [tilespmem:$0x0];
	_ =	sdelay $0x4  }
0x3d: {  	v4 =	vshll.u32 v3, $0x3  }
0x3e: {  	v3 =	vand.u32 $0x7, v3;
	v4 =	vand.u32 $0xFFFFFFC0, v4  }
0x3f: {  	v3 =	vor.u32 v3, v4  }
0x40: {  	v4 =	vperm.xlane v3, v0;
	_ =	sdelay $0x1  }
0x41: {  	v4 =	vadd.s32 v1, v4;
	_ =	sdelay $0x4  }
0x42: {  	[hbm4b:s1+s3] =	stream.indirect_vreg.scatter [tilespmem:s9], [sflag:$0x1], $0x80, v4, vm0, $0xb8;
	[tilespmem:$0x10080] =	vst v63  }
0x43: {  	s2 =	rddreg [dreg:$0x9];
	v3 =	vperm.xlane v3, v2  }
0x44: {  	[hbm4b:s5+s3] =	stream.indirect_vreg.scatter [tilespmem:s2], [sflag:$0x1], $0x80, v4, vm0, $0xb8;
	[tilespmem:$0x10080] =	vst v63  }
0x45: {  	s11 =	rddreg [dreg:$0xa];
	v3 =	vadd.s32 v1, v3  }
0x46: {  	[hbm4b:s6+s3] =	stream.indirect_vreg.scatter [tilespmem:s11], [sflag:$0x1], $0x80, v4, vm0, $0xb8;
	[tilespmem:$0x10080] =	vst v63  }
0x47: {  	s2 =	rddreg [dreg:$0xb]  }
0x48: {  	[hbm4b:s7+s3] =	stream.indirect_vreg.scatter [tilespmem:s2], [sflag:$0x1], $0x80, v4, vm0, $0xb8;
	[tilespmem:$0x10080] =	vst v63  }
0x49: {  	s11 =	rddreg [dreg:$0xc]  }
0x4a: {  	[hbm4b:s1+s3] =	stream.indirect_vreg.scatter [tilespmem:s11], [sflag:$0x1], $0x80, v3, vm0, $0xb8;
	[tilespmem:$0x10080] =	vst v63  }
0x4b: {  	s2 =	rddreg [dreg:$0xd]  }
0x4c: {  	[hbm4b:s5+s3] =	stream.indirect_vreg.scatter [tilespmem:s2], [sflag:$0x1], $0x80, v3, vm0, $0xb8;
	[tilespmem:$0x10080] =	vst v63  }
0x4d: {  	s11 =	rddreg [dreg:$0xe]  }
0x4e: {  	[hbm4b:s6+s3] =	stream.indirect_vreg.scatter [tilespmem:s11], [sflag:$0x1], $0x80, v3, vm0, $0xb8;
	[tilespmem:$0x10080] =	vst v63  }
0x4f: {  	s2 =	rddreg [dreg:$0xf]  }
0x50: {  	[hbm4b:s7+s3] =	stream.indirect_vreg.scatter [tilespmem:s2], [sflag:$0x1], $0x80, v3, vm0, $0xb8;
	[tilespmem:$0x10080] =	vst v63  }
0x51: {  	v3 =	vld [tilespmem:$0x10];
	_ =	sdelay $0x4  }
0x52: {  	v61 =	vshll.u32 v3, $0x3  }
0x53: {  	v3 =	vand.u32 $0x7, v3;
	v4 =	vand.u32 $0xFFFFFFC0, v61  }
0x54: {  	v3 =	vor.u32 v3, v4  }
0x55: {  	v4 =	vperm.xlane v3, v0;
	_ =	sdelay $0x1  }
0x56: {  	v4 =	vadd.s32 v1, v4;
	_ =	sdelay $0x3  }
0x57: {  	s2 =	rddreg [dreg:$0x10]  }
0x58: {  	[hbm4b:s1+s3] =	stream.indirect_vreg.scatter [tilespmem:s2], [sflag:$0x1], $0x80, v4, vm0, $0xb8;
	[tilespmem:$0x10080] =	vst v63  }
0x59: {  	s11 =	rddreg [dreg:$0x11];
	v3 =	vperm.xlane v3, v2  }
0x5a: {  	[hbm4b:s5+s3] =	stream.indirect_vreg.scatter [tilespmem:s11], [sflag:$0x1], $0x80, v4, vm0, $0xb8;
	[tilespmem:$0x10080] =	vst v63  }
0x5b: {  	v3 =	vadd.s32 v1, v3;
	s2 =	rddreg [dreg:$0x12]  }
0x5c: {  	[hbm4b:s6+s3] =	stream.indirect_vreg.scatter [tilespmem:s2], [sflag:$0x1], $0x80, v4, vm0, $0xb8;
	[tilespmem:$0x10080] =	vst v63  }
0x5d: {  	s11 =	rddreg [dreg:$0x13]  }
0x5e: {  	[hbm4b:s7+s3] =	stream.indirect_vreg.scatter [tilespmem:s11], [sflag:$0x1], $0x80, v4, vm0, $0xb8;
	[tilespmem:$0x10080] =	vst v63  }
0x5f: {  	s11 =	simm.s32 $0x6080  }
0x60: {  	[hbm4b:s1+s3] =	stream.indirect_vreg.scatter [tilespmem:s11], [sflag:$0x1], $0x80, v3, vm0, $0xb8;
	[tilespmem:$0x10080] =	vst v63  }
0x61: {  	_ = 	snop  }
0x62: {  	[hbm4b:s5+s3] =	stream.indirect_vreg.scatter [tilespmem:s12], [sflag:$0x1], $0x80, v3, vm0, $0xb8;
	[tilespmem:$0x10080] =	vst v63  }
0x63: {  	_ = 	snop  }
0x64: {  	[hbm4b:s6+s3] =	stream.indirect_vreg.scatter [tilespmem:s13], [sflag:$0x1], $0x80, v3, vm0, $0xb8;
	[tilespmem:$0x10080] =	vst v63  }
0x65: {  	_ = 	snop  }
0x66: {  	[hbm4b:s7+s3] =	stream.indirect_vreg.scatter [tilespmem:s14], [sflag:$0x1], $0x80, v3, vm0, $0xb8;
	[tilespmem:$0x10080] =	vst v63  }
0x67: {  	v3 =	vld [tilespmem:$0x20];
	_ =	sdelay $0x4  }
0x68: {  	v62 =	vshll.u32 v3, $0x3  }
0x69: {  	v3 =	vand.u32 $0x7, v3;
	v4 =	vand.u32 $0xFFFFFFC0, v62  }
0x6a: {  	v3 =	vor.u32 v3, v4  }
0x6b: {  	v4 =	vperm.xlane v3, v0;
	_ =	sdelay $0x1  }
0x6c: {  	v4 =	vadd.s32 v1, v4;
	_ =	sdelay $0x4  }
0x6d: {  	[hbm4b:s1+s3] =	stream.indirect_vreg.scatter [tilespmem:s15], [sflag:$0x1], $0x80, v4, vm0, $0xb8;
	[tilespmem:$0x10080] =	vst v63  }
0x6e: {  	v3 =	vperm.xlane v3, v2  }
0x6f: {  	[hbm4b:s5+s3] =	stream.indirect_vreg.scatter [tilespmem:s16], [sflag:$0x1], $0x80, v4, vm0, $0xb8;
	[tilespmem:$0x10080] =	vst v63  }
0x70: {  	v3 =	vadd.s32 v1, v3  }
0x71: {  	[hbm4b:s6+s3] =	stream.indirect_vreg.scatter [tilespmem:s17], [sflag:$0x1], $0x80, v4, vm0, $0xb8;
	[tilespmem:$0x10080] =	vst v63  }
0x72: {  	_ = 	snop  }
0x73: {  	[hbm4b:s7+s3] =	stream.indirect_vreg.scatter [tilespmem:s18], [sflag:$0x1], $0x80, v4, vm0, $0xb8;
	[tilespmem:$0x10080] =	vst v63  }
0x74: {  	_ = 	snop  }
0x75: {  	[hbm4b:s1+s3] =	stream.indirect_vreg.scatter [tilespmem:s19], [sflag:$0x1], $0x80, v3, vm0, $0xb8;
	[tilespmem:$0x10080] =	vst v63  }
0x76: {  	_ = 	snop  }
0x77: {  	[hbm4b:s5+s3] =	stream.indirect_vreg.scatter [tilespmem:s20], [sflag:$0x1], $0x80, v3, vm0, $0xb8;
	[tilespmem:$0x10080] =	vst v63  }
0x78: {  	_ = 	snop  }
0x79: {  	[hbm4b:s6+s3] =	stream.indirect_vreg.scatter [tilespmem:s21], [sflag:$0x1], $0x80, v3, vm0, $0xb8;
	[tilespmem:$0x10080] =	vst v63  }
0x7a: {  	_ = 	snop  }
0x7b: {  	[hbm4b:s7+s3] =	stream.indirect_vreg.scatter [tilespmem:s22], [sflag:$0x1], $0x80, v3, vm0, $0xb8;
	[tilespmem:$0x10080] =	vst v63  }
0x7c: {  	v3 =	vld [tilespmem:$0x30];
	_ =	sdelay $0x4  }
0x7d: {  	v63 =	vshll.u32 v3, $0x3  }
0x7e: {  	v3 =	vand.u32 $0x7, v3;
	v4 =	vand.u32 $0xFFFFFFC0, v63  }
0x7f: {  	v3 =	vor.u32 v3, v4  }
0x80: {  	v4 =	vperm.xlane v3, v0;
	_ =	sdelay $0x1  }
0x81: {  	v4 =	vadd.s32 v1, v4;
	_ =	sdelay $0x4  }
0x82: {  	[hbm4b:s1+s3] =	stream.indirect_vreg.scatter [tilespmem:s23], [sflag:$0x1], $0x80, v4, vm0, $0xb8;
	[tilespmem:$0x10080] =	vst v63  }
0x83: {  	v3 =	vperm.xlane v3, v2  }
0x84: {  	[hbm4b:s5+s3] =	stream.indirect_vreg.scatter [tilespmem:s24], [sflag:$0x1], $0x80, v4, vm0, $0xb8;
	[tilespmem:$0x10080] =	vst v63  }
0x85: {  	v3 =	vadd.s32 v1, v3  }
0x86: {  	[hbm4b:s6+s3] =	stream.indirect_vreg.scatter [tilespmem:s25], [sflag:$0x1], $0x80, v4, vm0, $0xb8;
	[tilespmem:$0x10080] =	vst v63  }
0x87: {  	_ = 	snop  }
0x88: {  	[hbm4b:s7+s3] =	stream.indirect_vreg.scatter [tilespmem:s26], [sflag:$0x1], $0x80, v4, vm0, $0xb8;
	[tilespmem:$0x10080] =	vst v63  }
0x89: {  	_ = 	snop  }
0x8a: {  	[hbm4b:s1+s3] =	stream.indirect_vreg.scatter [tilespmem:s28], [sflag:$0x1], $0x80, v3, vm0, $0xb8;
	[tilespmem:$0x10080] =	vst v63  }
0x8b: {  	_ = 	snop  }
0x8c: {  	[hbm4b:s5+s3] =	stream.indirect_vreg.scatter [tilespmem:s29], [sflag:$0x1], $0x80, v3, vm0, $0xb8;
	[tilespmem:$0x10080] =	vst v63  }
0x8d: {  	p0 =	sne.s32 s8, $0x1  }
0x8e: {  	[hbm4b:s6+s3] =	stream.indirect_vreg.scatter [tilespmem:s30], [sflag:$0x1], $0x80, v3, vm0, $0xb8;
	[tilespmem:$0x10080] =	vst v63  }
.Ltmp0:
0x8f: {  	_ = 	snop;
	(pc) =	sbr.rel @p0 .LBB2_1-.Ltmp0, $4  }
0x90: {  	[hbm4b:s7+s3] =	stream.indirect_vreg.scatter [tilespmem:s31], [sflag:$0x1], $0x80, v3, vm0, $0xb8;
	[tilespmem:$0x10080] =	vst v63  }
0x91: {  	_ =	swait.ge [sflag:s0], $0x10000  }
0x92: {  	[sflag:s0] =	ssyncset.done $0x0  }
0x93: {  	s8 =	sadd.s32 $0xFFFFFFFF, s8;
	[sflag:s0] =	ssyncadd.s32 $0xFFFF0000  }
0x94: {  	_ =	sfence.sel $0x180000  }
0x95: {  	[bflag:$0x0] =	sbarrier.arrive $0xFFFF  }
0x96: {  	_ =	strace $0x9000004A  }
0x97: {  	s0 =	stileid.u32;
	[bflag:$0x2] =	sbarrier.arrive $0xFFFF  }
0x98: {  	p0 =	sne.s32 s0, $0x0;
	s0 =	rddreg [dreg:$0x2]  }
0x99: {  	s0 =	sadd.s32 @!p0 $0x100000, s0  }
0x9a: {  	[sflag:s0] =	ssyncadd.tile.s32 @!p0 $0x1;
	_ =	shalt  }
.Lfunc_end2:
_tile_overlayer_lowered:
.L_overlay_start_2:
0x9b: {  	(tag) =	ssettag $0x2  }
0x9c: {  	s0 =	rddreg [dreg:$0x0];
	s2 =	stileid.u32  }
0x9d: {  	s1 =	rddreg [dreg:$0x1];
	p0 =	sne.s32 s2, $0x0  }
0x9e: {  	s3 =	rddreg [dreg:$0x2];
	[bflag:$0x3] =	sbarrier.arrive $0xFFFF;
	s2 =	simm.s32 @!p0 $0x1C02  }
0x9f: {  	[timem:s3], [sflag:s2] =	dma.local @!p0 [hbm:s0], s1  }
0xa0: {  	s0 =	simm.s32 @!p0 $0x2  }
0xa1: {  	_ =	swait.ge @!p0 [sflag:s0], s1  }
0xa2: {  	s1 =	ssub.s32 @!p0 $0x0, s1;
	[sflag:s0] =	ssyncset.done @!p0 $0x0  }
0xa3: {  	[sflag:s0] =	ssyncadd.s32 @!p0 s1  }
0xa4: {  	[bflag:$0x3] =	sbarrier.arrive $0xFFFF  }
0xa5: {  	_ =	shalt  }

</sc_bundles>
